<compile_context>
chip_gen: v7x
topology: tpu7x:2x2x1
jax: 0.10.2.dev20260603
libtpu: 0.0.44.dev20260713+nightly
codegen_flags: <defaults>
</compile_context>

<pallas_src>
import functools

import jax
import jax.numpy as jnp
from jax import lax
from jax.experimental import pallas as pl
from jax.experimental.pallas import tpu as pltpu
from jax.experimental.pallas import tpu_sc as plsc

L = 16
NC = 2
NS = 16
NW = NC * NS
R = 4
CHUNK = 4096


def _sc_partials(xs, indices, values, tidx, tval, bias1d, n_bat, n_in, n_out):
    nbg = n_bat // R
    splits = NW // nbg
    nnz = values.shape[0]
    n_full = nnz // CHUNK
    q = n_full // splits
    n_pairs = q // 2

    mesh = plsc.VectorSubcoreMesh(core_axis_name="c", subcore_axis_name="s")

    @functools.partial(
        pl.kernel,
        out_type=jax.ShapeDtypeStruct((splits * n_bat, n_out), jnp.float32),
        mesh=mesh,
        compiler_params=pltpu.CompilerParams(needs_layout_passes=False),
        scratch_types=[
            pltpu.VMEM((n_in,), jnp.int32),
            pltpu.VMEM((n_in,), jnp.int32),
            pltpu.VMEM((n_out,), jnp.float32),
            pltpu.VMEM((n_out,), jnp.float32),
            pltpu.VMEM((n_out,), jnp.float32),
            pltpu.VMEM((n_out,), jnp.float32),
            pltpu.VMEM((2, CHUNK), jnp.int32),
            pltpu.VMEM((CHUNK,), jnp.float32),
            pltpu.VMEM((2, CHUNK), jnp.int32),
            pltpu.VMEM((CHUNK,), jnp.float32),
            pltpu.SemaphoreType.DMA,
            pltpu.SemaphoreType.DMA,
            pltpu.SemaphoreType.DMA,
        ],
    )
    def spmm(xs_hbm, idx_hbm, val_hbm, tidx_hbm, tval_hbm, bias_hbm, out_hbm,
             x01, x23, a0, a1, a2, a3, ib0, vb0, ib1, vb1, sem0, sem1, sem2):
        ibufs, vbufs, sems = (ib0, ib1), (vb0, vb1), (sem0, sem1)
        accs = (a0, a1, a2, a3)
        wid = lax.axis_index("c") * NS + lax.axis_index("s")
        bg = wid % nbg
        sp = wid // nbg
        row0 = bg * R

        def start(ci, b):
            off = (ci * splits + sp) * CHUNK
            pltpu.async_copy(idx_hbm.at[:, pl.ds(off, CHUNK)], ibufs[b], sems[b])
            pltpu.async_copy(val_hbm.at[pl.ds(off, CHUNK)], vbufs[b], sems[b])

        def wait(ci, b):
            off = (ci * splits + sp) * CHUNK
            pltpu.make_async_copy(idx_hbm.at[:, pl.ds(off, CHUNK)], ibufs[b], sems[b]).wait()
            pltpu.make_async_copy(val_hbm.at[pl.ds(off, CHUNK)], vbufs[b], sems[b]).wait()

        @pl.when(jnp.bool_(n_pairs > 0))
        def _():
            start(0, 0)
            start(1, 1)

        half = jnp.full((L,), 0x7FFF, jnp.int32)
        one = jnp.full((L,), 1, jnp.int32)
        hi_mask = jnp.full((L,), -65536, jnp.int32)

        def rnd(f):
            b = plsc.bitcast(f, jnp.int32)
            return b + half + lax.bitwise_and(lax.shift_right_logical(b, 16), one)

        for j, a in enumerate(accs):
            pltpu.async_copy(xs_hbm.at[row0 + j], a, sem2)
        for j, a in enumerate(accs):
            pltpu.make_async_copy(xs_hbm.at[row0 + j], a, sem2).wait()

        for dst_ref, srcs in ((x01, (a0, a1)), (x23, (a2, a3))):
            @plsc.parallel_loop(0, n_in, step=L, unroll=4)
            def pack(o):
                hi = lax.bitwise_and(rnd(srcs[0][pl.ds(o, L)]), hi_mask)
                lo = lax.shift_right_logical(rnd(srcs[1][pl.ds(o, L)]), 16)
                dst_ref[pl.ds(o, L)] = lax.bitwise_or(hi, lo)

        @pl.when(sp == 0)
        def _():
            for a in accs:
                pltpu.sync_copy(bias_hbm, a)

        @pl.when(sp != 0)
        def _():
            zv = jnp.zeros((L,), jnp.float32)

            @plsc.parallel_loop(0, n_out, step=L, unroll=4)
            def zbody(o):
                for a in accs:
                    a[pl.ds(o, L)] = zv

        def compute(b):
            ibuf, vbuf = ibufs[b], vbufs[b]

            @plsc.parallel_loop(0, CHUNK, step=L, unroll=12)
            def grp(o):
                s_idx = ibuf[0, pl.ds(o, L)]
                d_idx = ibuf[1, pl.ds(o, L)]
                v = vbuf[pl.ds(o, L)]
                g01 = plsc.load_gather(x01, [s_idx])
                g23 = plsc.load_gather(x23, [s_idx])
                r0 = plsc.bitcast(lax.bitwise_and(g01, hi_mask), jnp.float32)
                r1 = plsc.bitcast(lax.shift_left(g01, 16), jnp.float32)
                r2 = plsc.bitcast(lax.bitwise_and(g23, hi_mask), jnp.float32)
                r3 = plsc.bitcast(lax.shift_left(g23, 16), jnp.float32)
                plsc.addupdate_scatter(a0, [d_idx], r0 * v)
                plsc.addupdate_scatter(a1, [d_idx], r1 * v)
                plsc.addupdate_scatter(a2, [d_idx], r2 * v)
                plsc.addupdate_scatter(a3, [d_idx], r3 * v)

        @pl.when(jnp.bool_(n_pairs > 0))
        def _():
            def chunk_pair(k, c):
                ci = k * 2
                wait(ci, 0)
                compute(0)

                @pl.when(ci + 2 < n_pairs * 2)
                def _():
                    start(ci + 2, 0)

                wait(ci + 1, 1)
                compute(1)

                @pl.when(ci + 3 < n_pairs * 2)
                def _():
                    start(ci + 3, 1)

                return c

            lax.fori_loop(0, n_pairs, chunk_pair, 0)

        for j in range(2 * n_pairs, (n_full + splits - 1) // splits):
            @pl.when(j * splits + sp < n_full)
            def _():
                b = j % 2
                start(j, b)
                wait(j, b)
                compute(b)

        @pl.when(sp == splits - 1)
        def _():
            pltpu.async_copy(tidx_hbm, ib0, sem0)
            pltpu.async_copy(tval_hbm, vb0, sem0)
            pltpu.make_async_copy(tidx_hbm, ib0, sem0).wait()
            pltpu.make_async_copy(tval_hbm, vb0, sem0).wait()
            compute(0)

        for j, a in enumerate(accs):
            pltpu.async_copy(a, out_hbm.at[sp * n_bat + row0 + j], sem2)
        for j, a in enumerate(accs):
            pltpu.make_async_copy(a, out_hbm.at[sp * n_bat + row0 + j], sem2).wait()

    return spmm(xs, indices, values, tidx, tval, bias1d)


def _tc_reduce(partials, splits, n_bat, n_out):
    blk = 2048

    def body(p_ref, o_ref):
        o_ref[...] = jnp.sum(p_ref[...], axis=0)

    return pl.pallas_call(
        body,
        grid=(n_out // blk,),
        in_specs=[pl.BlockSpec((splits, n_bat, blk), lambda i: (0, 0, i))],
        out_specs=pl.BlockSpec((n_bat, blk), lambda i: (0, i)),
        out_shape=jax.ShapeDtypeStruct((n_bat, n_out), jnp.float32),
    )(partials)


def kernel(x, indices, values, bias):
    n_bat, n_in = x.shape[0], x.shape[1]
    n_out = bias.shape[0]
    nnz = values.shape[0]

    nbg = n_bat // R
    splits = NW // nbg

    xs = x.reshape(n_bat, n_in)
    bias1d = bias.reshape(n_out)

    n_full = nnz // CHUNK
    t = nnz - n_full * CHUNK
    tidx = jnp.pad(lax.slice(indices, (0, nnz - t), (2, nnz)),
                   ((0, 0), (0, CHUNK - t)))
    tval = jnp.pad(lax.slice(values, (nnz - t,), (nnz,)), (0, CHUNK - t))

    partials = _sc_partials(xs, indices, values, tidx, tval, bias1d,
                            n_bat, n_in, n_out)
    partials = partials.reshape(splits, n_bat, n_out)
    out = _tc_reduce(partials, splits, n_bat, n_out)
    return out[..., None]

# --- scband reference (transcript-rebuilt; emitter-appended) ---
"""Pipeline reference for scband-sparse-linear-48189533061453 (READ-ONLY COPY).

The authoritative reference and input builder live on the scoring server;
editing this copy changes nothing except your own understanding.
"""

import jax, jax.numpy as jnp
import numpy as np

N_IN = 16384
N_OUT = 16384
NNZ = 2684354
B = 16
D = 164


def setup_inputs(seed: int = 0) -> dict:
    key = jax.random.key(seed)
    k1, k2, k3 = jax.random.split(key, 3)
    x = jax.random.normal(k1, (B, N_IN, 1), dtype=jnp.float32)
    # sparse COO indices: row 0 = src (input dim), row 1 = dst (output dim)
    indices = jax.random.randint(k2, (2, NNZ), 0, N_IN, dtype=jnp.int32)
    # Kaiming init: std = sqrt(2/d)
    values = jax.random.normal(k3, (NNZ,), dtype=jnp.float32) * (2.0 / D) ** 0.5
    bias = jnp.zeros((N_OUT, 1), dtype=jnp.float32)
    return {"x": x, "indices": indices, "values": values, "bias": bias}


def reference(x, indices, values, bias):
    # weight is sparse COO [N_IN, N_OUT] with weight[src, dst] = values
    # forward computes, per sample: weight.T @ xx + bias, stacked over batch
    # (weight.T @ xx)[j] = sum over edges e with dst[e]==j of values[e] * xx[src[e]]
    src = indices[0]
    dst = indices[1]
    xs = x[..., 0]                      # [B, N_IN]
    contrib = xs[:, src] * values[None, :]   # [B, NNZ] gather + multiply
    out = jax.ops.segment_sum(contrib.T, dst, num_segments=N_OUT)  # [N_OUT, B] scatter-add
    out = out.T[..., None] + bias[None, :, :]  # [B, N_OUT, 1]
    return out

if __name__ == "__main__":
    import jax
    _d = setup_inputs()
    print(jax.jit(kernel)(*tuple(_d.values())))

</pallas_src>

<mosaic_0001>
#map = affine_map<(d0, d1) -> (0, 0)>
#map1 = affine_map<(d0, d1) -> (0)>
module attributes {stable_mosaic.version = 14 : i64} {
  func.func @spmm(%arg0: i32, %arg1: i32, %arg2: memref<16x16384xf32, #tpu.memory_space<hbm>>, %arg3: memref<2x2684354xi32, #tpu.memory_space<hbm>>, %arg4: memref<2684354xf32, #tpu.memory_space<hbm>>, %arg5: memref<2x4096xi32, #tpu.memory_space<hbm>>, %arg6: memref<4096xf32, #tpu.memory_space<hbm>>, %arg7: memref<16384xf32, #tpu.memory_space<hbm>>, %arg8: memref<128x16384xf32, #tpu.memory_space<hbm>>, %arg9: memref<16384xi32, #tpu.memory_space<vmem>>, %arg10: memref<16384xi32, #tpu.memory_space<vmem>>, %arg11: memref<16384xf32, #tpu.memory_space<vmem>>, %arg12: memref<16384xf32, #tpu.memory_space<vmem>>, %arg13: memref<16384xf32, #tpu.memory_space<vmem>>, %arg14: memref<16384xf32, #tpu.memory_space<vmem>>, %arg15: memref<2x4096xi32, #tpu.memory_space<vmem>>, %arg16: memref<4096xf32, #tpu.memory_space<vmem>>, %arg17: memref<2x4096xi32, #tpu.memory_space<vmem>>, %arg18: memref<4096xf32, #tpu.memory_space<vmem>>, %arg19: memref<!tpu.dma_semaphore, #tpu.memory_space<semaphore_mem>>, %arg20: memref<!tpu.dma_semaphore, #tpu.memory_space<semaphore_mem>>, %arg21: memref<!tpu.dma_semaphore, #tpu.memory_space<semaphore_mem>>) attributes {dimension_semantics = [#tpu.dimension_semantics<core_parallel>, #tpu.dimension_semantics<subcore_parallel>], iteration_bounds = array<i64: 2, 16>, scalar_prefetch = 0 : i64, scratch_operands = 13 : i64, tpu.core_type = #tpu.core_type<sc_vector_subcore>, window_params = [{transform_indices = #map}, {transform_indices = #map}, {transform_indices = #map1}, {transform_indices = #map}, {transform_indices = #map1}, {transform_indices = #map1}, {transform_indices = #map}]} {
    %mul3A = arith.constant 16 : i32
    %mul3A_0 = arith.muli %arg0, %mul3A : i32
    %add3A = arith.addi %mul3A_0, %arg1 : i32
    %jit3A = arith.constant 4 : i32
    %eq3A = arith.constant 0 : i32
    %eq3A_1 = arith.cmpi eq, %jit3A, %eq3A : i32
    %jit3A_2 = arith.constant 1 : i32
    %select_n3A = arith.select %eq3A_1, %jit3A_2, %jit3A : i32
    %rem3A = arith.remsi %add3A, %select_n3A : i32
    %ne3A = arith.constant 0 : i32
    %ne3A_3 = arith.cmpi ne, %rem3A, %ne3A : i32
    %lt3A = arith.constant 0 : i32
    %lt3A_4 = arith.cmpi slt, %rem3A, %lt3A : i32
    %lt3A_5 = arith.constant 0 : i32
    %lt3A_6 = arith.cmpi slt, %select_n3A, %lt3A_5 : i32
    %ne3A_7 = arith.xori %lt3A_4, %lt3A_6 : i1
    %and3A = arith.andi %ne3A_7, %ne3A_3 : i1
    %add3A_8 = arith.addi %rem3A, %select_n3A : i32
    %select_n3A_9 = arith.select %and3A, %add3A_8, %rem3A : i32
    %jit3A_10 = arith.constant 4 : i32
    %div3A = arith.divsi %add3A, %jit3A_10 : i32
    %sign3A = arith.constant 0 : i32
    %sign3A_11 = arith.cmpi sgt, %add3A, %sign3A : i32
    %sign3A_12 = arith.extui %sign3A_11 : i1 to i32
    %sign3A_13 = arith.constant 0 : i32
    %sign3A_14 = arith.cmpi slt, %add3A, %sign3A_13 : i32
    %sign3A_15 = arith.extui %sign3A_14 : i1 to i32
    %sign3A_16 = arith.subi %sign3A_12, %sign3A_15 : i32
    %sign3A_17 = arith.constant 0 : i32
    %sign3A_18 = arith.cmpi sgt, %jit3A_10, %sign3A_17 : i32
    %sign3A_19 = arith.extui %sign3A_18 : i1 to i32
    %sign3A_20 = arith.constant 0 : i32
    %sign3A_21 = arith.cmpi slt, %jit3A_10, %sign3A_20 : i32
    %sign3A_22 = arith.extui %sign3A_21 : i1 to i32
    %sign3A_23 = arith.subi %sign3A_19, %sign3A_22 : i32
    %ne3A_24 = arith.cmpi ne, %sign3A_16, %sign3A_23 : i32
    %rem3A_25 = arith.remsi %add3A, %jit3A_10 : i32
    %ne3A_26 = arith.constant 0 : i32
    %ne3A_27 = arith.cmpi ne, %rem3A_25, %ne3A_26 : i32
    %and3A_28 = arith.andi %ne3A_24, %ne3A_27 : i1
    %sub3A = arith.constant 1 : i32
    %sub3A_29 = arith.subi %div3A, %sub3A : i32
    %select_n3A_30 = arith.select %and3A_28, %sub3A_29, %div3A : i32
    %mul3A_31 = arith.constant 4 : i32
    %mul3A_32 = arith.muli %select_n3A_9, %mul3A_31 : i32
    %cond3A = arith.constant 1 : i32
    %add3A_33 = arith.constant 0 : i32
    %add3A_34 = arith.addi %add3A_33, %select_n3A_30 : i32
    %mul3A_35 = arith.constant 4096 : i32
    %mul3A_36 = arith.muli %add3A_34, %mul3A_35 : i32
    %dma_start3A = arith.constant 0 : i32
    %dma_start3A_37 = tpu.memref_slice %arg3[%dma_start3A, %mul3A_36] : memref<2x2684354xi32, #tpu.memory_space<hbm>> -> memref<2x4096xi32, #tpu.memory_space<hbm>>
    %dma_start3A_38 = arith.constant 0 : i32
    %dma_start3A_39 = tpu.memref_slice %arg3[%dma_start3A_38, %mul3A_36] : memref<2x2684354xi32, #tpu.memory_space<hbm>> -> memref<2x4096xi32, #tpu.memory_space<hbm>>
    tpu.enqueue_dma source(%dma_start3A_39 : memref<2x4096xi32, #tpu.memory_space<hbm>>) target(%arg15 : memref<2x4096xi32, #tpu.memory_space<vmem>>) target_semaphore(%arg19 : memref<!tpu.dma_semaphore, #tpu.memory_space<semaphore_mem>>)
    %dma_start3A_40 = tpu.memref_slice %arg4[%mul3A_36] : memref<2684354xf32, #tpu.memory_space<hbm>> -> memref<4096xf32, #tpu.memory_space<hbm>>
    %dma_start3A_41 = tpu.memref_slice %arg4[%mul3A_36] : memref<2684354xf32, #tpu.memory_space<hbm>> -> memref<4096xf32, #tpu.memory_space<hbm>>
    tpu.enqueue_dma source(%dma_start3A_41 : memref<4096xf32, #tpu.memory_space<hbm>>) target(%arg16 : memref<4096xf32, #tpu.memory_space<vmem>>) target_semaphore(%arg19 : memref<!tpu.dma_semaphore, #tpu.memory_space<semaphore_mem>>)
    %add3A_42 = arith.constant 8 : i32
    %add3A_43 = arith.addi %add3A_42, %select_n3A_30 : i32
    %mul3A_44 = arith.constant 4096 : i32
    %mul3A_45 = arith.muli %add3A_43, %mul3A_44 : i32
    %dma_start3A_46 = arith.constant 0 : i32
    %dma_start3A_47 = tpu.memref_slice %arg3[%dma_start3A_46, %mul3A_45] : memref<2x2684354xi32, #tpu.memory_space<hbm>> -> memref<2x4096xi32, #tpu.memory_space<hbm>>
    %dma_start3A_48 = arith.constant 0 : i32
    %dma_start3A_49 = tpu.memref_slice %arg3[%dma_start3A_48, %mul3A_45] : memref<2x2684354xi32, #tpu.memory_space<hbm>> -> memref<2x4096xi32, #tpu.memory_space<hbm>>
    tpu.enqueue_dma source(%dma_start3A_49 : memref<2x4096xi32, #tpu.memory_space<hbm>>) target(%arg17 : memref<2x4096xi32, #tpu.memory_space<vmem>>) target_semaphore(%arg20 : memref<!tpu.dma_semaphore, #tpu.memory_space<semaphore_mem>>)
    %dma_start3A_50 = tpu.memref_slice %arg4[%mul3A_45] : memref<2684354xf32, #tpu.memory_space<hbm>> -> memref<4096xf32, #tpu.memory_space<hbm>>
    %dma_start3A_51 = tpu.memref_slice %arg4[%mul3A_45] : memref<2684354xf32, #tpu.memory_space<hbm>> -> memref<4096xf32, #tpu.memory_space<hbm>>
    tpu.enqueue_dma source(%dma_start3A_51 : memref<4096xf32, #tpu.memory_space<hbm>>) target(%arg18 : memref<4096xf32, #tpu.memory_space<vmem>>) target_semaphore(%arg20 : memref<!tpu.dma_semaphore, #tpu.memory_space<semaphore_mem>>)
    %broadcast_in_dim3A = arith.constant 32767 : i32
    %broadcast_in_dim3A_52 = vector.broadcast %broadcast_in_dim3A : i32 to vector<16xi32>
    %broadcast_in_dim3A_53 = arith.constant 1 : i32
    %broadcast_in_dim3A_54 = vector.broadcast %broadcast_in_dim3A_53 : i32 to vector<16xi32>
    %broadcast_in_dim3A_55 = arith.constant -65536 : i32
    %broadcast_in_dim3A_56 = vector.broadcast %broadcast_in_dim3A_55 : i32 to vector<16xi32>
    %add3A_57 = arith.constant 0 : i32
    %add3A_58 = arith.addi %mul3A_32, %add3A_57 : i32
    %dma_start3A_59 = arith.constant 0 : i32
    %dma_start3A_60 = tpu.memref_slice %arg2[%add3A_58, %dma_start3A_59] : memref<16x16384xf32, #tpu.memory_space<hbm>> -> memref<1x16384xf32, #tpu.memory_space<hbm>>
    %dma_start3A_61 = tpu.memref_squeeze %dma_start3A_60 : memref<1x16384xf32, #tpu.memory_space<hbm>> -> memref<16384xf32, #tpu.memory_space<hbm>>
    %dma_start3A_62 = arith.constant 0 : i32
    %dma_start3A_63 = tpu.memref_slice %arg2[%add3A_58, %dma_start3A_62] : memref<16x16384xf32, #tpu.memory_space<hbm>> -> memref<1x16384xf32, #tpu.memory_space<hbm>>
    %dma_start3A_64 = tpu.memref_squeeze %dma_start3A_63 : memref<1x16384xf32, #tpu.memory_space<hbm>> -> memref<16384xf32, #tpu.memory_space<hbm>>
    tpu.enqueue_dma source(%dma_start3A_64 : memref<16384xf32, #tpu.memory_space<hbm>>) target(%arg11 : memref<16384xf32, #tpu.memory_space<vmem>>) target_semaphore(%arg21 : memref<!tpu.dma_semaphore, #tpu.memory_space<semaphore_mem>>)
    %add3A_65 = arith.constant 1 : i32
    %add3A_66 = arith.addi %mul3A_32, %add3A_65 : i32
    %dma_start3A_67 = arith.constant 0 : i32
    %dma_start3A_68 = tpu.memref_slice %arg2[%add3A_66, %dma_start3A_67] : memref<16x16384xf32, #tpu.memory_space<hbm>> -> memref<1x16384xf32, #tpu.memory_space<hbm>>
    %dma_start3A_69 = tpu.memref_squeeze %dma_start3A_68 : memref<1x16384xf32, #tpu.memory_space<hbm>> -> memref<16384xf32, #tpu.memory_space<hbm>>
    %dma_start3A_70 = arith.constant 0 : i32
    %dma_start3A_71 = tpu.memref_slice %arg2[%add3A_66, %dma_start3A_70] : memref<16x16384xf32, #tpu.memory_space<hbm>> -> memref<1x16384xf32, #tpu.memory_space<hbm>>
    %dma_start3A_72 = tpu.memref_squeeze %dma_start3A_71 : memref<1x16384xf32, #tpu.memory_space<hbm>> -> memref<16384xf32, #tpu.memory_space<hbm>>
    tpu.enqueue_dma source(%dma_start3A_72 : memref<16384xf32, #tpu.memory_space<hbm>>) target(%arg12 : memref<16384xf32, #tpu.memory_space<vmem>>) target_semaphore(%arg21 : memref<!tpu.dma_semaphore, #tpu.memory_space<semaphore_mem>>)
    %add3A_73 = arith.constant 2 : i32
    %add3A_74 = arith.addi %mul3A_32, %add3A_73 : i32
    %dma_start3A_75 = arith.constant 0 : i32
    %dma_start3A_76 = tpu.memref_slice %arg2[%add3A_74, %dma_start3A_75] : memref<16x16384xf32, #tpu.memory_space<hbm>> -> memref<1x16384xf32, #tpu.memory_space<hbm>>
    %dma_start3A_77 = tpu.memref_squeeze %dma_start3A_76 : memref<1x16384xf32, #tpu.memory_space<hbm>> -> memref<16384xf32, #tpu.memory_space<hbm>>
    %dma_start3A_78 = arith.constant 0 : i32
    %dma_start3A_79 = tpu.memref_slice %arg2[%add3A_74, %dma_start3A_78] : memref<16x16384xf32, #tpu.memory_space<hbm>> -> memref<1x16384xf32, #tpu.memory_space<hbm>>
    %dma_start3A_80 = tpu.memref_squeeze %dma_start3A_79 : memref<1x16384xf32, #tpu.memory_space<hbm>> -> memref<16384xf32, #tpu.memory_space<hbm>>
    tpu.enqueue_dma source(%dma_start3A_80 : memref<16384xf32, #tpu.memory_space<hbm>>) target(%arg13 : memref<16384xf32, #tpu.memory_space<vmem>>) target_semaphore(%arg21 : memref<!tpu.dma_semaphore, #tpu.memory_space<semaphore_mem>>)
    %add3A_81 = arith.constant 3 : i32
    %add3A_82 = arith.addi %mul3A_32, %add3A_81 : i32
    %dma_start3A_83 = arith.constant 0 : i32
    %dma_start3A_84 = tpu.memref_slice %arg2[%add3A_82, %dma_start3A_83] : memref<16x16384xf32, #tpu.memory_space<hbm>> -> memref<1x16384xf32, #tpu.memory_space<hbm>>
    %dma_start3A_85 = tpu.memref_squeeze %dma_start3A_84 : memref<1x16384xf32, #tpu.memory_space<hbm>> -> memref<16384xf32, #tpu.memory_space<hbm>>
    %dma_start3A_86 = arith.constant 0 : i32
    %dma_start3A_87 = tpu.memref_slice %arg2[%add3A_82, %dma_start3A_86] : memref<16x16384xf32, #tpu.memory_space<hbm>> -> memref<1x16384xf32, #tpu.memory_space<hbm>>
    %dma_start3A_88 = tpu.memref_squeeze %dma_start3A_87 : memref<1x16384xf32, #tpu.memory_space<hbm>> -> memref<16384xf32, #tpu.memory_space<hbm>>
    tpu.enqueue_dma source(%dma_start3A_88 : memref<16384xf32, #tpu.memory_space<hbm>>) target(%arg14 : memref<16384xf32, #tpu.memory_space<vmem>>) target_semaphore(%arg21 : memref<!tpu.dma_semaphore, #tpu.memory_space<semaphore_mem>>)
    %add3A_89 = arith.constant 0 : i32
    %add3A_90 = arith.addi %mul3A_32, %add3A_89 : i32
    %dma_wait3A = arith.constant 0 : i32
    %dma_wait3A_91 = tpu.memref_slice %arg2[%add3A_90, %dma_wait3A] : memref<16x16384xf32, #tpu.memory_space<hbm>> -> memref<1x16384xf32, #tpu.memory_space<hbm>>
    %dma_wait3A_92 = tpu.memref_squeeze %dma_wait3A_91 : memref<1x16384xf32, #tpu.memory_space<hbm>> -> memref<16384xf32, #tpu.memory_space<hbm>>
    %dma_wait3A_93 = arith.constant 0 : i32
    %dma_wait3A_94 = tpu.memref_slice %arg2[%add3A_90, %dma_wait3A_93] : memref<16x16384xf32, #tpu.memory_space<hbm>> -> memref<1x16384xf32, #tpu.memory_space<hbm>>
    %dma_wait3A_95 = tpu.memref_squeeze %dma_wait3A_94 : memref<1x16384xf32, #tpu.memory_space<hbm>> -> memref<16384xf32, #tpu.memory_space<hbm>>
    tpu.wait_dma2 semaphore(%arg21 : memref<!tpu.dma_semaphore, #tpu.memory_space<semaphore_mem>>) src(%dma_wait3A_95 : memref<16384xf32, #tpu.memory_space<hbm>>) dst(%arg11 : memref<16384xf32, #tpu.memory_space<vmem>>)
    %add3A_96 = arith.constant 1 : i32
    %add3A_97 = arith.addi %mul3A_32, %add3A_96 : i32
    %dma_wait3A_98 = arith.constant 0 : i32
    %dma_wait3A_99 = tpu.memref_slice %arg2[%add3A_97, %dma_wait3A_98] : memref<16x16384xf32, #tpu.memory_space<hbm>> -> memref<1x16384xf32, #tpu.memory_space<hbm>>
    %dma_wait3A_100 = tpu.memref_squeeze %dma_wait3A_99 : memref<1x16384xf32, #tpu.memory_space<hbm>> -> memref<16384xf32, #tpu.memory_space<hbm>>
    %dma_wait3A_101 = arith.constant 0 : i32
    %dma_wait3A_102 = tpu.memref_slice %arg2[%add3A_97, %dma_wait3A_101] : memref<16x16384xf32, #tpu.memory_space<hbm>> -> memref<1x16384xf32, #tpu.memory_space<hbm>>
    %dma_wait3A_103 = tpu.memref_squeeze %dma_wait3A_102 : memref<1x16384xf32, #tpu.memory_space<hbm>> -> memref<16384xf32, #tpu.memory_space<hbm>>
    tpu.wait_dma2 semaphore(%arg21 : memref<!tpu.dma_semaphore, #tpu.memory_space<semaphore_mem>>) src(%dma_wait3A_103 : memref<16384xf32, #tpu.memory_space<hbm>>) dst(%arg12 : memref<16384xf32, #tpu.memory_space<vmem>>)
    %add3A_104 = arith.constant 2 : i32
    %add3A_105 = arith.addi %mul3A_32, %add3A_104 : i32
    %dma_wait3A_106 = arith.constant 0 : i32
    %dma_wait3A_107 = tpu.memref_slice %arg2[%add3A_105, %dma_wait3A_106] : memref<16x16384xf32, #tpu.memory_space<hbm>> -> memref<1x16384xf32, #tpu.memory_space<hbm>>
    %dma_wait3A_108 = tpu.memref_squeeze %dma_wait3A_107 : memref<1x16384xf32, #tpu.memory_space<hbm>> -> memref<16384xf32, #tpu.memory_space<hbm>>
    %dma_wait3A_109 = arith.constant 0 : i32
    %dma_wait3A_110 = tpu.memref_slice %arg2[%add3A_105, %dma_wait3A_109] : memref<16x16384xf32, #tpu.memory_space<hbm>> -> memref<1x16384xf32, #tpu.memory_space<hbm>>
    %dma_wait3A_111 = tpu.memref_squeeze %dma_wait3A_110 : memref<1x16384xf32, #tpu.memory_space<hbm>> -> memref<16384xf32, #tpu.memory_space<hbm>>
    tpu.wait_dma2 semaphore(%arg21 : memref<!tpu.dma_semaphore, #tpu.memory_space<semaphore_mem>>) src(%dma_wait3A_111 : memref<16384xf32, #tpu.memory_space<hbm>>) dst(%arg13 : memref<16384xf32, #tpu.memory_space<vmem>>)
    %add3A_112 = arith.constant 3 : i32
    %add3A_113 = arith.addi %mul3A_32, %add3A_112 : i32
    %dma_wait3A_114 = arith.constant 0 : i32
    %dma_wait3A_115 = tpu.memref_slice %arg2[%add3A_113, %dma_wait3A_114] : memref<16x16384xf32, #tpu.memory_space<hbm>> -> memref<1x16384xf32, #tpu.memory_space<hbm>>
    %dma_wait3A_116 = tpu.memref_squeeze %dma_wait3A_115 : memref<1x16384xf32, #tpu.memory_space<hbm>> -> memref<16384xf32, #tpu.memory_space<hbm>>
    %dma_wait3A_117 = arith.constant 0 : i32
    %dma_wait3A_118 = tpu.memref_slice %arg2[%add3A_113, %dma_wait3A_117] : memref<16x16384xf32, #tpu.memory_space<hbm>> -> memref<1x16384xf32, #tpu.memory_space<hbm>>
    %dma_wait3A_119 = tpu.memref_squeeze %dma_wait3A_118 : memref<1x16384xf32, #tpu.memory_space<hbm>> -> memref<16384xf32, #tpu.memory_space<hbm>>
    tpu.wait_dma2 semaphore(%arg21 : memref<!tpu.dma_semaphore, #tpu.memory_space<semaphore_mem>>) src(%dma_wait3A_119 : memref<16384xf32, #tpu.memory_space<hbm>>) dst(%arg14 : memref<16384xf32, #tpu.memory_space<vmem>>)
    %parallel_loop3A = arith.constant 0 : i32
    %parallel_loop3A_120 = arith.constant 16384 : i32
    %parallel_loop3A_121 = arith.constant 16 : i32
    scf.for %parallel_loop3A_247 = %parallel_loop3A to %parallel_loop3A_120 step %parallel_loop3A_121  : i32 {
      %parallel_loop3A_248 = arith.index_cast %parallel_loop3A_247 : i32 to index
      %parallel_loop3A_249 = tpu.vector_load %arg11[%parallel_loop3A_248] {strides = array<i32>} : memref<16384xf32, #tpu.memory_space<vmem>>, vector<16xf32>,
      %parallel_loop3A_250 = vector.bitcast %parallel_loop3A_249 : vector<16xf32> to vector<16xi32>
      %parallel_loop3A_251 = arith.addi %parallel_loop3A_250, %broadcast_in_dim3A_52 : vector<16xi32>
      %parallel_loop3A_252 = arith.constant 16 : i32
      %parallel_loop3A_253 = vector.broadcast %parallel_loop3A_252 : i32 to vector<16xi32>
      %parallel_loop3A_254 = arith.shrui %parallel_loop3A_250, %parallel_loop3A_253 : vector<16xi32>
      %parallel_loop3A_255 = arith.andi %parallel_loop3A_254, %broadcast_in_dim3A_54 : vector<16xi32>
      %parallel_loop3A_256 = arith.addi %parallel_loop3A_251, %parallel_loop3A_255 : vector<16xi32>
      %parallel_loop3A_257 = arith.andi %parallel_loop3A_256, %broadcast_in_dim3A_56 : vector<16xi32>
      %parallel_loop3A_258 = arith.index_cast %parallel_loop3A_247 : i32 to index
      %parallel_loop3A_259 = tpu.vector_load %arg12[%parallel_loop3A_258] {strides = array<i32>} : memref<16384xf32, #tpu.memory_space<vmem>>, vector<16xf32>,
      %parallel_loop3A_260 = vector.bitcast %parallel_loop3A_259 : vector<16xf32> to vector<16xi32>
      %parallel_loop3A_261 = arith.addi %parallel_loop3A_260, %broadcast_in_dim3A_52 : vector<16xi32>
      %parallel_loop3A_262 = arith.constant 16 : i32
      %parallel_loop3A_263 = vector.broadcast %parallel_loop3A_262 : i32 to vector<16xi32>
      %parallel_loop3A_264 = arith.shrui %parallel_loop3A_260, %parallel_loop3A_263 : vector<16xi32>
      %parallel_loop3A_265 = arith.andi %parallel_loop3A_264, %broadcast_in_dim3A_54 : vector<16xi32>
      %parallel_loop3A_266 = arith.addi %parallel_loop3A_261, %parallel_loop3A_265 : vector<16xi32>
      %parallel_loop3A_267 = arith.constant 16 : i32
      %parallel_loop3A_268 = vector.broadcast %parallel_loop3A_267 : i32 to vector<16xi32>
      %parallel_loop3A_269 = arith.shrui %parallel_loop3A_266, %parallel_loop3A_268 : vector<16xi32>
      %parallel_loop3A_270 = arith.ori %parallel_loop3A_257, %parallel_loop3A_269 : vector<16xi32>
      %parallel_loop3A_271 = arith.index_cast %parallel_loop3A_247 : i32 to index
      %parallel_loop3A_272 = tpu.vector_load %arg9[%parallel_loop3A_271] {strides = array<i32>} : memref<16384xi32, #tpu.memory_space<vmem>>, vector<16xi32>,
      tpu.vector_store %arg9[%parallel_loop3A_271], %parallel_loop3A_270 {strides = array<i32>} : memref<16384xi32, #tpu.memory_space<vmem>>, vector<16xi32>,
    } {sc.loop_unroll_factor = 4 : i64, sc.parallel_access}
    %parallel_loop3A_122 = arith.constant 0 : i32
    %parallel_loop3A_123 = arith.constant 16384 : i32
    %parallel_loop3A_124 = arith.constant 16 : i32
    scf.for %parallel_loop3A_247 = %parallel_loop3A_122 to %parallel_loop3A_123 step %parallel_loop3A_124  : i32 {
      %parallel_loop3A_248 = arith.index_cast %parallel_loop3A_247 : i32 to index
      %parallel_loop3A_249 = tpu.vector_load %arg13[%parallel_loop3A_248] {strides = array<i32>} : memref<16384xf32, #tpu.memory_space<vmem>>, vector<16xf32>,
      %parallel_loop3A_250 = vector.bitcast %parallel_loop3A_249 : vector<16xf32> to vector<16xi32>
      %parallel_loop3A_251 = arith.addi %parallel_loop3A_250, %broadcast_in_dim3A_52 : vector<16xi32>
      %parallel_loop3A_252 = arith.constant 16 : i32
      %parallel_loop3A_253 = vector.broadcast %parallel_loop3A_252 : i32 to vector<16xi32>
      %parallel_loop3A_254 = arith.shrui %parallel_loop3A_250, %parallel_loop3A_253 : vector<16xi32>
      %parallel_loop3A_255 = arith.andi %parallel_loop3A_254, %broadcast_in_dim3A_54 : vector<16xi32>
      %parallel_loop3A_256 = arith.addi %parallel_loop3A_251, %parallel_loop3A_255 : vector<16xi32>
      %parallel_loop3A_257 = arith.andi %parallel_loop3A_256, %broadcast_in_dim3A_56 : vector<16xi32>
      %parallel_loop3A_258 = arith.index_cast %parallel_loop3A_247 : i32 to index
      %parallel_loop3A_259 = tpu.vector_load %arg14[%parallel_loop3A_258] {strides = array<i32>} : memref<16384xf32, #tpu.memory_space<vmem>>, vector<16xf32>,
      %parallel_loop3A_260 = vector.bitcast %parallel_loop3A_259 : vector<16xf32> to vector<16xi32>
      %parallel_loop3A_261 = arith.addi %parallel_loop3A_260, %broadcast_in_dim3A_52 : vector<16xi32>
      %parallel_loop3A_262 = arith.constant 16 : i32
      %parallel_loop3A_263 = vector.broadcast %parallel_loop3A_262 : i32 to vector<16xi32>
      %parallel_loop3A_264 = arith.shrui %parallel_loop3A_260, %parallel_loop3A_263 : vector<16xi32>
      %parallel_loop3A_265 = arith.andi %parallel_loop3A_264, %broadcast_in_dim3A_54 : vector<16xi32>
      %parallel_loop3A_266 = arith.addi %parallel_loop3A_261, %parallel_loop3A_265 : vector<16xi32>
      %parallel_loop3A_267 = arith.constant 16 : i32
      %parallel_loop3A_268 = vector.broadcast %parallel_loop3A_267 : i32 to vector<16xi32>
      %parallel_loop3A_269 = arith.shrui %parallel_loop3A_266, %parallel_loop3A_268 : vector<16xi32>
      %parallel_loop3A_270 = arith.ori %parallel_loop3A_257, %parallel_loop3A_269 : vector<16xi32>
      %parallel_loop3A_271 = arith.index_cast %parallel_loop3A_247 : i32 to index
      %parallel_loop3A_272 = tpu.vector_load %arg10[%parallel_loop3A_271] {strides = array<i32>} : memref<16384xi32, #tpu.memory_space<vmem>>, vector<16xi32>,
      tpu.vector_store %arg10[%parallel_loop3A_271], %parallel_loop3A_270 {strides = array<i32>} : memref<16384xi32, #tpu.memory_space<vmem>>, vector<16xi32>,
    } {sc.loop_unroll_factor = 4 : i64, sc.parallel_access}
    %eq3A_125 = arith.constant 0 : i32
    %eq3A_126 = arith.cmpi eq, %select_n3A_30, %eq3A_125 : i32
    %convert_element_type3A = arith.extui %eq3A_126 : i1 to i32
    %cond3A_127 = arith.constant 0 : i32
    %cond3A_128 = arith.cmpi ne, %convert_element_type3A, %cond3A_127 : i32
    scf.if %cond3A_128 {
      "tpu.region"() ({
        %run_scoped3A = tpu.sem_alloc : memref<!tpu.dma_semaphore, #tpu.memory_space<semaphore_mem>>
        tpu.enqueue_dma source(%arg7 : memref<16384xf32, #tpu.memory_space<hbm>>) target(%arg11 : memref<16384xf32, #tpu.memory_space<vmem>>) target_semaphore(%run_scoped3A : memref<!tpu.dma_semaphore, #tpu.memory_space<semaphore_mem>>)
        tpu.wait_dma2 semaphore(%run_scoped3A : memref<!tpu.dma_semaphore, #tpu.memory_space<semaphore_mem>>) src(%arg7 : memref<16384xf32, #tpu.memory_space<hbm>>) dst(%arg11 : memref<16384xf32, #tpu.memory_space<vmem>>)
        tpu.yield
      }) : () -> ()
      "tpu.region"() ({
        %run_scoped3A = tpu.sem_alloc : memref<!tpu.dma_semaphore, #tpu.memory_space<semaphore_mem>>
        tpu.enqueue_dma source(%arg7 : memref<16384xf32, #tpu.memory_space<hbm>>) target(%arg12 : memref<16384xf32, #tpu.memory_space<vmem>>) target_semaphore(%run_scoped3A : memref<!tpu.dma_semaphore, #tpu.memory_space<semaphore_mem>>)
        tpu.wait_dma2 semaphore(%run_scoped3A : memref<!tpu.dma_semaphore, #tpu.memory_space<semaphore_mem>>) src(%arg7 : memref<16384xf32, #tpu.memory_space<hbm>>) dst(%arg12 : memref<16384xf32, #tpu.memory_space<vmem>>)
        tpu.yield
      }) : () -> ()
      "tpu.region"() ({
        %run_scoped3A = tpu.sem_alloc : memref<!tpu.dma_semaphore, #tpu.memory_space<semaphore_mem>>
        tpu.enqueue_dma source(%arg7 : memref<16384xf32, #tpu.memory_space<hbm>>) target(%arg13 : memref<16384xf32, #tpu.memory_space<vmem>>) target_semaphore(%run_scoped3A : memref<!tpu.dma_semaphore, #tpu.memory_space<semaphore_mem>>)
        tpu.wait_dma2 semaphore(%run_scoped3A : memref<!tpu.dma_semaphore, #tpu.memory_space<semaphore_mem>>) src(%arg7 : memref<16384xf32, #tpu.memory_space<hbm>>) dst(%arg13 : memref<16384xf32, #tpu.memory_space<vmem>>)
        tpu.yield
      }) : () -> ()
      "tpu.region"() ({
        %run_scoped3A = tpu.sem_alloc : memref<!tpu.dma_semaphore, #tpu.memory_space<semaphore_mem>>
        tpu.enqueue_dma source(%arg7 : memref<16384xf32, #tpu.memory_space<hbm>>) target(%arg14 : memref<16384xf32, #tpu.memory_space<vmem>>) target_semaphore(%run_scoped3A : memref<!tpu.dma_semaphore, #tpu.memory_space<semaphore_mem>>)
        tpu.wait_dma2 semaphore(%run_scoped3A : memref<!tpu.dma_semaphore, #tpu.memory_space<semaphore_mem>>) src(%arg7 : memref<16384xf32, #tpu.memory_space<hbm>>) dst(%arg14 : memref<16384xf32, #tpu.memory_space<vmem>>)
        tpu.yield
      }) : () -> ()
    } else {
    }
    %ne3A_129 = arith.constant 0 : i32
    %ne3A_130 = arith.cmpi ne, %select_n3A_30, %ne3A_129 : i32
    %convert_element_type3A_131 = arith.extui %ne3A_130 : i1 to i32
    %cond3A_132 = arith.constant 0 : i32
    %cond3A_133 = arith.cmpi ne, %convert_element_type3A_131, %cond3A_132 : i32
    scf.if %cond3A_133 {
      %broadcast_in_dim3A_247 = arith.constant 0.000000e+00 : f32
      %broadcast_in_dim3A_248 = vector.broadcast %broadcast_in_dim3A_247 : f32 to vector<16xf32>
      %parallel_loop3A_249 = arith.constant 0 : i32
      %parallel_loop3A_250 = arith.constant 16384 : i32
      %parallel_loop3A_251 = arith.constant 16 : i32
      scf.for %parallel_loop3A_252 = %parallel_loop3A_249 to %parallel_loop3A_250 step %parallel_loop3A_251  : i32 {
        %parallel_loop3A_253 = arith.index_cast %parallel_loop3A_252 : i32 to index
        %parallel_loop3A_254 = tpu.vector_load %arg11[%parallel_loop3A_253] {strides = array<i32>} : memref<16384xf32, #tpu.memory_space<vmem>>, vector<16xf32>,
        tpu.vector_store %arg11[%parallel_loop3A_253], %broadcast_in_dim3A_248 {strides = array<i32>} : memref<16384xf32, #tpu.memory_space<vmem>>, vector<16xf32>,
        %parallel_loop3A_255 = arith.index_cast %parallel_loop3A_252 : i32 to index
        %parallel_loop3A_256 = tpu.vector_load %arg12[%parallel_loop3A_255] {strides = array<i32>} : memref<16384xf32, #tpu.memory_space<vmem>>, vector<16xf32>,
        tpu.vector_store %arg12[%parallel_loop3A_255], %broadcast_in_dim3A_248 {strides = array<i32>} : memref<16384xf32, #tpu.memory_space<vmem>>, vector<16xf32>,
        %parallel_loop3A_257 = arith.index_cast %parallel_loop3A_252 : i32 to index
        %parallel_loop3A_258 = tpu.vector_load %arg13[%parallel_loop3A_257] {strides = array<i32>} : memref<16384xf32, #tpu.memory_space<vmem>>, vector<16xf32>,
        tpu.vector_store %arg13[%parallel_loop3A_257], %broadcast_in_dim3A_248 {strides = array<i32>} : memref<16384xf32, #tpu.memory_space<vmem>>, vector<16xf32>,
        %parallel_loop3A_259 = arith.index_cast %parallel_loop3A_252 : i32 to index
        %parallel_loop3A_260 = tpu.vector_load %arg14[%parallel_loop3A_259] {strides = array<i32>} : memref<16384xf32, #tpu.memory_space<vmem>>, vector<16xf32>,
        tpu.vector_store %arg14[%parallel_loop3A_259], %broadcast_in_dim3A_248 {strides = array<i32>} : memref<16384xf32, #tpu.memory_space<vmem>>, vector<16xf32>,
      } {sc.loop_unroll_factor = 4 : i64, sc.parallel_access}
    } else {
    }
    %cond3A_134 = arith.constant 1 : i32
    %scan3A = arith.constant 0 : i32
    %scan3A_135 = arith.constant 0 : i32
    %scan3A_136 = arith.constant 40 : i32
    %scan3A_137 = arith.addi %scan3A_135, %scan3A_136 : i32
    %scan3A_138 = arith.constant 1 : i32
    scf.for %scan3A_247 = %scan3A_135 to %scan3A_137 step %scan3A_138  : i32 {
      %mul3A_248 = arith.constant 2 : i32
      %mul3A_249 = arith.muli %scan3A_247, %mul3A_248 : i32
      %mul3A_250 = arith.constant 8 : i32
      %mul3A_251 = arith.muli %mul3A_249, %mul3A_250 : i32
      %add3A_252 = arith.addi %mul3A_251, %select_n3A_30 : i32
      %mul3A_253 = arith.constant 4096 : i32
      %mul3A_254 = arith.muli %add3A_252, %mul3A_253 : i32
      %dma_wait3A_255 = arith.constant 0 : i32
      %dma_wait3A_256 = tpu.memref_slice %arg3[%dma_wait3A_255, %mul3A_254] : memref<2x2684354xi32, #tpu.memory_space<hbm>> -> memref<2x4096xi32, #tpu.memory_space<hbm>>
      %dma_wait3A_257 = arith.constant 0 : i32
      %dma_wait3A_258 = tpu.memref_slice %arg3[%dma_wait3A_257, %mul3A_254] : memref<2x2684354xi32, #tpu.memory_space<hbm>> -> memref<2x4096xi32, #tpu.memory_space<hbm>>
      tpu.wait_dma2 semaphore(%arg19 : memref<!tpu.dma_semaphore, #tpu.memory_space<semaphore_mem>>) src(%dma_wait3A_258 : memref<2x4096xi32, #tpu.memory_space<hbm>>) dst(%arg15 : memref<2x4096xi32, #tpu.memory_space<vmem>>)
      %dma_wait3A_259 = tpu.memref_slice %arg4[%mul3A_254] : memref<2684354xf32, #tpu.memory_space<hbm>> -> memref<4096xf32, #tpu.memory_space<hbm>>
      %dma_wait3A_260 = tpu.memref_slice %arg4[%mul3A_254] : memref<2684354xf32, #tpu.memory_space<hbm>> -> memref<4096xf32, #tpu.memory_space<hbm>>
      tpu.wait_dma2 semaphore(%arg19 : memref<!tpu.dma_semaphore, #tpu.memory_space<semaphore_mem>>) src(%dma_wait3A_260 : memref<4096xf32, #tpu.memory_space<hbm>>) dst(%arg16 : memref<4096xf32, #tpu.memory_space<vmem>>)
      %parallel_loop3A_261 = arith.constant 0 : i32
      %parallel_loop3A_262 = arith.constant 4096 : i32
      %parallel_loop3A_263 = arith.constant 16 : i32
      scf.for %parallel_loop3A_294 = %parallel_loop3A_261 to %parallel_loop3A_262 step %parallel_loop3A_263  : i32 {
        %parallel_loop3A_295 = arith.constant 0 : i32
        %parallel_loop3A_296 = arith.index_cast %parallel_loop3A_295 : i32 to index
        %parallel_loop3A_297 = arith.index_cast %parallel_loop3A_294 : i32 to index
        %parallel_loop3A_298 = tpu.vector_load %arg15[%parallel_loop3A_296, %parallel_loop3A_297] {strides = array<i32>} : memref<2x4096xi32, #tpu.memory_space<vmem>>, vector<16xi32>,
        %parallel_loop3A_299 = arith.constant 1 : i32
        %parallel_loop3A_300 = arith.index_cast %parallel_loop3A_299 : i32 to index
        %parallel_loop3A_301 = arith.index_cast %parallel_loop3A_294 : i32 to index
        %parallel_loop3A_302 = tpu.vector_load %arg15[%parallel_loop3A_300, %parallel_loop3A_301] {strides = array<i32>} : memref<2x4096xi32, #tpu.memory_space<vmem>>, vector<16xi32>,
        %parallel_loop3A_303 = arith.index_cast %parallel_loop3A_294 : i32 to index
        %parallel_loop3A_304 = tpu.vector_load %arg16[%parallel_loop3A_303] {strides = array<i32>} : memref<4096xf32, #tpu.memory_space<vmem>>, vector<16xf32>,
        %parallel_loop3A_305 = tpu.vector_load_idx %arg9[%parallel_loop3A_298] : memref<16384xi32, #tpu.memory_space<vmem>>[vector<16xi32>], vector<16xi32>,
        %parallel_loop3A_306 = tpu.vector_load_idx %arg10[%parallel_loop3A_298] : memref<16384xi32, #tpu.memory_space<vmem>>[vector<16xi32>], vector<16xi32>,
        %parallel_loop3A_307 = arith.andi %parallel_loop3A_305, %broadcast_in_dim3A_56 : vector<16xi32>
        %parallel_loop3A_308 = vector.bitcast %parallel_loop3A_307 : vector<16xi32> to vector<16xf32>
        %parallel_loop3A_309 = arith.constant 16 : i32
        %parallel_loop3A_310 = vector.broadcast %parallel_loop3A_309 : i32 to vector<16xi32>
        %parallel_loop3A_311 = arith.shli %parallel_loop3A_305, %parallel_loop3A_310 : vector<16xi32>
        %parallel_loop3A_312 = vector.bitcast %parallel_loop3A_311 : vector<16xi32> to vector<16xf32>
        %parallel_loop3A_313 = arith.andi %parallel_loop3A_306, %broadcast_in_dim3A_56 : vector<16xi32>
        %parallel_loop3A_314 = vector.bitcast %parallel_loop3A_313 : vector<16xi32> to vector<16xf32>
        %parallel_loop3A_315 = arith.constant 16 : i32
        %parallel_loop3A_316 = vector.broadcast %parallel_loop3A_315 : i32 to vector<16xi32>
        %parallel_loop3A_317 = arith.shli %parallel_loop3A_306, %parallel_loop3A_316 : vector<16xi32>
        %parallel_loop3A_318 = vector.bitcast %parallel_loop3A_317 : vector<16xi32> to vector<16xf32>
        %parallel_loop3A_319 = arith.mulf %parallel_loop3A_308, %parallel_loop3A_304 : vector<16xf32>
        tpu.vector_store_idx %arg11[%parallel_loop3A_302], %parallel_loop3A_319 {add = true} : memref<16384xf32, #tpu.memory_space<vmem>>[vector<16xi32>], vector<16xf32>,
        %parallel_loop3A_320 = arith.mulf %parallel_loop3A_312, %parallel_loop3A_304 : vector<16xf32>
        tpu.vector_store_idx %arg12[%parallel_loop3A_302], %parallel_loop3A_320 {add = true} : memref<16384xf32, #tpu.memory_space<vmem>>[vector<16xi32>], vector<16xf32>,
        %parallel_loop3A_321 = arith.mulf %parallel_loop3A_314, %parallel_loop3A_304 : vector<16xf32>
        tpu.vector_store_idx %arg13[%parallel_loop3A_302], %parallel_loop3A_321 {add = true} : memref<16384xf32, #tpu.memory_space<vmem>>[vector<16xi32>], vector<16xf32>,
        %parallel_loop3A_322 = arith.mulf %parallel_loop3A_318, %parallel_loop3A_304 : vector<16xf32>
        tpu.vector_store_idx %arg14[%parallel_loop3A_302], %parallel_loop3A_322 {add = true} : memref<16384xf32, #tpu.memory_space<vmem>>[vector<16xi32>], vector<16xf32>,
      } {sc.loop_unroll_factor = 12 : i64, sc.parallel_access}
      %add3A_264 = arith.constant 2 : i32
      %add3A_265 = arith.addi %mul3A_249, %add3A_264 : i32
      %lt3A_266 = arith.constant 80 : i32
      %lt3A_267 = arith.cmpi slt, %add3A_265, %lt3A_266 : i32
      %convert_element_type3A_268 = arith.extui %lt3A_267 : i1 to i32
      %cond3A_269 = arith.constant 0 : i32
      %cond3A_270 = arith.cmpi ne, %convert_element_type3A_268, %cond3A_269 : i32
      scf.if %cond3A_270 {
        %add3A_294 = arith.constant 2 : i32
        %add3A_295 = arith.addi %mul3A_249, %add3A_294 : i32
        %mul3A_296 = arith.constant 8 : i32
        %mul3A_297 = arith.muli %add3A_295, %mul3A_296 : i32
        %add3A_298 = arith.addi %mul3A_297, %select_n3A_30 : i32
        %mul3A_299 = arith.constant 4096 : i32
        %mul3A_300 = arith.muli %add3A_298, %mul3A_299 : i32
        %dma_start3A_301 = arith.constant 0 : i32
        %dma_start3A_302 = tpu.memref_slice %arg3[%dma_start3A_301, %mul3A_300] : memref<2x2684354xi32, #tpu.memory_space<hbm>> -> memref<2x4096xi32, #tpu.memory_space<hbm>>
        %dma_start3A_303 = arith.constant 0 : i32
        %dma_start3A_304 = tpu.memref_slice %arg3[%dma_start3A_303, %mul3A_300] : memref<2x2684354xi32, #tpu.memory_space<hbm>> -> memref<2x4096xi32, #tpu.memory_space<hbm>>
        tpu.enqueue_dma source(%dma_start3A_304 : memref<2x4096xi32, #tpu.memory_space<hbm>>) target(%arg15 : memref<2x4096xi32, #tpu.memory_space<vmem>>) target_semaphore(%arg19 : memref<!tpu.dma_semaphore, #tpu.memory_space<semaphore_mem>>)
        %dma_start3A_305 = tpu.memref_slice %arg4[%mul3A_300] : memref<2684354xf32, #tpu.memory_space<hbm>> -> memref<4096xf32, #tpu.memory_space<hbm>>
        %dma_start3A_306 = tpu.memref_slice %arg4[%mul3A_300] : memref<2684354xf32, #tpu.memory_space<hbm>> -> memref<4096xf32, #tpu.memory_space<hbm>>
        tpu.enqueue_dma source(%dma_start3A_306 : memref<4096xf32, #tpu.memory_space<hbm>>) target(%arg16 : memref<4096xf32, #tpu.memory_space<vmem>>) target_semaphore(%arg19 : memref<!tpu.dma_semaphore, #tpu.memory_space<semaphore_mem>>)
      } else {
      }
      %add3A_271 = arith.constant 1 : i32
      %add3A_272 = arith.addi %mul3A_249, %add3A_271 : i32
      %mul3A_273 = arith.constant 8 : i32
      %mul3A_274 = arith.muli %add3A_272, %mul3A_273 : i32
      %add3A_275 = arith.addi %mul3A_274, %select_n3A_30 : i32
      %mul3A_276 = arith.constant 4096 : i32
      %mul3A_277 = arith.muli %add3A_275, %mul3A_276 : i32
      %dma_wait3A_278 = arith.constant 0 : i32
      %dma_wait3A_279 = tpu.memref_slice %arg3[%dma_wait3A_278, %mul3A_277] : memref<2x2684354xi32, #tpu.memory_space<hbm>> -> memref<2x4096xi32, #tpu.memory_space<hbm>>
      %dma_wait3A_280 = arith.constant 0 : i32
      %dma_wait3A_281 = tpu.memref_slice %arg3[%dma_wait3A_280, %mul3A_277] : memref<2x2684354xi32, #tpu.memory_space<hbm>> -> memref<2x4096xi32, #tpu.memory_space<hbm>>
      tpu.wait_dma2 semaphore(%arg20 : memref<!tpu.dma_semaphore, #tpu.memory_space<semaphore_mem>>) src(%dma_wait3A_281 : memref<2x4096xi32, #tpu.memory_space<hbm>>) dst(%arg17 : memref<2x4096xi32, #tpu.memory_space<vmem>>)
      %dma_wait3A_282 = tpu.memref_slice %arg4[%mul3A_277] : memref<2684354xf32, #tpu.memory_space<hbm>> -> memref<4096xf32, #tpu.memory_space<hbm>>
      %dma_wait3A_283 = tpu.memref_slice %arg4[%mul3A_277] : memref<2684354xf32, #tpu.memory_space<hbm>> -> memref<4096xf32, #tpu.memory_space<hbm>>
      tpu.wait_dma2 semaphore(%arg20 : memref<!tpu.dma_semaphore, #tpu.memory_space<semaphore_mem>>) src(%dma_wait3A_283 : memref<4096xf32, #tpu.memory_space<hbm>>) dst(%arg18 : memref<4096xf32, #tpu.memory_space<vmem>>)
      %parallel_loop3A_284 = arith.constant 0 : i32
      %parallel_loop3A_285 = arith.constant 4096 : i32
      %parallel_loop3A_286 = arith.constant 16 : i32
      scf.for %parallel_loop3A_294 = %parallel_loop3A_284 to %parallel_loop3A_285 step %parallel_loop3A_286  : i32 {
        %parallel_loop3A_295 = arith.constant 0 : i32
        %parallel_loop3A_296 = arith.index_cast %parallel_loop3A_295 : i32 to index
        %parallel_loop3A_297 = arith.index_cast %parallel_loop3A_294 : i32 to index
        %parallel_loop3A_298 = tpu.vector_load %arg17[%parallel_loop3A_296, %parallel_loop3A_297] {strides = array<i32>} : memref<2x4096xi32, #tpu.memory_space<vmem>>, vector<16xi32>,
        %parallel_loop3A_299 = arith.constant 1 : i32
        %parallel_loop3A_300 = arith.index_cast %parallel_loop3A_299 : i32 to index
        %parallel_loop3A_301 = arith.index_cast %parallel_loop3A_294 : i32 to index
        %parallel_loop3A_302 = tpu.vector_load %arg17[%parallel_loop3A_300, %parallel_loop3A_301] {strides = array<i32>} : memref<2x4096xi32, #tpu.memory_space<vmem>>, vector<16xi32>,
        %parallel_loop3A_303 = arith.index_cast %parallel_loop3A_294 : i32 to index
        %parallel_loop3A_304 = tpu.vector_load %arg18[%parallel_loop3A_303] {strides = array<i32>} : memref<4096xf32, #tpu.memory_space<vmem>>, vector<16xf32>,
        %parallel_loop3A_305 = tpu.vector_load_idx %arg9[%parallel_loop3A_298] : memref<16384xi32, #tpu.memory_space<vmem>>[vector<16xi32>], vector<16xi32>,
        %parallel_loop3A_306 = tpu.vector_load_idx %arg10[%parallel_loop3A_298] : memref<16384xi32, #tpu.memory_space<vmem>>[vector<16xi32>], vector<16xi32>,
        %parallel_loop3A_307 = arith.andi %parallel_loop3A_305, %broadcast_in_dim3A_56 : vector<16xi32>
        %parallel_loop3A_308 = vector.bitcast %parallel_loop3A_307 : vector<16xi32> to vector<16xf32>
        %parallel_loop3A_309 = arith.constant 16 : i32
        %parallel_loop3A_310 = vector.broadcast %parallel_loop3A_309 : i32 to vector<16xi32>
        %parallel_loop3A_311 = arith.shli %parallel_loop3A_305, %parallel_loop3A_310 : vector<16xi32>
        %parallel_loop3A_312 = vector.bitcast %parallel_loop3A_311 : vector<16xi32> to vector<16xf32>
        %parallel_loop3A_313 = arith.andi %parallel_loop3A_306, %broadcast_in_dim3A_56 : vector<16xi32>
        %parallel_loop3A_314 = vector.bitcast %parallel_loop3A_313 : vector<16xi32> to vector<16xf32>
        %parallel_loop3A_315 = arith.constant 16 : i32
        %parallel_loop3A_316 = vector.broadcast %parallel_loop3A_315 : i32 to vector<16xi32>
        %parallel_loop3A_317 = arith.shli %parallel_loop3A_306, %parallel_loop3A_316 : vector<16xi32>
        %parallel_loop3A_318 = vector.bitcast %parallel_loop3A_317 : vector<16xi32> to vector<16xf32>
        %parallel_loop3A_319 = arith.mulf %parallel_loop3A_308, %parallel_loop3A_304 : vector<16xf32>
        tpu.vector_store_idx %arg11[%parallel_loop3A_302], %parallel_loop3A_319 {add = true} : memref<16384xf32, #tpu.memory_space<vmem>>[vector<16xi32>], vector<16xf32>,
        %parallel_loop3A_320 = arith.mulf %parallel_loop3A_312, %parallel_loop3A_304 : vector<16xf32>
        tpu.vector_store_idx %arg12[%parallel_loop3A_302], %parallel_loop3A_320 {add = true} : memref<16384xf32, #tpu.memory_space<vmem>>[vector<16xi32>], vector<16xf32>,
        %parallel_loop3A_321 = arith.mulf %parallel_loop3A_314, %parallel_loop3A_304 : vector<16xf32>
        tpu.vector_store_idx %arg13[%parallel_loop3A_302], %parallel_loop3A_321 {add = true} : memref<16384xf32, #tpu.memory_space<vmem>>[vector<16xi32>], vector<16xf32>,
        %parallel_loop3A_322 = arith.mulf %parallel_loop3A_318, %parallel_loop3A_304 : vector<16xf32>
        tpu.vector_store_idx %arg14[%parallel_loop3A_302], %parallel_loop3A_322 {add = true} : memref<16384xf32, #tpu.memory_space<vmem>>[vector<16xi32>], vector<16xf32>,
      } {sc.loop_unroll_factor = 12 : i64, sc.parallel_access}
      %add3A_287 = arith.constant 3 : i32
      %add3A_288 = arith.addi %mul3A_249, %add3A_287 : i32
      %lt3A_289 = arith.constant 80 : i32
      %lt3A_290 = arith.cmpi slt, %add3A_288, %lt3A_289 : i32
      %convert_element_type3A_291 = arith.extui %lt3A_290 : i1 to i32
      %cond3A_292 = arith.constant 0 : i32
      %cond3A_293 = arith.cmpi ne, %convert_element_type3A_291, %cond3A_292 : i32
      scf.if %cond3A_293 {
        %add3A_294 = arith.constant 3 : i32
        %add3A_295 = arith.addi %mul3A_249, %add3A_294 : i32
        %mul3A_296 = arith.constant 8 : i32
        %mul3A_297 = arith.muli %add3A_295, %mul3A_296 : i32
        %add3A_298 = arith.addi %mul3A_297, %select_n3A_30 : i32
        %mul3A_299 = arith.constant 4096 : i32
        %mul3A_300 = arith.muli %add3A_298, %mul3A_299 : i32
        %dma_start3A_301 = arith.constant 0 : i32
        %dma_start3A_302 = tpu.memref_slice %arg3[%dma_start3A_301, %mul3A_300] : memref<2x2684354xi32, #tpu.memory_space<hbm>> -> memref<2x4096xi32, #tpu.memory_space<hbm>>
        %dma_start3A_303 = arith.constant 0 : i32
        %dma_start3A_304 = tpu.memref_slice %arg3[%dma_start3A_303, %mul3A_300] : memref<2x2684354xi32, #tpu.memory_space<hbm>> -> memref<2x4096xi32, #tpu.memory_space<hbm>>
        tpu.enqueue_dma source(%dma_start3A_304 : memref<2x4096xi32, #tpu.memory_space<hbm>>) target(%arg17 : memref<2x4096xi32, #tpu.memory_space<vmem>>) target_semaphore(%arg20 : memref<!tpu.dma_semaphore, #tpu.memory_space<semaphore_mem>>)
        %dma_start3A_305 = tpu.memref_slice %arg4[%mul3A_300] : memref<2684354xf32, #tpu.memory_space<hbm>> -> memref<4096xf32, #tpu.memory_space<hbm>>
        %dma_start3A_306 = tpu.memref_slice %arg4[%mul3A_300] : memref<2684354xf32, #tpu.memory_space<hbm>> -> memref<4096xf32, #tpu.memory_space<hbm>>
        tpu.enqueue_dma source(%dma_start3A_306 : memref<4096xf32, #tpu.memory_space<hbm>>) target(%arg18 : memref<4096xf32, #tpu.memory_space<vmem>>) target_semaphore(%arg20 : memref<!tpu.dma_semaphore, #tpu.memory_space<semaphore_mem>>)
      } else {
      }
    }
    %scan3A_139 = arith.constant 40 : i32
    %add3A_140 = arith.constant 640 : i32
    %add3A_141 = arith.addi %add3A_140, %select_n3A_30 : i32
    %lt3A_142 = arith.constant 655 : i32
    %lt3A_143 = arith.cmpi slt, %add3A_141, %lt3A_142 : i32
    %convert_element_type3A_144 = arith.extui %lt3A_143 : i1 to i32
    %cond3A_145 = arith.constant 0 : i32
    %cond3A_146 = arith.cmpi ne, %convert_element_type3A_144, %cond3A_145 : i32
    scf.if %cond3A_146 {
      %add3A_247 = arith.constant 640 : i32
      %add3A_248 = arith.addi %add3A_247, %select_n3A_30 : i32
      %mul3A_249 = arith.constant 4096 : i32
      %mul3A_250 = arith.muli %add3A_248, %mul3A_249 : i32
      %dma_start3A_251 = arith.constant 0 : i32
      %dma_start3A_252 = tpu.memref_slice %arg3[%dma_start3A_251, %mul3A_250] : memref<2x2684354xi32, #tpu.memory_space<hbm>> -> memref<2x4096xi32, #tpu.memory_space<hbm>>
      %dma_start3A_253 = arith.constant 0 : i32
      %dma_start3A_254 = tpu.memref_slice %arg3[%dma_start3A_253, %mul3A_250] : memref<2x2684354xi32, #tpu.memory_space<hbm>> -> memref<2x4096xi32, #tpu.memory_space<hbm>>
      tpu.enqueue_dma source(%dma_start3A_254 : memref<2x4096xi32, #tpu.memory_space<hbm>>) target(%arg15 : memref<2x4096xi32, #tpu.memory_space<vmem>>) target_semaphore(%arg19 : memref<!tpu.dma_semaphore, #tpu.memory_space<semaphore_mem>>)
      %dma_start3A_255 = tpu.memref_slice %arg4[%mul3A_250] : memref<2684354xf32, #tpu.memory_space<hbm>> -> memref<4096xf32, #tpu.memory_space<hbm>>
      %dma_start3A_256 = tpu.memref_slice %arg4[%mul3A_250] : memref<2684354xf32, #tpu.memory_space<hbm>> -> memref<4096xf32, #tpu.memory_space<hbm>>
      tpu.enqueue_dma source(%dma_start3A_256 : memref<4096xf32, #tpu.memory_space<hbm>>) target(%arg16 : memref<4096xf32, #tpu.memory_space<vmem>>) target_semaphore(%arg19 : memref<!tpu.dma_semaphore, #tpu.memory_space<semaphore_mem>>)
      %add3A_257 = arith.constant 640 : i32
      %add3A_258 = arith.addi %add3A_257, %select_n3A_30 : i32
      %mul3A_259 = arith.constant 4096 : i32
      %mul3A_260 = arith.muli %add3A_258, %mul3A_259 : i32
      %dma_wait3A_261 = arith.constant 0 : i32
      %dma_wait3A_262 = tpu.memref_slice %arg3[%dma_wait3A_261, %mul3A_260] : memref<2x2684354xi32, #tpu.memory_space<hbm>> -> memref<2x4096xi32, #tpu.memory_space<hbm>>
      %dma_wait3A_263 = arith.constant 0 : i32
      %dma_wait3A_264 = tpu.memref_slice %arg3[%dma_wait3A_263, %mul3A_260] : memref<2x2684354xi32, #tpu.memory_space<hbm>> -> memref<2x4096xi32, #tpu.memory_space<hbm>>
      tpu.wait_dma2 semaphore(%arg19 : memref<!tpu.dma_semaphore, #tpu.memory_space<semaphore_mem>>) src(%dma_wait3A_264 : memref<2x4096xi32, #tpu.memory_space<hbm>>) dst(%arg15 : memref<2x4096xi32, #tpu.memory_space<vmem>>)
      %dma_wait3A_265 = tpu.memref_slice %arg4[%mul3A_260] : memref<2684354xf32, #tpu.memory_space<hbm>> -> memref<4096xf32, #tpu.memory_space<hbm>>
      %dma_wait3A_266 = tpu.memref_slice %arg4[%mul3A_260] : memref<2684354xf32, #tpu.memory_space<hbm>> -> memref<4096xf32, #tpu.memory_space<hbm>>
      tpu.wait_dma2 semaphore(%arg19 : memref<!tpu.dma_semaphore, #tpu.memory_space<semaphore_mem>>) src(%dma_wait3A_266 : memref<4096xf32, #tpu.memory_space<hbm>>) dst(%arg16 : memref<4096xf32, #tpu.memory_space<vmem>>)
      %parallel_loop3A_267 = arith.constant 0 : i32
      %parallel_loop3A_268 = arith.constant 4096 : i32
      %parallel_loop3A_269 = arith.constant 16 : i32
      scf.for %parallel_loop3A_270 = %parallel_loop3A_267 to %parallel_loop3A_268 step %parallel_loop3A_269  : i32 {
        %parallel_loop3A_271 = arith.constant 0 : i32
        %parallel_loop3A_272 = arith.index_cast %parallel_loop3A_271 : i32 to index
        %parallel_loop3A_273 = arith.index_cast %parallel_loop3A_270 : i32 to index
        %parallel_loop3A_274 = tpu.vector_load %arg15[%parallel_loop3A_272, %parallel_loop3A_273] {strides = array<i32>} : memref<2x4096xi32, #tpu.memory_space<vmem>>, vector<16xi32>,
        %parallel_loop3A_275 = arith.constant 1 : i32
        %parallel_loop3A_276 = arith.index_cast %parallel_loop3A_275 : i32 to index
        %parallel_loop3A_277 = arith.index_cast %parallel_loop3A_270 : i32 to index
        %parallel_loop3A_278 = tpu.vector_load %arg15[%parallel_loop3A_276, %parallel_loop3A_277] {strides = array<i32>} : memref<2x4096xi32, #tpu.memory_space<vmem>>, vector<16xi32>,
        %parallel_loop3A_279 = arith.index_cast %parallel_loop3A_270 : i32 to index
        %parallel_loop3A_280 = tpu.vector_load %arg16[%parallel_loop3A_279] {strides = array<i32>} : memref<4096xf32, #tpu.memory_space<vmem>>, vector<16xf32>,
        %parallel_loop3A_281 = tpu.vector_load_idx %arg9[%parallel_loop3A_274] : memref<16384xi32, #tpu.memory_space<vmem>>[vector<16xi32>], vector<16xi32>,
        %parallel_loop3A_282 = tpu.vector_load_idx %arg10[%parallel_loop3A_274] : memref<16384xi32, #tpu.memory_space<vmem>>[vector<16xi32>], vector<16xi32>,
        %parallel_loop3A_283 = arith.andi %parallel_loop3A_281, %broadcast_in_dim3A_56 : vector<16xi32>
        %parallel_loop3A_284 = vector.bitcast %parallel_loop3A_283 : vector<16xi32> to vector<16xf32>
        %parallel_loop3A_285 = arith.constant 16 : i32
        %parallel_loop3A_286 = vector.broadcast %parallel_loop3A_285 : i32 to vector<16xi32>
        %parallel_loop3A_287 = arith.shli %parallel_loop3A_281, %parallel_loop3A_286 : vector<16xi32>
        %parallel_loop3A_288 = vector.bitcast %parallel_loop3A_287 : vector<16xi32> to vector<16xf32>
        %parallel_loop3A_289 = arith.andi %parallel_loop3A_282, %broadcast_in_dim3A_56 : vector<16xi32>
        %parallel_loop3A_290 = vector.bitcast %parallel_loop3A_289 : vector<16xi32> to vector<16xf32>
        %parallel_loop3A_291 = arith.constant 16 : i32
        %parallel_loop3A_292 = vector.broadcast %parallel_loop3A_291 : i32 to vector<16xi32>
        %parallel_loop3A_293 = arith.shli %parallel_loop3A_282, %parallel_loop3A_292 : vector<16xi32>
        %parallel_loop3A_294 = vector.bitcast %parallel_loop3A_293 : vector<16xi32> to vector<16xf32>
        %parallel_loop3A_295 = arith.mulf %parallel_loop3A_284, %parallel_loop3A_280 : vector<16xf32>
        tpu.vector_store_idx %arg11[%parallel_loop3A_278], %parallel_loop3A_295 {add = true} : memref<16384xf32, #tpu.memory_space<vmem>>[vector<16xi32>], vector<16xf32>,
        %parallel_loop3A_296 = arith.mulf %parallel_loop3A_288, %parallel_loop3A_280 : vector<16xf32>
        tpu.vector_store_idx %arg12[%parallel_loop3A_278], %parallel_loop3A_296 {add = true} : memref<16384xf32, #tpu.memory_space<vmem>>[vector<16xi32>], vector<16xf32>,
        %parallel_loop3A_297 = arith.mulf %parallel_loop3A_290, %parallel_loop3A_280 : vector<16xf32>
        tpu.vector_store_idx %arg13[%parallel_loop3A_278], %parallel_loop3A_297 {add = true} : memref<16384xf32, #tpu.memory_space<vmem>>[vector<16xi32>], vector<16xf32>,
        %parallel_loop3A_298 = arith.mulf %parallel_loop3A_294, %parallel_loop3A_280 : vector<16xf32>
        tpu.vector_store_idx %arg14[%parallel_loop3A_278], %parallel_loop3A_298 {add = true} : memref<16384xf32, #tpu.memory_space<vmem>>[vector<16xi32>], vector<16xf32>,
      } {sc.loop_unroll_factor = 12 : i64, sc.parallel_access}
    } else {
    }
    %add3A_147 = arith.constant 648 : i32
    %add3A_148 = arith.addi %add3A_147, %select_n3A_30 : i32
    %lt3A_149 = arith.constant 655 : i32
    %lt3A_150 = arith.cmpi slt, %add3A_148, %lt3A_149 : i32
    %convert_element_type3A_151 = arith.extui %lt3A_150 : i1 to i32
    %cond3A_152 = arith.constant 0 : i32
    %cond3A_153 = arith.cmpi ne, %convert_element_type3A_151, %cond3A_152 : i32
    scf.if %cond3A_153 {
      %add3A_247 = arith.constant 648 : i32
      %add3A_248 = arith.addi %add3A_247, %select_n3A_30 : i32
      %mul3A_249 = arith.constant 4096 : i32
      %mul3A_250 = arith.muli %add3A_248, %mul3A_249 : i32
      %dma_start3A_251 = arith.constant 0 : i32
      %dma_start3A_252 = tpu.memref_slice %arg3[%dma_start3A_251, %mul3A_250] : memref<2x2684354xi32, #tpu.memory_space<hbm>> -> memref<2x4096xi32, #tpu.memory_space<hbm>>
      %dma_start3A_253 = arith.constant 0 : i32
      %dma_start3A_254 = tpu.memref_slice %arg3[%dma_start3A_253, %mul3A_250] : memref<2x2684354xi32, #tpu.memory_space<hbm>> -> memref<2x4096xi32, #tpu.memory_space<hbm>>
      tpu.enqueue_dma source(%dma_start3A_254 : memref<2x4096xi32, #tpu.memory_space<hbm>>) target(%arg17 : memref<2x4096xi32, #tpu.memory_space<vmem>>) target_semaphore(%arg20 : memref<!tpu.dma_semaphore, #tpu.memory_space<semaphore_mem>>)
      %dma_start3A_255 = tpu.memref_slice %arg4[%mul3A_250] : memref<2684354xf32, #tpu.memory_space<hbm>> -> memref<4096xf32, #tpu.memory_space<hbm>>
      %dma_start3A_256 = tpu.memref_slice %arg4[%mul3A_250] : memref<2684354xf32, #tpu.memory_space<hbm>> -> memref<4096xf32, #tpu.memory_space<hbm>>
      tpu.enqueue_dma source(%dma_start3A_256 : memref<4096xf32, #tpu.memory_space<hbm>>) target(%arg18 : memref<4096xf32, #tpu.memory_space<vmem>>) target_semaphore(%arg20 : memref<!tpu.dma_semaphore, #tpu.memory_space<semaphore_mem>>)
      %add3A_257 = arith.constant 648 : i32
      %add3A_258 = arith.addi %add3A_257, %select_n3A_30 : i32
      %mul3A_259 = arith.constant 4096 : i32
      %mul3A_260 = arith.muli %add3A_258, %mul3A_259 : i32
      %dma_wait3A_261 = arith.constant 0 : i32
      %dma_wait3A_262 = tpu.memref_slice %arg3[%dma_wait3A_261, %mul3A_260] : memref<2x2684354xi32, #tpu.memory_space<hbm>> -> memref<2x4096xi32, #tpu.memory_space<hbm>>
      %dma_wait3A_263 = arith.constant 0 : i32
      %dma_wait3A_264 = tpu.memref_slice %arg3[%dma_wait3A_263, %mul3A_260] : memref<2x2684354xi32, #tpu.memory_space<hbm>> -> memref<2x4096xi32, #tpu.memory_space<hbm>>
      tpu.wait_dma2 semaphore(%arg20 : memref<!tpu.dma_semaphore, #tpu.memory_space<semaphore_mem>>) src(%dma_wait3A_264 : memref<2x4096xi32, #tpu.memory_space<hbm>>) dst(%arg17 : memref<2x4096xi32, #tpu.memory_space<vmem>>)
      %dma_wait3A_265 = tpu.memref_slice %arg4[%mul3A_260] : memref<2684354xf32, #tpu.memory_space<hbm>> -> memref<4096xf32, #tpu.memory_space<hbm>>
      %dma_wait3A_266 = tpu.memref_slice %arg4[%mul3A_260] : memref<2684354xf32, #tpu.memory_space<hbm>> -> memref<4096xf32, #tpu.memory_space<hbm>>
      tpu.wait_dma2 semaphore(%arg20 : memref<!tpu.dma_semaphore, #tpu.memory_space<semaphore_mem>>) src(%dma_wait3A_266 : memref<4096xf32, #tpu.memory_space<hbm>>) dst(%arg18 : memref<4096xf32, #tpu.memory_space<vmem>>)
      %parallel_loop3A_267 = arith.constant 0 : i32
      %parallel_loop3A_268 = arith.constant 4096 : i32
      %parallel_loop3A_269 = arith.constant 16 : i32
      scf.for %parallel_loop3A_270 = %parallel_loop3A_267 to %parallel_loop3A_268 step %parallel_loop3A_269  : i32 {
        %parallel_loop3A_271 = arith.constant 0 : i32
        %parallel_loop3A_272 = arith.index_cast %parallel_loop3A_271 : i32 to index
        %parallel_loop3A_273 = arith.index_cast %parallel_loop3A_270 : i32 to index
        %parallel_loop3A_274 = tpu.vector_load %arg17[%parallel_loop3A_272, %parallel_loop3A_273] {strides = array<i32>} : memref<2x4096xi32, #tpu.memory_space<vmem>>, vector<16xi32>,
        %parallel_loop3A_275 = arith.constant 1 : i32
        %parallel_loop3A_276 = arith.index_cast %parallel_loop3A_275 : i32 to index
        %parallel_loop3A_277 = arith.index_cast %parallel_loop3A_270 : i32 to index
        %parallel_loop3A_278 = tpu.vector_load %arg17[%parallel_loop3A_276, %parallel_loop3A_277] {strides = array<i32>} : memref<2x4096xi32, #tpu.memory_space<vmem>>, vector<16xi32>,
        %parallel_loop3A_279 = arith.index_cast %parallel_loop3A_270 : i32 to index
        %parallel_loop3A_280 = tpu.vector_load %arg18[%parallel_loop3A_279] {strides = array<i32>} : memref<4096xf32, #tpu.memory_space<vmem>>, vector<16xf32>,
        %parallel_loop3A_281 = tpu.vector_load_idx %arg9[%parallel_loop3A_274] : memref<16384xi32, #tpu.memory_space<vmem>>[vector<16xi32>], vector<16xi32>,
        %parallel_loop3A_282 = tpu.vector_load_idx %arg10[%parallel_loop3A_274] : memref<16384xi32, #tpu.memory_space<vmem>>[vector<16xi32>], vector<16xi32>,
        %parallel_loop3A_283 = arith.andi %parallel_loop3A_281, %broadcast_in_dim3A_56 : vector<16xi32>
        %parallel_loop3A_284 = vector.bitcast %parallel_loop3A_283 : vector<16xi32> to vector<16xf32>
        %parallel_loop3A_285 = arith.constant 16 : i32
        %parallel_loop3A_286 = vector.broadcast %parallel_loop3A_285 : i32 to vector<16xi32>
        %parallel_loop3A_287 = arith.shli %parallel_loop3A_281, %parallel_loop3A_286 : vector<16xi32>
        %parallel_loop3A_288 = vector.bitcast %parallel_loop3A_287 : vector<16xi32> to vector<16xf32>
        %parallel_loop3A_289 = arith.andi %parallel_loop3A_282, %broadcast_in_dim3A_56 : vector<16xi32>
        %parallel_loop3A_290 = vector.bitcast %parallel_loop3A_289 : vector<16xi32> to vector<16xf32>
        %parallel_loop3A_291 = arith.constant 16 : i32
        %parallel_loop3A_292 = vector.broadcast %parallel_loop3A_291 : i32 to vector<16xi32>
        %parallel_loop3A_293 = arith.shli %parallel_loop3A_282, %parallel_loop3A_292 : vector<16xi32>
        %parallel_loop3A_294 = vector.bitcast %parallel_loop3A_293 : vector<16xi32> to vector<16xf32>
        %parallel_loop3A_295 = arith.mulf %parallel_loop3A_284, %parallel_loop3A_280 : vector<16xf32>
        tpu.vector_store_idx %arg11[%parallel_loop3A_278], %parallel_loop3A_295 {add = true} : memref<16384xf32, #tpu.memory_space<vmem>>[vector<16xi32>], vector<16xf32>,
        %parallel_loop3A_296 = arith.mulf %parallel_loop3A_288, %parallel_loop3A_280 : vector<16xf32>
        tpu.vector_store_idx %arg12[%parallel_loop3A_278], %parallel_loop3A_296 {add = true} : memref<16384xf32, #tpu.memory_space<vmem>>[vector<16xi32>], vector<16xf32>,
        %parallel_loop3A_297 = arith.mulf %parallel_loop3A_290, %parallel_loop3A_280 : vector<16xf32>
        tpu.vector_store_idx %arg13[%parallel_loop3A_278], %parallel_loop3A_297 {add = true} : memref<16384xf32, #tpu.memory_space<vmem>>[vector<16xi32>], vector<16xf32>,
        %parallel_loop3A_298 = arith.mulf %parallel_loop3A_294, %parallel_loop3A_280 : vector<16xf32>
        tpu.vector_store_idx %arg14[%parallel_loop3A_278], %parallel_loop3A_298 {add = true} : memref<16384xf32, #tpu.memory_space<vmem>>[vector<16xi32>], vector<16xf32>,
      } {sc.loop_unroll_factor = 12 : i64, sc.parallel_access}
    } else {
    }
    %eq3A_154 = arith.constant 7 : i32
    %eq3A_155 = arith.cmpi eq, %select_n3A_30, %eq3A_154 : i32
    %convert_element_type3A_156 = arith.extui %eq3A_155 : i1 to i32
    %cond3A_157 = arith.constant 0 : i32
    %cond3A_158 = arith.cmpi ne, %convert_element_type3A_156, %cond3A_157 : i32
    scf.if %cond3A_158 {
      tpu.enqueue_dma source(%arg5 : memref<2x4096xi32, #tpu.memory_space<hbm>>) target(%arg15 : memref<2x4096xi32, #tpu.memory_space<vmem>>) target_semaphore(%arg19 : memref<!tpu.dma_semaphore, #tpu.memory_space<semaphore_mem>>)
      tpu.enqueue_dma source(%arg6 : memref<4096xf32, #tpu.memory_space<hbm>>) target(%arg16 : memref<4096xf32, #tpu.memory_space<vmem>>) target_semaphore(%arg19 : memref<!tpu.dma_semaphore, #tpu.memory_space<semaphore_mem>>)
      tpu.wait_dma2 semaphore(%arg19 : memref<!tpu.dma_semaphore, #tpu.memory_space<semaphore_mem>>) src(%arg5 : memref<2x4096xi32, #tpu.memory_space<hbm>>) dst(%arg15 : memref<2x4096xi32, #tpu.memory_space<vmem>>)
      tpu.wait_dma2 semaphore(%arg19 : memref<!tpu.dma_semaphore, #tpu.memory_space<semaphore_mem>>) src(%arg6 : memref<4096xf32, #tpu.memory_space<hbm>>) dst(%arg16 : memref<4096xf32, #tpu.memory_space<vmem>>)
      %parallel_loop3A_247 = arith.constant 0 : i32
      %parallel_loop3A_248 = arith.constant 4096 : i32
      %parallel_loop3A_249 = arith.constant 16 : i32
      scf.for %parallel_loop3A_250 = %parallel_loop3A_247 to %parallel_loop3A_248 step %parallel_loop3A_249  : i32 {
        %parallel_loop3A_251 = arith.constant 0 : i32
        %parallel_loop3A_252 = arith.index_cast %parallel_loop3A_251 : i32 to index
        %parallel_loop3A_253 = arith.index_cast %parallel_loop3A_250 : i32 to index
        %parallel_loop3A_254 = tpu.vector_load %arg15[%parallel_loop3A_252, %parallel_loop3A_253] {strides = array<i32>} : memref<2x4096xi32, #tpu.memory_space<vmem>>, vector<16xi32>,
        %parallel_loop3A_255 = arith.constant 1 : i32
        %parallel_loop3A_256 = arith.index_cast %parallel_loop3A_255 : i32 to index
        %parallel_loop3A_257 = arith.index_cast %parallel_loop3A_250 : i32 to index
        %parallel_loop3A_258 = tpu.vector_load %arg15[%parallel_loop3A_256, %parallel_loop3A_257] {strides = array<i32>} : memref<2x4096xi32, #tpu.memory_space<vmem>>, vector<16xi32>,
        %parallel_loop3A_259 = arith.index_cast %parallel_loop3A_250 : i32 to index
        %parallel_loop3A_260 = tpu.vector_load %arg16[%parallel_loop3A_259] {strides = array<i32>} : memref<4096xf32, #tpu.memory_space<vmem>>, vector<16xf32>,
        %parallel_loop3A_261 = tpu.vector_load_idx %arg9[%parallel_loop3A_254] : memref<16384xi32, #tpu.memory_space<vmem>>[vector<16xi32>], vector<16xi32>,
        %parallel_loop3A_262 = tpu.vector_load_idx %arg10[%parallel_loop3A_254] : memref<16384xi32, #tpu.memory_space<vmem>>[vector<16xi32>], vector<16xi32>,
        %parallel_loop3A_263 = arith.andi %parallel_loop3A_261, %broadcast_in_dim3A_56 : vector<16xi32>
        %parallel_loop3A_264 = vector.bitcast %parallel_loop3A_263 : vector<16xi32> to vector<16xf32>
        %parallel_loop3A_265 = arith.constant 16 : i32
        %parallel_loop3A_266 = vector.broadcast %parallel_loop3A_265 : i32 to vector<16xi32>
        %parallel_loop3A_267 = arith.shli %parallel_loop3A_261, %parallel_loop3A_266 : vector<16xi32>
        %parallel_loop3A_268 = vector.bitcast %parallel_loop3A_267 : vector<16xi32> to vector<16xf32>
        %parallel_loop3A_269 = arith.andi %parallel_loop3A_262, %broadcast_in_dim3A_56 : vector<16xi32>
        %parallel_loop3A_270 = vector.bitcast %parallel_loop3A_269 : vector<16xi32> to vector<16xf32>
        %parallel_loop3A_271 = arith.constant 16 : i32
        %parallel_loop3A_272 = vector.broadcast %parallel_loop3A_271 : i32 to vector<16xi32>
        %parallel_loop3A_273 = arith.shli %parallel_loop3A_262, %parallel_loop3A_272 : vector<16xi32>
        %parallel_loop3A_274 = vector.bitcast %parallel_loop3A_273 : vector<16xi32> to vector<16xf32>
        %parallel_loop3A_275 = arith.mulf %parallel_loop3A_264, %parallel_loop3A_260 : vector<16xf32>
        tpu.vector_store_idx %arg11[%parallel_loop3A_258], %parallel_loop3A_275 {add = true} : memref<16384xf32, #tpu.memory_space<vmem>>[vector<16xi32>], vector<16xf32>,
        %parallel_loop3A_276 = arith.mulf %parallel_loop3A_268, %parallel_loop3A_260 : vector<16xf32>
        tpu.vector_store_idx %arg12[%parallel_loop3A_258], %parallel_loop3A_276 {add = true} : memref<16384xf32, #tpu.memory_space<vmem>>[vector<16xi32>], vector<16xf32>,
        %parallel_loop3A_277 = arith.mulf %parallel_loop3A_270, %parallel_loop3A_260 : vector<16xf32>
        tpu.vector_store_idx %arg13[%parallel_loop3A_258], %parallel_loop3A_277 {add = true} : memref<16384xf32, #tpu.memory_space<vmem>>[vector<16xi32>], vector<16xf32>,
        %parallel_loop3A_278 = arith.mulf %parallel_loop3A_274, %parallel_loop3A_260 : vector<16xf32>
        tpu.vector_store_idx %arg14[%parallel_loop3A_258], %parallel_loop3A_278 {add = true} : memref<16384xf32, #tpu.memory_space<vmem>>[vector<16xi32>], vector<16xf32>,
      } {sc.loop_unroll_factor = 12 : i64, sc.parallel_access}
    } else {
    }
    %mul3A_159 = arith.constant 16 : i32
    %mul3A_160 = arith.muli %select_n3A_30, %mul3A_159 : i32
    %add3A_161 = arith.addi %mul3A_160, %mul3A_32 : i32
    %add3A_162 = arith.constant 0 : i32
    %add3A_163 = arith.addi %add3A_161, %add3A_162 : i32
    %dma_start3A_164 = arith.constant 0 : i32
    %dma_start3A_165 = tpu.memref_slice %arg8[%add3A_163, %dma_start3A_164] : memref<128x16384xf32, #tpu.memory_space<hbm>> -> memref<1x16384xf32, #tpu.memory_space<hbm>>
    %dma_start3A_166 = tpu.memref_squeeze %dma_start3A_165 : memref<1x16384xf32, #tpu.memory_space<hbm>> -> memref<16384xf32, #tpu.memory_space<hbm>>
    %dma_start3A_167 = arith.constant 0 : i32
    %dma_start3A_168 = tpu.memref_slice %arg8[%add3A_163, %dma_start3A_167] : memref<128x16384xf32, #tpu.memory_space<hbm>> -> memref<1x16384xf32, #tpu.memory_space<hbm>>
    %dma_start3A_169 = tpu.memref_squeeze %dma_start3A_168 : memref<1x16384xf32, #tpu.memory_space<hbm>> -> memref<16384xf32, #tpu.memory_space<hbm>>
    tpu.enqueue_dma source(%arg11 : memref<16384xf32, #tpu.memory_space<vmem>>) target(%dma_start3A_169 : memref<16384xf32, #tpu.memory_space<hbm>>) target_semaphore(%arg21 : memref<!tpu.dma_semaphore, #tpu.memory_space<semaphore_mem>>)
    %mul3A_170 = arith.constant 16 : i32
    %mul3A_171 = arith.muli %select_n3A_30, %mul3A_170 : i32
    %add3A_172 = arith.addi %mul3A_171, %mul3A_32 : i32
    %add3A_173 = arith.constant 1 : i32
    %add3A_174 = arith.addi %add3A_172, %add3A_173 : i32
    %dma_start3A_175 = arith.constant 0 : i32
    %dma_start3A_176 = tpu.memref_slice %arg8[%add3A_174, %dma_start3A_175] : memref<128x16384xf32, #tpu.memory_space<hbm>> -> memref<1x16384xf32, #tpu.memory_space<hbm>>
    %dma_start3A_177 = tpu.memref_squeeze %dma_start3A_176 : memref<1x16384xf32, #tpu.memory_space<hbm>> -> memref<16384xf32, #tpu.memory_space<hbm>>
    %dma_start3A_178 = arith.constant 0 : i32
    %dma_start3A_179 = tpu.memref_slice %arg8[%add3A_174, %dma_start3A_178] : memref<128x16384xf32, #tpu.memory_space<hbm>> -> memref<1x16384xf32, #tpu.memory_space<hbm>>
    %dma_start3A_180 = tpu.memref_squeeze %dma_start3A_179 : memref<1x16384xf32, #tpu.memory_space<hbm>> -> memref<16384xf32, #tpu.memory_space<hbm>>
    tpu.enqueue_dma source(%arg12 : memref<16384xf32, #tpu.memory_space<vmem>>) target(%dma_start3A_180 : memref<16384xf32, #tpu.memory_space<hbm>>) target_semaphore(%arg21 : memref<!tpu.dma_semaphore, #tpu.memory_space<semaphore_mem>>)
    %mul3A_181 = arith.constant 16 : i32
    %mul3A_182 = arith.muli %select_n3A_30, %mul3A_181 : i32
    %add3A_183 = arith.addi %mul3A_182, %mul3A_32 : i32
    %add3A_184 = arith.constant 2 : i32
    %add3A_185 = arith.addi %add3A_183, %add3A_184 : i32
    %dma_start3A_186 = arith.constant 0 : i32
    %dma_start3A_187 = tpu.memref_slice %arg8[%add3A_185, %dma_start3A_186] : memref<128x16384xf32, #tpu.memory_space<hbm>> -> memref<1x16384xf32, #tpu.memory_space<hbm>>
    %dma_start3A_188 = tpu.memref_squeeze %dma_start3A_187 : memref<1x16384xf32, #tpu.memory_space<hbm>> -> memref<16384xf32, #tpu.memory_space<hbm>>
    %dma_start3A_189 = arith.constant 0 : i32
    %dma_start3A_190 = tpu.memref_slice %arg8[%add3A_185, %dma_start3A_189] : memref<128x16384xf32, #tpu.memory_space<hbm>> -> memref<1x16384xf32, #tpu.memory_space<hbm>>
    %dma_start3A_191 = tpu.memref_squeeze %dma_start3A_190 : memref<1x16384xf32, #tpu.memory_space<hbm>> -> memref<16384xf32, #tpu.memory_space<hbm>>
    tpu.enqueue_dma source(%arg13 : memref<16384xf32, #tpu.memory_space<vmem>>) target(%dma_start3A_191 : memref<16384xf32, #tpu.memory_space<hbm>>) target_semaphore(%arg21 : memref<!tpu.dma_semaphore, #tpu.memory_space<semaphore_mem>>)
    %mul3A_192 = arith.constant 16 : i32
    %mul3A_193 = arith.muli %select_n3A_30, %mul3A_192 : i32
    %add3A_194 = arith.addi %mul3A_193, %mul3A_32 : i32
    %add3A_195 = arith.constant 3 : i32
    %add3A_196 = arith.addi %add3A_194, %add3A_195 : i32
    %dma_start3A_197 = arith.constant 0 : i32
    %dma_start3A_198 = tpu.memref_slice %arg8[%add3A_196, %dma_start3A_197] : memref<128x16384xf32, #tpu.memory_space<hbm>> -> memref<1x16384xf32, #tpu.memory_space<hbm>>
    %dma_start3A_199 = tpu.memref_squeeze %dma_start3A_198 : memref<1x16384xf32, #tpu.memory_space<hbm>> -> memref<16384xf32, #tpu.memory_space<hbm>>
    %dma_start3A_200 = arith.constant 0 : i32
    %dma_start3A_201 = tpu.memref_slice %arg8[%add3A_196, %dma_start3A_200] : memref<128x16384xf32, #tpu.memory_space<hbm>> -> memref<1x16384xf32, #tpu.memory_space<hbm>>
    %dma_start3A_202 = tpu.memref_squeeze %dma_start3A_201 : memref<1x16384xf32, #tpu.memory_space<hbm>> -> memref<16384xf32, #tpu.memory_space<hbm>>
    tpu.enqueue_dma source(%arg14 : memref<16384xf32, #tpu.memory_space<vmem>>) target(%dma_start3A_202 : memref<16384xf32, #tpu.memory_space<hbm>>) target_semaphore(%arg21 : memref<!tpu.dma_semaphore, #tpu.memory_space<semaphore_mem>>)
    %mul3A_203 = arith.constant 16 : i32
    %mul3A_204 = arith.muli %select_n3A_30, %mul3A_203 : i32
    %add3A_205 = arith.addi %mul3A_204, %mul3A_32 : i32
    %add3A_206 = arith.constant 0 : i32
    %add3A_207 = arith.addi %add3A_205, %add3A_206 : i32
    %dma_wait3A_208 = arith.constant 0 : i32
    %dma_wait3A_209 = tpu.memref_slice %arg8[%add3A_207, %dma_wait3A_208] : memref<128x16384xf32, #tpu.memory_space<hbm>> -> memref<1x16384xf32, #tpu.memory_space<hbm>>
    %dma_wait3A_210 = tpu.memref_squeeze %dma_wait3A_209 : memref<1x16384xf32, #tpu.memory_space<hbm>> -> memref<16384xf32, #tpu.memory_space<hbm>>
    %dma_wait3A_211 = arith.constant 0 : i32
    %dma_wait3A_212 = tpu.memref_slice %arg8[%add3A_207, %dma_wait3A_211] : memref<128x16384xf32, #tpu.memory_space<hbm>> -> memref<1x16384xf32, #tpu.memory_space<hbm>>
    %dma_wait3A_213 = tpu.memref_squeeze %dma_wait3A_212 : memref<1x16384xf32, #tpu.memory_space<hbm>> -> memref<16384xf32, #tpu.memory_space<hbm>>
    tpu.wait_dma2 semaphore(%arg21 : memref<!tpu.dma_semaphore, #tpu.memory_space<semaphore_mem>>) src(%arg11 : memref<16384xf32, #tpu.memory_space<vmem>>) dst(%dma_wait3A_213 : memref<16384xf32, #tpu.memory_space<hbm>>)
    %mul3A_214 = arith.constant 16 : i32
    %mul3A_215 = arith.muli %select_n3A_30, %mul3A_214 : i32
    %add3A_216 = arith.addi %mul3A_215, %mul3A_32 : i32
    %add3A_217 = arith.constant 1 : i32
    %add3A_218 = arith.addi %add3A_216, %add3A_217 : i32
    %dma_wait3A_219 = arith.constant 0 : i32
    %dma_wait3A_220 = tpu.memref_slice %arg8[%add3A_218, %dma_wait3A_219] : memref<128x16384xf32, #tpu.memory_space<hbm>> -> memref<1x16384xf32, #tpu.memory_space<hbm>>
    %dma_wait3A_221 = tpu.memref_squeeze %dma_wait3A_220 : memref<1x16384xf32, #tpu.memory_space<hbm>> -> memref<16384xf32, #tpu.memory_space<hbm>>
    %dma_wait3A_222 = arith.constant 0 : i32
    %dma_wait3A_223 = tpu.memref_slice %arg8[%add3A_218, %dma_wait3A_222] : memref<128x16384xf32, #tpu.memory_space<hbm>> -> memref<1x16384xf32, #tpu.memory_space<hbm>>
    %dma_wait3A_224 = tpu.memref_squeeze %dma_wait3A_223 : memref<1x16384xf32, #tpu.memory_space<hbm>> -> memref<16384xf32, #tpu.memory_space<hbm>>
    tpu.wait_dma2 semaphore(%arg21 : memref<!tpu.dma_semaphore, #tpu.memory_space<semaphore_mem>>) src(%arg12 : memref<16384xf32, #tpu.memory_space<vmem>>) dst(%dma_wait3A_224 : memref<16384xf32, #tpu.memory_space<hbm>>)
    %mul3A_225 = arith.constant 16 : i32
    %mul3A_226 = arith.muli %select_n3A_30, %mul3A_225 : i32
    %add3A_227 = arith.addi %mul3A_226, %mul3A_32 : i32
    %add3A_228 = arith.constant 2 : i32
    %add3A_229 = arith.addi %add3A_227, %add3A_228 : i32
    %dma_wait3A_230 = arith.constant 0 : i32
    %dma_wait3A_231 = tpu.memref_slice %arg8[%add3A_229, %dma_wait3A_230] : memref<128x16384xf32, #tpu.memory_space<hbm>> -> memref<1x16384xf32, #tpu.memory_space<hbm>>
    %dma_wait3A_232 = tpu.memref_squeeze %dma_wait3A_231 : memref<1x16384xf32, #tpu.memory_space<hbm>> -> memref<16384xf32, #tpu.memory_space<hbm>>
    %dma_wait3A_233 = arith.constant 0 : i32
    %dma_wait3A_234 = tpu.memref_slice %arg8[%add3A_229, %dma_wait3A_233] : memref<128x16384xf32, #tpu.memory_space<hbm>> -> memref<1x16384xf32, #tpu.memory_space<hbm>>
    %dma_wait3A_235 = tpu.memref_squeeze %dma_wait3A_234 : memref<1x16384xf32, #tpu.memory_space<hbm>> -> memref<16384xf32, #tpu.memory_space<hbm>>
    tpu.wait_dma2 semaphore(%arg21 : memref<!tpu.dma_semaphore, #tpu.memory_space<semaphore_mem>>) src(%arg13 : memref<16384xf32, #tpu.memory_space<vmem>>) dst(%dma_wait3A_235 : memref<16384xf32, #tpu.memory_space<hbm>>)
    %mul3A_236 = arith.constant 16 : i32
    %mul3A_237 = arith.muli %select_n3A_30, %mul3A_236 : i32
    %add3A_238 = arith.addi %mul3A_237, %mul3A_32 : i32
    %add3A_239 = arith.constant 3 : i32
    %add3A_240 = arith.addi %add3A_238, %add3A_239 : i32
    %dma_wait3A_241 = arith.constant 0 : i32
    %dma_wait3A_242 = tpu.memref_slice %arg8[%add3A_240, %dma_wait3A_241] : memref<128x16384xf32, #tpu.memory_space<hbm>> -> memref<1x16384xf32, #tpu.memory_space<hbm>>
    %dma_wait3A_243 = tpu.memref_squeeze %dma_wait3A_242 : memref<1x16384xf32, #tpu.memory_space<hbm>> -> memref<16384xf32, #tpu.memory_space<hbm>>
    %dma_wait3A_244 = arith.constant 0 : i32
    %dma_wait3A_245 = tpu.memref_slice %arg8[%add3A_240, %dma_wait3A_244] : memref<128x16384xf32, #tpu.memory_space<hbm>> -> memref<1x16384xf32, #tpu.memory_space<hbm>>
    %dma_wait3A_246 = tpu.memref_squeeze %dma_wait3A_245 : memref<1x16384xf32, #tpu.memory_space<hbm>> -> memref<16384xf32, #tpu.memory_space<hbm>>
    tpu.wait_dma2 semaphore(%arg21 : memref<!tpu.dma_semaphore, #tpu.memory_space<semaphore_mem>>) src(%arg14 : memref<16384xf32, #tpu.memory_space<vmem>>) dst(%dma_wait3A_246 : memref<16384xf32, #tpu.memory_space<hbm>>)
    return
  }
}

module attributes {stable_mosaic.version = 14 : i64} {
  func.func @body(%arg0: i32, %arg1: memref<8x16x2048xf32, #tpu.memory_space<vmem>>, %arg2: memref<16x2048xf32, #tpu.memory_space<vmem>>) attributes {dimension_semantics = [#tpu.dimension_semantics<arbitrary>], iteration_bounds = array<i64: 8>, scalar_prefetch = 0 : i64, scratch_operands = 0 : i64, tpu.core_type = #tpu.core_type<tc>, window_params = [{transform_indices = @transform_0, window_bounds = array<i64: 8, 16, 2048>}, {transform_indices = @transform_1, window_bounds = array<i64: 16, 2048>}]} {
    %get3A = arith.constant 0 : index
    %get3A_0 = arith.constant 0 : index
    %get3A_1 = arith.constant 0 : index
    %get3A_2 = vector.load %arg1[%get3A, %get3A_0, %get3A_1] : memref<8x16x2048xf32, #tpu.memory_space<vmem>>, vector<8x16x2048xf32>
    %reduce_sum3A = arith.constant dense<0.000000e+00> : vector<16x2048xf32>
    %reduce_sum3A_3 = vector.multi_reduction <add>, %get3A_2, %reduce_sum3A [0] : vector<8x16x2048xf32> to vector<16x2048xf32>
    %swap3A = arith.constant 0 : index
    %swap3A_4 = arith.constant 0 : index
    %swap3A_5 = vector.load %arg2[%swap3A, %swap3A_4] : memref<16x2048xf32, #tpu.memory_space<vmem>>, vector<16x2048xf32>
    tpu.vector_store %arg2[%swap3A, %swap3A_4], %reduce_sum3A_3 {strides = array<i32>} : memref<16x2048xf32, #tpu.memory_space<vmem>>, vector<16x2048xf32>,
    return
  }
  func.func @transform_0(%arg0: i32) -> (i32, i32, i32) {
    %c0_i32 = arith.constant 0 : i32
    %c0_i32_0 = arith.constant 0 : i32
    %c0_i32_1 = arith.constant 0 : i32
    return %c0_i32, %c0_i32_0, %arg0 : i32, i32, i32
  }
  func.func @transform_1(%arg0: i32) -> (i32, i32) {
    %c0_i32 = arith.constant 0 : i32
    %c0_i32_0 = arith.constant 0 : i32
    return %c0_i32, %arg0 : i32, i32
  }
}

</mosaic_0001>

<sc_bundles>
// kernel: kernel.4.cloned.1.call-start
scs
__scs_entry_jumppad:
0x0: {  	(pc) =	sbr.rel $0x88, $3  }
0x1: {  	(tag) =	ssettag $0x0;
	lr =	simm.s32 $0x1  }
0x2: {  	[smem:$0x3F9D] =	sst lr;
	_ =	strace $0xD0000000  }
0x3: {  	_ = 	snop  }
0x4: {  	_ = 	snop  }
0x5: {  	_ = 	snop  }
0x6: {  	_ = 	snop  }
0x7: {  	_ = 	snop  }
__scs_overlays_trampoline_lowered:
0x8: {  	[smem:$0x3FAC] =	sst s0  }
0x9: {  	[smem:$0x3FAD] =	sst s1  }
0xa: {  	[smem:$0x3FAE] =	sst s2  }
0xb: {  	[smem:$0x3FAF] =	sst s3  }
0xc: {  	[smem:$0x3FB0] =	sst s4  }
0xd: {  	[smem:$0x3FB1] =	sst s5  }
0xe: {  	[smem:$0x3FB2] =	sst s6  }
0xf: {  	[smem:$0x3FB3] =	sst s7  }
0x10: {  	[smem:$0x3FB4] =	sst s8  }
0x11: {  	[smem:$0x3FB5] =	sst s9;
	s0 =	simm.s32 @!p0 $0x0  }
0x12: {  	s1 =	sld [smem:$0x3F9B];
	s0 =	simm.s32 @p0 $0x1  }
0x13: {  	[smem:$0x3FB6] =	sst s0;
	s0 =	simm.s32 @!p1 $0x0  }
0x14: {  	s2 =	sld [smem:$0x3F9A];
	s0 =	simm.s32 @p1 $0x1  }
0x15: {  	[smem:$0x3FB7] =	sst s0;
	s0 =	simm.s32 @!p2 $0x0  }
0x16: {  	s3 =	sld [smem:$0x3FDB];
	s0 =	simm.s32 @p2 $0x1  }
0x17: {  	s4 =	simm.s32 $0x1BF5;
	[smem:$0x3FB9] =	sst s0  }
0x18: {  	s0 =	sld [smem:$0x3F9C];
	_ =	swait.ge [sflag:s4], $0x0  }
0x19: {  	s7 =	sld [smem:$0x3F9D]  }
0x1a: {  	s8 =	sadd.s32 $0xFFFFE003, lr  }
0x1b: {  	s9 =	sadd.s32 $0xFFFFFEF7, lr;
	s5 =	simm.s32 $0xFFFFFFFF;
	p2 =	slt.u32 s8, $0xFFFFF086  }
0x1c: {  	p1 =	slt.u32 s9, $0xF7A;
	s5 =	simm.s32 @!p2 $0x0  }
0x1d: {  	s5 =	simm.s32 @p1 $0x1;
	p0 =	seq.s32 s7, s2  }
0x1e: {  	s7 =	smul.u32 @!p0 $0xF7A, s2;
	p2 =	seq.s32 @!p0 s5, $0x0  }
0x1f: {  	s9 =	smul.u32 $0xF7A, s1;
	s8 =	simm.s32 @!p0 $0x1BF5;
	p2 =	por !p2, p0  }
0x20: {  	[sflag:s8] =	ssyncset.s32 @!p0 $0xFFFFF086;
	s6 =	sadd.s32 @!p0 s3, s7;
	s7 =	simm.s32 @!p0 $0x108  }
0x21: {  	s3 =	sadd.s32 s3, s9;
	s6 =	sadd.s32 @!p0 $0x88, s6;
	s7 =	simm.s32 @p2 $0x1082  }
0x22: {  	[simem:s7], [sflag:s8] =	dma.local @!p0 [hbm:s6], $0xF7A  }
0x23: {  	s9 =	sor.u32 $0xD0000000, s2;
	s6 =	simm.s32 $0x108;
	_ =	swait.ge @!p0 [sflag:s8], $0x0  }
0x24: {  	s3 =	sadd.s32 $0x88, s3;
	s6 =	simm.s32 @!p1 $0x1082;
	[sflag:s4] =	ssyncset.s32 $0xFFFFF086  }
0x25: {  	[simem:s6], [sflag:s4] =	dma.local [hbm:s3], $0xF7A  }
0x26: {  	[smem:$0x3F9D] =	sst s1;
	(tag) =	ssettag s2;
	_ =	strace s9  }
0x27: {  	s1 =	sld [smem:$0x3FAD]  }
0x28: {  	s2 =	sld [smem:$0x3FAE]  }
0x29: {  	s4 =	sld [smem:$0x3FB0]  }
0x2a: {  	p0 =	seq.s32 s5, $0x0;
	s5 =	sld [smem:$0x3FB1]  }
0x2b: {  	s6 =	sld [smem:$0x3FB2]  }
0x2c: {  	s7 =	sld [smem:$0x3FB3]  }
0x2d: {  	s3 =	simm.s32 $0x108;
	s8 =	sld [smem:$0x3FB4]  }
0x2e: {  	s3 =	simm.s32 @!p0 $0x1082;
	s9 =	sld [smem:$0x3FB5]  }
0x2f: {  	lr =	sadd.s32 s0, s3;
	s0 =	sld [smem:$0x3FAC]  }
0x30: {  	s3 =	sld [smem:$0x3FAF]  }
0x31: {  	[smem:$0x3FB8] =	sst s10  }
0x32: {  	s10 =	sld [smem:$0x3FB6];
	_ =	sdelay $0x3  }
0x33: {  	p0 =	seq.s32 s10, $0x1;
	s10 =	sld [smem:$0x3FB8];
	_ =	sdelay $0x3  }
0x34: {  	[smem:$0x3FB8] =	sst s10  }
0x35: {  	s10 =	sld [smem:$0x3FB7];
	_ =	sdelay $0x3  }
0x36: {  	p1 =	seq.s32 s10, $0x1;
	s10 =	sld [smem:$0x3FB8];
	_ =	sdelay $0x3  }
0x37: {  	[smem:$0x3FB8] =	sst s10  }
0x38: {  	s10 =	sld [smem:$0x3FB9]  }
0x39: {  	_ = 	snop;
	(pc) =	sbr.ind lr, $3  }
0x3a: {  	_ = 	snop  }
0x3b: {  	_ = 	snop  }
0x3c: {  	p2 =	seq.s32 s10, $0x1;
	s10 =	sld [smem:$0x3FB8]  }
0x3d: {  	_ =	shalt  }
0x3e: {  	_ =	shalt  }
0x3f: {  	_ =	shalt  }
0x40: {  	_ =	shalt  }
0x41: {  	_ =	shalt  }
0x42: {  	_ =	shalt  }
0x43: {  	_ =	shalt  }
0x44: {  	_ =	shalt  }
0x45: {  	_ =	shalt  }
0x46: {  	_ =	shalt  }
0x47: {  	_ =	shalt  }
0x48: {  	_ =	shalt  }
0x49: {  	_ =	shalt  }
0x4a: {  	_ =	shalt  }
0x4b: {  	_ =	shalt  }
0x4c: {  	_ =	shalt  }
0x4d: {  	_ =	shalt  }
0x4e: {  	_ =	shalt  }
0x4f: {  	_ =	shalt  }
0x50: {  	_ =	shalt  }
0x51: {  	_ =	shalt  }
0x52: {  	_ =	shalt  }
0x53: {  	_ =	shalt  }
0x54: {  	_ =	shalt  }
0x55: {  	_ =	shalt  }
0x56: {  	_ =	shalt  }
0x57: {  	_ =	shalt  }
0x58: {  	_ =	shalt  }
0x59: {  	_ =	shalt  }
0x5a: {  	_ =	shalt  }
0x5b: {  	_ =	shalt  }
0x5c: {  	_ =	shalt  }
0x5d: {  	_ =	shalt  }
0x5e: {  	_ =	shalt  }
0x5f: {  	_ =	shalt  }
0x60: {  	_ =	shalt  }
0x61: {  	_ =	shalt  }
0x62: {  	_ =	shalt  }
0x63: {  	_ =	shalt  }
0x64: {  	_ =	shalt  }
0x65: {  	_ =	shalt  }
0x66: {  	_ =	shalt  }
0x67: {  	_ =	shalt  }
0x68: {  	_ =	shalt  }
0x69: {  	_ =	shalt  }
0x6a: {  	_ =	shalt  }
0x6b: {  	_ =	shalt  }
0x6c: {  	_ =	shalt  }
0x6d: {  	_ =	shalt  }
0x6e: {  	_ =	shalt  }
0x6f: {  	_ =	shalt  }
0x70: {  	_ =	shalt  }
0x71: {  	_ =	shalt  }
0x72: {  	_ =	shalt  }
0x73: {  	_ =	shalt  }
0x74: {  	_ =	shalt  }
0x75: {  	_ =	shalt  }
0x76: {  	_ =	shalt  }
0x77: {  	_ =	shalt  }
0x78: {  	_ =	shalt  }
0x79: {  	_ =	shalt  }
0x7a: {  	_ =	shalt  }
0x7b: {  	_ =	shalt  }
0x7c: {  	_ =	shalt  }
0x7d: {  	_ =	shalt  }
0x7e: {  	_ =	shalt  }
0x7f: {  	_ =	shalt  }
0x80: {  	_ =	shalt  }
0x81: {  	_ =	shalt  }
0x82: {  	_ =	shalt  }
0x83: {  	_ =	shalt  }
0x84: {  	_ =	shalt  }
0x85: {  	_ =	shalt  }
0x86: {  	_ =	shalt  }
0x87: {  	_ =	shalt  }
.Lfunc_end0:
.L_simem_size_0:
called_computation_lowered:
.L_overlay_start_0:
0x88: {  	s2 =	sld [smem:$0x3FD9]  }
0x89: {  	s3 =	sld [smem:$0x3FFE];
	_ =	sdelay $0x1  }
0x8a: {  	s1 =	srdreg.scid  }
0x8b: {  	s0 =	sand.u32 $0x1, s1  }
0x8c: {  	s17 =	sshll.u32 s0, $0xA;
	s2 =	sadd.s32 s3, s2  }
0x8d: {  	s2 =	sadd.s32 s2, s17  }
0x8e: {  	[smem:$0x3FC4] =	sst s2  }
0x8f: {  	_ = 	snop  }
0x90: {  	s2 =	sld [smem:$0x3FC8]  }
0x91: {  	s18 =	sld [smem:$0x3FC7]  }
0x92: {  	s4 =	sld [smem:$0x3FC6]  }
0x93: {  	s5 =	sld [smem:$0x3FD0];
	(tm) =	ssettm $0x1  }
0x94: {  	s6 =	sld [smem:$0x3FFB];
	_ =	sdelay $0x3  }
0x95: {  	_ =	strace s6  }
0x96: {  	s6 =	sld [smem:$0x3FFC];
	_ =	sdelay $0x3  }
0x97: {  	_ =	strace s6  }
0x98: {  	s6 =	sld [smem:$0x3FFD];
	_ =	sdelay $0x3  }
0x99: {  	_ =	strace s6  }
0x9a: {  	_ =	strace $0x8FFFFFFF  }
0x9b: {  	s19 =	sld [smem:$0x3FDB];
	_ =	sdelay $0x1  }
0x9c: {  	s7 =	simm.s32 $_scs_section_size  }
0x9d: {  	s8 =	simm.s32 $_size__tile_overlayer_lowered;
	s9 =	simm.s32 $_tile_overlayer_lowered  }
0x9e: {  	s22 =	simm.s32 $0x1BFF;
	s21 =	sshll.u32 s9, $0x1;
	s6 =	sadd.s32 s7, s19  }
0x9f: {  	s10 =	simm.s32 $0x0;
	s20 =	sshll.u32 s8, $0x1;
	s8 =	sadd.s32 s21, s6  }
0xa0: {  	[timem:s10], [sflag:s22] =	dma.local [hbm:s8], s20  }
0xa1: {  	_ =	swait.ge [sflag:s22], s20  }
0xa2: {  	s7 =	ssub.s32 $0x0, s20;
	[sflag:s22] =	ssyncset.done $0x0  }
0xa3: {  	[sflag:s22] =	ssyncadd.s32 s7;
	_ =	sdelay $0x1  }
0xa4: {  	s23 =	simm.s32 $0x1B8B  }
0xa5: {  	_ =	swait.ge [sflag:s23], $0x1  }
0xa6: {  	[sflag:s23] =	ssyncset.done $0x0  }
0xa7: {  	s25 =	simm.s32 $0x1B8E;
	s24 =	sld [smem:$0x3FFE];
	[sflag:s23] =	ssyncadd.s32 $0xFFFFFFFF  }
0xa8: {  	s26 =	simm.s32 $execute0_lowered;
	[smem:$0x3FD2] =	sst s25  }
0xa9: {  	s8 =	sshll.u32 s26, $0x1;
	_ =	strace $0x80000046;
	[dreg:$0x1] =	wrdreg $0xFFFFFFFF  }
0xaa: {  	s28 =	simm.s32 $_size_execute0_lowered;
	s6 =	sadd.s32 s6, s8;
	[dreg:$0x0] =	wrdreg $0x0  }
0xab: {  	s8 =	sshll.u32 s28, $0x1;
	[dreg:$0x2] =	wrdreg s6  }
0xac: {  	[dreg:$0x3] =	wrdreg s8  }
0xad: {  	[dreg:$0x4] =	wrdreg $0xC0  }
0xae: {  	_ =	task [dreg:s10], $0x5FFFF  }
0xaf: {  	[dreg:$0x1] =	wrdreg $0xFFFFFFFF  }
0xb0: {  	[dreg:$0x0] =	wrdreg $0x60  }
0xb1: {  	[dreg:$0x2] =	wrdreg s5  }
0xb2: {  	[dreg:$0x3] =	wrdreg s2  }
0xb3: {  	[dreg:$0x4] =	wrdreg s18  }
0xb4: {  	[dreg:$0x5] =	wrdreg s24  }
0xb5: {  	[dreg:$0x6] =	wrdreg s4  }
0xb6: {  	[dreg:$0x7] =	wrdreg $0x9  }
0xb7: {  	_ =	task.clear_ibuf [dreg:s10], $0x8FFFF;
	_ =	strace $0x90000046  }
0xb8: {  	s29 =	simm.s32 $0x9;
	_ =	strace $0x80000048  }
0xb9: {  	_ =	swait.ge [sflag:s29], $0x1  }
0xba: {  	[sflag:s29] =	ssyncadd.s32 $0xFFFFFFFF  }
0xbb: {  	_ =	strace $0x90000048  }
0xbc: {  	_ =	sfence  }
0xbd: {  	s30 =	sld [smem:$0x0];
	_ =	sdelay $0x2  }
0xbe: {  	s31 =	sshll.u32 s1, $0xD;
	s1 =	sshrl.u32 s1, $0x2  }
0xbf: {  	s3 =	sand.u32 $0x4000, s31;
	s1 =	sadd.s32 s1, s30  }
0xc0: {  	s0 =	sor.u32 s3, s0;
	s1 =	sshll.u32 s1, $0x11  }
0xc1: {  	s0 =	sor.u32 s1, s0  }
0xc2: {  	s0 =	sadd.s32 $0x8F2B, s0  }
0xc3: {  	[sflag:s0] =	ssyncadd.remote.s32 $0x1  }
0xc4: {  	_ =	sfence.sel $0xFFFF  }
0xc5: {  	[dreg:$0x0] =	wrdreg $0xFFFFFFFF;
	(pc) =	sbr.abs _section_cstart, $3  }
0xc6: {  	[dreg:$0x1] =	wrdreg $0xFFFFFFFF  }
0xc7: {  	_ =	task.clear_ibuf [dreg:s10], $0x2FFFF;
	_ =	strace $0x9FFFFFFF  }
0xc8: {  	(tm) =	ssettm $0x7FFFFFFF  }
0xc9: {  	_ =	shalt  }
tec
execute0_lowered:
.L_overlay_start_1:
0x0: {  	(tag) =	ssettag $0x1  }
0x1: {  	s0 =	srdreg.scid;
	s3 =	rddreg [dreg:$0x0]  }
0x2: {  	s1 =	stileid.u32;
	s12 =	rddreg [dreg:$0x1]  }
0x3: {  	s6 =	rddreg [dreg:$0x3];
	s7 =	simm.s32 $0x1;
	s0 =	sand.u32 $0x1, s0  }
0x4: {  	s5 =	sand.u32 $0x3, s1;
	s16 =	sshll.u32 s1, $0x10;
	s9 =	sshll.u32 s1, $0x9  }
0x5: {  	s18 =	sadd.s32 $0x800, s6;
	s19 =	sadd.s32 $0x600, s6;
	s10 =	sshll.u32 s1, $0xD  }
0x6: {  	s11 =	sshll.u32 s1, $0x6;
	s2 =	sshll.u32 s0, $0x4;
	p0 =	sne.s32 s5, $0x0  }
0x7: {  	s5 =	simm.s32 $0x0;
	s17 =	sand.u32 $0x200, s9;
	s0 =	ssub.s32 $0x2, s0  }
0x8: {  	s30 =	sand.u32 $0x4000, s10;
	s4 =	sor.u32 s1, s2;
	s2 =	rddreg [dreg:$0x2]  }
0x9: {  	s31 =	sand.u32 $0x40, s11;
	s10 =	simm.s32 $0x4000;
	[smem:$0x7FF] =	sst s5  }
0xa: {  	s21 =	sshrl.u32 s0, $0x1;
	s11 =	sadd.s32 s3, s31;
	s3 =	sadd.s32 s3, s30  }
0xb: {  	s1 =	simm.s32 $0x0;
	_ =	strace $0x80000047;
	[dreg:$0x6] =	wrdreg s18  }
0xc: {  	p1 =	seq.s32 s4, $0x0;
	s4 =	sshrl.u32 s4, $0x2;
	[dreg:$0x7] =	wrdreg s19  }
0xd: {  	s0 =	ssub.s32 s0, s21;
	s13 =	sadd.s32 s30, s11;
	s3 =	sadd.s32 s31, s3  }
0xe: {  	p0 =	por !p0, !p1;
	[dreg:$0xc] =	wrdreg s13;
	s14 =	sadd.s32 $0x10, s3  }
0xf: {  	s15 =	sadd.s32 $0x20, s3;
	p0 =	por !p0, !p0;
	[dreg:$0xd] =	wrdreg s14  }
0x10: {  	s0 =	smax.u32 s0, $0x1;
	[dreg:$0xe] =	wrdreg s15;
	s7 =	simm.s32 @!p0 $0x0  }
0x11: {  	[dreg:$0x1a] =	wrdreg s0;
	s4 =	ssub.s32 s4, s7;
	s7 =	sand.u32 $0x20000, s16  }
0x12: {  	s8 =	sshll.u32 s4, $0x12;
	s20 =	sshll.u32 s4, $0xA;
	s22 =	sshll.u32 s4, $0x9  }
0x13: {  	s24 =	sshll.u32 s4, $0xC;
	p0 =	sne.s32 s4, $0x0;
	p1 =	sgt.s32 s4, $0x6  }
0x14: {  	p2 =	sne.s32 s4, $0x7;
	s4 =	simm.s32 $0x14000;
	s7 =	sor.u32 s7, s8  }
0x15: {  	s23 =	sand.u32 $0x1FFFFE00, s22;
	s26 =	sadd.s32 $0x8000, s24;
	s16 =	sadd.s32 $0x280000, s24  }
0x16: {  	s18 =	sadd.s32 $0x10000, s24;
	s22 =	sadd.s32 $0x288000, s24;
	s7 =	sor.u32 s17, s7  }
0x17: {  	s25 =	sadd.s32 s2, s23;
	s28 =	sshrl.u32 s26, $0x2;
	[dreg:$0x10] =	wrdreg s18  }
0x18: {  	s17 =	sadd.s32 $0x30, s3;
	s19 =	sshrl.u32 s16, $0x2;
	[dreg:$0x9] =	wrdreg s25  }
0x19: {  	s23 =	sshrl.u32 s22, $0x2;
	s29 =	sadd.s32 s12, s28;
	[dreg:$0xf] =	wrdreg s17  }
0x1a: {  	s7 =	sshrl.u32 s7, $0x3;
	s21 =	sadd.s32 s12, s19;
	[dreg:$0xa] =	wrdreg s29  }
0x1b: {  	s25 =	sadd.s32 s12, s23;
	s6 =	sadd.s32 s7, s6;
	[dreg:$0x12] =	wrdreg s21  }
0x1c: {  	s7 =	sand.u32 $0x1FFFFC00, s20;
	s20 =	sadd.s32 $0x18000, s24;
	[dreg:$0x14] =	wrdreg s25  }
0x1d: {  	s3 =	sshrl.u32 s22, $0x3;
	s7 =	sadd.s32 s12, s7;
	[dreg:$0x11] =	wrdreg s20  }
0x1e: {  	s21 =	simm.s32 $0x10000;
	s28 =	sadd.s32 $0xC00, s6;
	[dreg:$0x8] =	wrdreg s7  }
0x1f: {  	s29 =	sadd.s32 $0xC10, s6;
	s30 =	sadd.s32 $0xC20, s6;
	[dreg:$0x16] =	wrdreg s28  }
0x20: {  	s31 =	sadd.s32 $0xC30, s6;
	s20 =	simm.s32 $0xC000;
	[dreg:$0x17] =	wrdreg s29  }
.Ltmp0:
0x21: {  	s7 =	sshrl.u32 s26, $0x3;
	[dreg:$0x18] =	wrdreg s30;
	(pc) =	sbr.rel .LBB2_1-.Ltmp0, $4  }
0x22: {  	s6 =	simm.s32 $0x3;
	[dreg:$0x19] =	wrdreg s31;
	s7 =	sadd.s32 s2, s7  }
0x23: {  	s26 =	sadd.s32 s2, s3;
	[dreg:$0xb] =	wrdreg s7;
	s7 =	sshrl.u32 s16, $0x3  }
0x24: {  	s3 =	simm.s32 $0x400;
	[dreg:$0x15] =	wrdreg s26;
	s24 =	sadd.s32 s2, s7  }
0x25: {  	v0 =	vimm.f32 $0.0e+00;
	s2 =	simm.s32 $0x80;
	s7 =	simm.s32 $0x8000;
	[dreg:$0x13] =	wrdreg s24  }
.LBB2_33:
0x26: {  	s0 =	rddreg [dreg:$0x16];
	s2 =	simm.s32 $0x80;
	s3 =	simm.s32 $0x400  }
0x27: {  	[hbm4b:s0+s2] =	stream.strided.scatter [tilespmem:s7], [sflag:$0x3], $0x4000, s3, s2, $0x38;
	[tilespmem:$0x1E000] =	vst v63  }
0x28: {  	s28 =	rddreg [dreg:$0x17]  }
0x29: {  	[hbm4b:s28+s2] =	stream.strided.scatter [tilespmem:s20], [sflag:$0x3], $0x4000, s3, s2, $0x38;
	[tilespmem:$0x1E000] =	vst v63  }
0x2a: {  	s29 =	rddreg [dreg:$0x18]  }
0x2b: {  	[hbm4b:s29+s2] =	stream.strided.scatter [tilespmem:s21], [sflag:$0x3], $0x4000, s3, s2, $0x38;
	[tilespmem:$0x1E000] =	vst v63  }
0x2c: {  	s30 =	rddreg [dreg:$0x19];
	s6 =	simm.s32 $0x3  }
0x2d: {  	[hbm4b:s30+s2] =	stream.strided.scatter [tilespmem:s4], [sflag:$0x3], $0x4000, s3, s2, $0x38;
	[tilespmem:$0x1E000] =	vst v63  }
0x2e: {  	_ =	swait.ge [sflag:s6], $0x4000  }
0x2f: {  	[sflag:s6] =	ssyncset.done $0x0  }
0x30: {  	[sflag:s6] =	ssyncadd.s32 $0xFFFFC000  }
0x31: {  	_ =	swait.ge [sflag:s6], $0x4000  }
0x32: {  	[sflag:s6] =	ssyncset.done $0x0  }
0x33: {  	[sflag:s6] =	ssyncadd.s32 $0xFFFFC000  }
0x34: {  	_ =	swait.ge [sflag:s6], $0x4000  }
0x35: {  	[sflag:s6] =	ssyncset.done $0x0  }
0x36: {  	[sflag:s6] =	ssyncadd.s32 $0xFFFFC000  }
0x37: {  	_ =	swait.ge [sflag:s6], $0x4000  }
0x38: {  	s1 =	rddreg [dreg:$0x1b]  }
0x39: {  	s31 =	rddreg [dreg:$0x1a];
	s1 =	sadd.s32 $0x1, s1  }
0x3a: {  	p3 =	sne.s32 s1, s31  }
.Ltmp1:
0x3b: {  	_ = 	snop;
	(pc) =	sbr.rel @!p3 .LBB2_34-.Ltmp1, $3  }
0x3c: {  	_ =	sdelay $0x1  }
0x3d: {  	[sflag:s6] =	ssyncset.done $0x0  }
0x3e: {  	[sflag:s6] =	ssyncadd.s32 $0xFFFFC000  }
.LBB2_1:
0x3f: {  	[dreg:$0x1b] =	wrdreg s1  }
0x40: {  	s0 =	rddreg [dreg:$0x8];
	s17 =	simm.s32 $0x18000  }
0x41: {  	[tilespmem:s17], [sflag:$0x1] =	stream.linear.gather [hbm4b:s0+s5], $0x2000, $0x38;
	[tilespmem:$0x1E000] =	vst v63  }
0x42: {  	s18 =	rddreg [dreg:$0x9];
	s19 =	simm.s32 $0x1A000  }
0x43: {  	[tilespmem:s19], [sflag:$0x1] =	stream.linear.gather [hbm4b:s18+s5], $0x1000, $0x38;
	[tilespmem:$0x1E000] =	vst v63  }
0x44: {  	s22 =	rddreg [dreg:$0xa];
	s23 =	simm.s32 $0x1B000  }
0x45: {  	[tilespmem:s23], [sflag:$0x2] =	stream.linear.gather [hbm4b:s22+s5], $0x2000, $0x38;
	[tilespmem:$0x1E000] =	vst v63  }
0x46: {  	s24 =	rddreg [dreg:$0xb];
	s25 =	simm.s32 $0x1D000  }
0x47: {  	[tilespmem:s25], [sflag:$0x2] =	stream.linear.gather [hbm4b:s24+s5], $0x1000, $0x38;
	[tilespmem:$0x1E000] =	vst v63  }
0x48: {  	s26 =	rddreg [dreg:$0xc]  }
0x49: {  	[tilespmem:s7], [sflag:$0x3] =	stream.strided.gather [hbm4b:s26+s2], $0x4000, s3, s2, $0x38;
	[tilespmem:$0x1E000] =	vst v63  }
0x4a: {  	s28 =	rddreg [dreg:$0xd]  }
0x4b: {  	[tilespmem:s20], [sflag:$0x3] =	stream.strided.gather [hbm4b:s28+s2], $0x4000, s3, s2, $0x38;
	[tilespmem:$0x1E000] =	vst v63  }
0x4c: {  	s29 =	rddreg [dreg:$0xe]  }
0x4d: {  	[tilespmem:s21], [sflag:$0x3] =	stream.strided.gather [hbm4b:s29+s2], $0x4000, s3, s2, $0x38;
	[tilespmem:$0x1E000] =	vst v63  }
0x4e: {  	s30 =	rddreg [dreg:$0xf]  }
0x4f: {  	[tilespmem:s4], [sflag:$0x3] =	stream.strided.gather [hbm4b:s30+s2], $0x4000, s3, s2, $0x38;
	[tilespmem:$0x1E000] =	vst v63  }
0x50: {  	_ =	swait.ge [sflag:s6], $0x4000  }
0x51: {  	[sflag:s6] =	ssyncset.done $0x0  }
0x52: {  	[sflag:s6] =	ssyncadd.s32 $0xFFFFC000  }
0x53: {  	_ =	swait.ge [sflag:s6], $0x4000  }
0x54: {  	[sflag:s6] =	ssyncset.done $0x0  }
0x55: {  	[sflag:s6] =	ssyncadd.s32 $0xFFFFC000  }
0x56: {  	_ =	swait.ge [sflag:s6], $0x4000  }
0x57: {  	[sflag:s6] =	ssyncset.done $0x0  }
0x58: {  	[sflag:s6] =	ssyncadd.s32 $0xFFFFC000  }
0x59: {  	_ =	swait.ge [sflag:s6], $0x4000  }
0x5a: {  	[sflag:s6] =	ssyncset.done $0x0  }
0x5b: {  	s31 =	simm.s32 $0x8020;
	[sflag:s6] =	ssyncadd.s32 $0xFFFFC000  }
0x5c: {  	s0 =	simm.s32 $0xC020;
	v4 =	vld [tilespmem:s31+$0x10]  }
0x5d: {  	v5 =	vld [tilespmem:s0+$0x10]  }
0x5e: {  	v8 =	vld [tilespmem:s0+$0xFFFFFFE0]  }
0x5f: {  	v9 =	vld [tilespmem:s31+$0xFFFFFFF0]  }
0x60: {  	v3 =	vld [tilespmem:s0+$0x0];
	_ =	sdelay $0x2  }
0x61: {  	v1 =	vld [tilespmem:s0+$0xFFFFFFF0]  }
0x62: {  	v2 =	vld [tilespmem:s31+$0x0];
	v6 =	vshrl.u32 v4, $0x10;
	v7 =	vshrl.u32 v5, $0x10  }
0x63: {  	v10 =	vld [tilespmem:s31+$0xFFFFFFE0];
	v11 =	vshrl.u32 v8, $0x10;
	v12 =	vshrl.u32 v9, $0x10;
	v13 =	vshrl.u32 v3, $0x10  }
0x64: {  	v6 =	vand.u32 $0x1, v6;
	v7 =	vand.u32 $0x1, v7;
	v11 =	vand.u32 $0x1, v11  }
0x65: {  	v12 =	vand.u32 $0x1, v12;
	v4 =	vadd.s32 v6, v4;
	v5 =	vadd.s32 v7, v5  }
0x66: {  	v6 =	vshrl.u32 v1, $0x10;
	v4 =	vadd.s32 $0x7FFF, v4;
	v5 =	vadd.s32 $0x7FFF, v5  }
0x67: {  	v7 =	vshrl.u32 v2, $0x10;
	v4 =	vand.u32 $0xFFFF0000, v4;
	v5 =	vshrl.u32 v5, $0x10  }
0x68: {  	v8 =	vadd.s32 v11, v8;
	v14 =	vor.u32 v4, v5;
	v5 =	vshrl.u32 v10, $0x10  }
0x69: {  	s9 =	simm.s32 $0x20;
	s8 =	simm.s32 $0x0;
	s13 =	simm.s32 $0x4020;
	v9 =	vadd.s32 v12, v9;
	v4 =	vand.u32 $0x1, v6;
	v15 =	vand.u32 $0x1, v5  }
0x6a: {  	s14 =	simm.s32 $0x14020;
	s12 =	simm.s32 $0x8060;
	s6 =	simm.s32 $0x10020;
	v6 =	vand.u32 $0x1, v13;
	v5 =	vand.u32 $0x1, v7;
	[tilespmem:s9+$0x10] =	vst v14;
	v7 =	vadd.s32 v15, v10  }
.LBB2_2:
0x6b: {  	v10 =	vld [tilespmem:s12+$0x10];
	v1 =	vadd.s32 v4, v1;
	v2 =	vadd.s32 v5, v2;
	v3 =	vadd.s32 v6, v3;
	s0 =	sadd.s32 $0x40, s0  }
0x6c: {  	s8 =	sadd.s32 $0x40, s8;
	v5 =	vadd.s32 $0x7FFF, v7;
	v6 =	vadd.s32 $0x7FFF, v8;
	v7 =	vadd.s32 $0x7FFF, v9;
	v4 =	vld [tilespmem:s0+$0x10]  }
0x6d: {  	p3 =	slt.u32 s8, $0x3FC0;
	v9 =	vadd.s32 $0x7FFF, v1;
	v2 =	vadd.s32 $0x7FFF, v2;
	v3 =	vadd.s32 $0x7FFF, v3;
	v8 =	vld [tilespmem:s0+$0xFFFFFFE0]  }
0x6e: {  	v5 =	vand.u32 $0xFFFF0000, v5;
	v6 =	vshrl.u32 v6, $0x10;
	v7 =	vand.u32 $0xFFFF0000, v7;
	v11 =	vld [tilespmem:s12+$0xFFFFFFF0]  }
0x6f: {  	v9 =	vshrl.u32 v9, $0x10;
	v12 =	vand.u32 $0xFFFF0000, v2;
	v3 =	vshrl.u32 v3, $0x10;
	v1 =	vld [tilespmem:s0+$0xFFFFFFF0]  }
0x70: {  	v5 =	vor.u32 v5, v6;
	v6 =	vor.u32 v7, v9;
	v7 =	vor.u32 v12, v3;
	v2 =	vld [tilespmem:s12+$0x0]  }
0x71: {  	v9 =	vshrl.u32 v10, $0x10;
	v3 =	vld [tilespmem:s0+$0x0];
	v12 =	vshrl.u32 v4, $0x10;
	[tilespmem:s9+$0xFFFFFFE0] =	vst v5  }
0x72: {  	v9 =	vand.u32 $0x1, v9;
	v13 =	vld [tilespmem:s12+$0xFFFFFFE0];
	v5 =	vshrl.u32 v8, $0x10;
	v12 =	vand.u32 $0x1, v12;
	[tilespmem:s9+$0xFFFFFFF0] =	vst v6  }
0x73: {  	v9 =	vadd.s32 v9, v10;
	v6 =	vshrl.u32 v11, $0x10;
	v4 =	vadd.s32 v12, v4;
	[tilespmem:s9+$0x0] =	vst v7  }
0x74: {  	v9 =	vadd.s32 $0x7FFF, v9;
	v7 =	vshrl.u32 v1, $0x10;
	v4 =	vadd.s32 $0x7FFF, v4  }
.Ltmp2:
0x75: {  	v9 =	vand.u32 $0xFFFF0000, v9;
	v10 =	vshrl.u32 v2, $0x10;
	v4 =	vshrl.u32 v4, $0x10;
	(pc) =	sbr.rel @p3 .LBB2_2-.Ltmp2, $4  }
0x76: {  	v12 =	vand.u32 $0x1, v5;
	s9 =	sadd.s32 $0x40, s9;
	v14 =	vshrl.u32 v3, $0x10;
	v5 =	vor.u32 v9, v4  }
0x77: {  	v15 =	vand.u32 $0x1, v6;
	v4 =	vand.u32 $0x1, v7;
	v9 =	vshrl.u32 v13, $0x10;
	[tilespmem:s9+$0x10] =	vst v5  }
0x78: {  	v5 =	vand.u32 $0x1, v10;
	v6 =	vand.u32 $0x1, v14;
	v7 =	vand.u32 $0x1, v9  }
0x79: {  	s12 =	sadd.s32 $0x40, s12;
	v8 =	vadd.s32 v12, v8;
	v9 =	vadd.s32 v15, v11;
	v7 =	vadd.s32 v7, v13  }
0x7a: {  	v1 =	vadd.s32 v4, v1;
	v2 =	vadd.s32 v5, v2  }
0x7b: {  	v3 =	vadd.s32 v6, v3;
	v4 =	vadd.s32 $0x7FFF, v7;
	v5 =	vadd.s32 $0x7FFF, v8  }
0x7c: {  	v6 =	vadd.s32 $0x7FFF, v9;
	v1 =	vadd.s32 $0x7FFF, v1;
	v2 =	vadd.s32 $0x7FFF, v2  }
0x7d: {  	v3 =	vadd.s32 $0x7FFF, v3;
	v4 =	vand.u32 $0xFFFF0000, v4;
	v5 =	vshrl.u32 v5, $0x10  }
0x7e: {  	v6 =	vand.u32 $0xFFFF0000, v6;
	v1 =	vshrl.u32 v1, $0x10;
	v4 =	vor.u32 v4, v5  }
0x7f: {  	v2 =	vand.u32 $0xFFFF0000, v2;
	v3 =	vshrl.u32 v3, $0x10;
	v1 =	vor.u32 v6, v1;
	[tilespmem:s9+$0xFFFFFFE0] =	vst v4  }
0x80: {  	v2 =	vor.u32 v2, v3;
	[tilespmem:s9+$0xFFFFFFF0] =	vst v1  }
0x81: {  	[tilespmem:s9+$0x0] =	vst v2  }
0x82: {  	v4 =	vld [tilespmem:s6+$0x10]  }
0x83: {  	v5 =	vld [tilespmem:s14+$0x10]  }
0x84: {  	v6 =	vld [tilespmem:s14+$0xFFFFFFE0]  }
0x85: {  	v7 =	vld [tilespmem:s6+$0xFFFFFFF0]  }
0x86: {  	v3 =	vld [tilespmem:s14+$0x0]  }
0x87: {  	v10 =	vld [tilespmem:s6+$0xFFFFFFE0];
	_ =	sdelay $0x1  }
0x88: {  	v1 =	vld [tilespmem:s14+$0xFFFFFFF0]  }
0x89: {  	v2 =	vld [tilespmem:s6+$0x0];
	v8 =	vshrl.u32 v4, $0x10;
	v9 =	vshrl.u32 v5, $0x10  }
0x8a: {  	v11 =	vshrl.u32 v6, $0x10;
	v12 =	vshrl.u32 v7, $0x10;
	v13 =	vshrl.u32 v3, $0x10  }
0x8b: {  	v14 =	vshrl.u32 v10, $0x10;
	v8 =	vand.u32 $0x1, v8;
	v9 =	vand.u32 $0x1, v9  }
0x8c: {  	v11 =	vand.u32 $0x1, v11;
	v12 =	vand.u32 $0x1, v12;
	v14 =	vand.u32 $0x1, v14  }
0x8d: {  	v4 =	vadd.s32 v8, v4;
	v5 =	vadd.s32 v9, v5;
	v8 =	vshrl.u32 v1, $0x10  }
0x8e: {  	v9 =	vshrl.u32 v2, $0x10;
	v4 =	vadd.s32 $0x7FFF, v4;
	v5 =	vadd.s32 $0x7FFF, v5  }
0x8f: {  	v6 =	vadd.s32 v11, v6;
	v4 =	vand.u32 $0xFFFF0000, v4;
	v5 =	vshrl.u32 v5, $0x10  }
0x90: {  	v7 =	vadd.s32 v12, v7;
	v5 =	vor.u32 v4, v5;
	v4 =	vand.u32 $0x1, v8  }
0x91: {  	s0 =	simm.s32 $0x0;
	s6 =	simm.s32 $0x10060;
	v8 =	vand.u32 $0x1, v9;
	v9 =	vand.u32 $0x1, v13;
	[tilespmem:s13+$0x10] =	vst v5;
	v5 =	vadd.s32 v14, v10  }
.LBB2_4:
0x92: {  	v10 =	vld [tilespmem:s6+$0x10];
	v1 =	vadd.s32 v4, v1;
	v2 =	vadd.s32 v8, v2;
	v3 =	vadd.s32 v9, v3;
	s14 =	sadd.s32 $0x40, s14  }
0x93: {  	s0 =	sadd.s32 $0x40, s0;
	v5 =	vadd.s32 $0x7FFF, v5;
	v6 =	vadd.s32 $0x7FFF, v6;
	v7 =	vadd.s32 $0x7FFF, v7;
	v4 =	vld [tilespmem:s14+$0x10]  }
0x94: {  	p3 =	slt.u32 s0, $0x3FC0;
	v8 =	vadd.s32 $0x7FFF, v1;
	v2 =	vadd.s32 $0x7FFF, v2;
	v3 =	vadd.s32 $0x7FFF, v3;
	v11 =	vld [tilespmem:s14+$0xFFFFFFE0]  }
0x95: {  	v5 =	vand.u32 $0xFFFF0000, v5;
	v6 =	vshrl.u32 v6, $0x10;
	v7 =	vand.u32 $0xFFFF0000, v7;
	v12 =	vld [tilespmem:s6+$0xFFFFFFF0]  }
0x96: {  	v8 =	vshrl.u32 v8, $0x10;
	v9 =	vand.u32 $0xFFFF0000, v2;
	v3 =	vshrl.u32 v3, $0x10;
	v1 =	vld [tilespmem:s14+$0xFFFFFFF0]  }
0x97: {  	v5 =	vor.u32 v5, v6;
	v6 =	vor.u32 v7, v8;
	v7 =	vor.u32 v9, v3;
	v2 =	vld [tilespmem:s6+$0x0]  }
0x98: {  	v8 =	vshrl.u32 v10, $0x10;
	v3 =	vld [tilespmem:s14+$0x0];
	v9 =	vshrl.u32 v4, $0x10;
	[tilespmem:s13+$0xFFFFFFE0] =	vst v5  }
0x99: {  	v8 =	vand.u32 $0x1, v8;
	v5 =	vld [tilespmem:s6+$0xFFFFFFE0];
	v13 =	vshrl.u32 v11, $0x10;
	v9 =	vand.u32 $0x1, v9;
	[tilespmem:s13+$0xFFFFFFF0] =	vst v6  }
0x9a: {  	v8 =	vadd.s32 v8, v10;
	v6 =	vshrl.u32 v12, $0x10;
	v4 =	vadd.s32 v9, v4;
	[tilespmem:s13+$0x0] =	vst v7  }
0x9b: {  	v8 =	vadd.s32 $0x7FFF, v8;
	v7 =	vshrl.u32 v1, $0x10;
	v4 =	vadd.s32 $0x7FFF, v4  }
.Ltmp3:
0x9c: {  	v8 =	vand.u32 $0xFFFF0000, v8;
	v9 =	vshrl.u32 v2, $0x10;
	v4 =	vshrl.u32 v4, $0x10;
	(pc) =	sbr.rel @p3 .LBB2_4-.Ltmp3, $4  }
0x9d: {  	v10 =	vand.u32 $0x1, v13;
	s13 =	sadd.s32 $0x40, s13;
	v13 =	vshrl.u32 v3, $0x10;
	v8 =	vor.u32 v8, v4  }
0x9e: {  	v15 =	vand.u32 $0x1, v6;
	v4 =	vand.u32 $0x1, v7;
	v14 =	vshrl.u32 v5, $0x10;
	[tilespmem:s13+$0x10] =	vst v8  }
0x9f: {  	v8 =	vand.u32 $0x1, v9;
	v9 =	vand.u32 $0x1, v13;
	v6 =	vand.u32 $0x1, v14  }
0xa0: {  	s6 =	sadd.s32 $0x40, s6;
	v7 =	vadd.s32 v15, v12;
	v5 =	vadd.s32 v6, v5;
	v6 =	vadd.s32 v10, v11  }
0xa1: {  	v1 =	vadd.s32 v4, v1;
	v2 =	vadd.s32 v8, v2  }
0xa2: {  	v3 =	vadd.s32 v9, v3;
	v61 =	vadd.s32 $0x7FFF, v5;
	v62 =	vadd.s32 $0x7FFF, v6  }
0xa3: {  	v63 =	vadd.s32 $0x7FFF, v7;
	v1 =	vadd.s32 $0x7FFF, v1;
	v2 =	vadd.s32 $0x7FFF, v2  }
.Ltmp4:
0xa4: {  	v3 =	vadd.s32 $0x7FFF, v3;
	v4 =	vand.u32 $0xFFFF0000, v61;
	v5 =	vshrl.u32 v62, $0x10;
	(pc) =	sbr.rel @!p0 .LBB2_35-.Ltmp4, $4  }
0xa5: {  	v6 =	vand.u32 $0xFFFF0000, v63;
	v1 =	vshrl.u32 v1, $0x10;
	v4 =	vor.u32 v4, v5  }
0xa6: {  	v2 =	vand.u32 $0xFFFF0000, v2;
	v3 =	vshrl.u32 v3, $0x10;
	v1 =	vor.u32 v6, v1;
	[tilespmem:s13+$0xFFFFFFE0] =	vst v4  }
0xa7: {  	v2 =	vor.u32 v2, v3;
	[tilespmem:s13+$0xFFFFFFF0] =	vst v1  }
0xa8: {  	[tilespmem:s13+$0x0] =	vst v2  }
0xa9: {  	s9 =	simm.s32 $0x8020  }
0xaa: {  	[tilespmem:s9+$0xFFFFFFF0] =	vst v0  }
0xab: {  	[tilespmem:s9+$0x0] =	vst v0  }
0xac: {  	[tilespmem:s9+$0x10] =	vst v0  }
0xad: {  	s8 =	simm.s32 $0xC020;
	[tilespmem:s9+$0xFFFFFFE0] =	vst v0  }
0xae: {  	[tilespmem:s8+$0xFFFFFFF0] =	vst v0  }
0xaf: {  	[tilespmem:s8+$0x0] =	vst v0  }
0xb0: {  	[tilespmem:s8+$0x10] =	vst v0  }
0xb1: {  	s6 =	simm.s32 $0x10020;
	[tilespmem:s8+$0xFFFFFFE0] =	vst v0  }
0xb2: {  	[tilespmem:s6+$0xFFFFFFF0] =	vst v0  }
0xb3: {  	[tilespmem:s6+$0x0] =	vst v0  }
0xb4: {  	[tilespmem:s6+$0x10] =	vst v0  }
0xb5: {  	s0 =	simm.s32 $0x14020;
	[tilespmem:s6+$0xFFFFFFE0] =	vst v0  }
0xb6: {  	[tilespmem:s0+$0xFFFFFFF0] =	vst v0  }
0xb7: {  	[tilespmem:s0+$0x0] =	vst v0  }
0xb8: {  	[tilespmem:s0+$0x10] =	vst v0  }
0xb9: {  	s12 =	simm.s32 $0x8060;
	s9 =	simm.s32 $0x0;
	[tilespmem:s0+$0xFFFFFFE0] =	vst v0  }
.LBB2_7:
0xba: {  	[tilespmem:s12+$0xFFFFFFF0] =	vst v0;
	s8 =	sadd.s32 $0x40, s8  }
0xbb: {  	s6 =	sadd.s32 $0x40, s6;
	[tilespmem:s8+$0xFFFFFFF0] =	vst v0  }
0xbc: {  	s0 =	sadd.s32 $0x40, s0;
	[tilespmem:s6+$0xFFFFFFF0] =	vst v0  }
0xbd: {  	[tilespmem:s0+$0xFFFFFFF0] =	vst v0  }
0xbe: {  	[tilespmem:s12+$0x0] =	vst v0  }
0xbf: {  	[tilespmem:s8+$0x0] =	vst v0  }
0xc0: {  	[tilespmem:s6+$0x0] =	vst v0  }
0xc1: {  	[tilespmem:s0+$0x0] =	vst v0  }
0xc2: {  	[tilespmem:s12+$0x10] =	vst v0  }
0xc3: {  	s9 =	sadd.s32 $0x40, s9;
	[tilespmem:s8+$0x10] =	vst v0  }
0xc4: {  	p3 =	slt.u32 s9, $0x3FC0;
	[tilespmem:s6+$0x10] =	vst v0  }
.Ltmp5:
0xc5: {  	[tilespmem:s0+$0x10] =	vst v0;
	(pc) =	sbr.rel @p3 .LBB2_7-.Ltmp5, $4  }
0xc6: {  	[tilespmem:s12+$0xFFFFFFE0] =	vst v0  }
0xc7: {  	[tilespmem:s8+$0xFFFFFFE0] =	vst v0  }
0xc8: {  	[tilespmem:s6+$0xFFFFFFE0] =	vst v0  }
0xc9: {  	s12 =	sadd.s32 $0x40, s12;
	[tilespmem:s0+$0xFFFFFFE0] =	vst v0  }
.Ltmp6:
0xca: {  	_ = 	snop;
	(pc) =	sbr.rel .LBB2_8-.Ltmp6, $1  }
0xcb: {  	_ =	sdelay $0x3  }
.LBB2_35:
0xcc: {  	s0 =	rddreg [dreg:$0x4];
	s1 =	simm.s32 $0x4  }
0xcd: {  	[tilespmem:s7], [sflag:$0x4] =	stream.linear.gather [hbm4b:s0+s5], $0x4000, $0x38;
	[tilespmem:$0x1E000] =	vst v63  }
0xce: {  	_ =	swait.ge [sflag:s1], $0x4000  }
0xcf: {  	[sflag:s1] =	ssyncset.done $0x0  }
0xd0: {  	[sflag:s1] =	ssyncadd.s32 $0xFFFFC000  }
0xd1: {  	[tilespmem:s20], [sflag:$0x4] =	stream.linear.gather [hbm4b:s0+s5], $0x4000, $0x38;
	[tilespmem:$0x1E000] =	vst v63  }
0xd2: {  	_ =	swait.ge [sflag:s1], $0x4000  }
0xd3: {  	[sflag:s1] =	ssyncset.done $0x0  }
0xd4: {  	[sflag:s1] =	ssyncadd.s32 $0xFFFFC000  }
0xd5: {  	[tilespmem:s21], [sflag:$0x4] =	stream.linear.gather [hbm4b:s0+s5], $0x4000, $0x38;
	[tilespmem:$0x1E000] =	vst v63  }
0xd6: {  	_ =	swait.ge [sflag:s1], $0x4000  }
0xd7: {  	[sflag:s1] =	ssyncset.done $0x0  }
0xd8: {  	[sflag:s1] =	ssyncadd.s32 $0xFFFFC000  }
0xd9: {  	[tilespmem:s4], [sflag:$0x4] =	stream.linear.gather [hbm4b:s0+s5], $0x4000, $0x38;
	[tilespmem:$0x1E000] =	vst v63  }
0xda: {  	_ =	swait.ge [sflag:s1], $0x4000  }
0xdb: {  	[sflag:s1] =	ssyncset.done $0x0  }
0xdc: {  	[sflag:s1] =	ssyncadd.s32 $0xFFFFC000  }
.LBB2_8:
0xdd: {  	s13 =	simm.s32 $0x0  }
.LBB2_9:
0xde: {  	s0 =	simm.s32 $0x1  }
0xdf: {  	_ =	swait.ge [sflag:s0], $0x2000  }
0xe0: {  	[sflag:s0] =	ssyncset.done $0x0  }
0xe1: {  	[sflag:s0] =	ssyncadd.s32 $0xFFFFE000  }
0xe2: {  	_ =	swait.ge [sflag:s0], $0x1000  }
0xe3: {  	[sflag:s0] =	ssyncset.done $0x0  }
0xe4: {  	s24 =	simm.s32 $0x1A060;
	[sflag:s0] =	ssyncadd.s32 $0xFFFFF000  }
0xe5: {  	v5 =	vld [tilespmem:s24+$0xFFFFFFA0]  }
0xe6: {  	v4 =	vld [tilespmem:s24+$0xFFFFFFE0]  }
0xe7: {  	v8 =	vld [tilespmem:s24+$0x40]  }
0xe8: {  	v11 =	vld [tilespmem:s24+$0x50]  }
0xe9: {  	v2 =	vld [tilespmem:s24+$0x30]  }
0xea: {  	s6 =	simm.s32 $0x0;
	s8 =	simm.s32 $0x40;
	s9 =	simm.s32 $0x80;
	v3 =	vld [tilespmem:s24+$0x10]  }
0xeb: {  	s12 =	simm.s32 $0xC0;
	s8 =	sand.u32 $0x40, s8;
	s9 =	sand.u32 $0x3F00, s9;
	v21 =	vld [tilespmem:s24+$0xFFFFFFF0]  }
0xec: {  	s15 =	simm.s32 $0x60;
	s14 =	simm.s32 $0x0;
	s8 =	sor.u32 s8, s9;
	v22 =	vld [tilespmem:s24+$0x0]  }
0xed: {  	s6 =	sand.u32 $0x1F00, s6;
	s25 =	sand.u32 $0x60, s15;
	s26 =	sand.u32 $0x3F00, s12;
	v10 =	vld [tilespmem:s8+$0x18000]  }
0xee: {  	s15 =	sand.u32 $0x40, s14;
	s6 =	sor.u32 $0x18000, s6;
	s0 =	sor.u32 s25, s26;
	v6 =	vld [tilespmem:s8+$0x18080]  }
0xef: {  	s30 =	simm.s32 $0x70;
	s19 =	simm.s32 $0xE0;
	s18 =	sor.u32 s15, s6;
	v23 =	vld [tilespmem:s0+$0x18080]  }
0xf0: {  	s19 =	sand.u32 $0x3F00, s19;
	s9 =	sand.u32 $0x70, s30;
	v9 =	vld [tilespmem:s18+$0x80]  }
0xf1: {  	s9 =	sor.u32 s9, s19;
	v14 =	vld [tilespmem:s18+$0x0]  }
0xf2: {  	v7 =	vld [tilespmem:s9+$0x18080]  }
0xf3: {  	s17 =	sor.u32 $0x30, s15;
	v16 =	vld [tilespmem:s0+$0x18000]  }
0xf4: {  	s22 =	sor.u32 $0x10, s15;
	s19 =	sor.u32 s17, s6;
	v27 =	vld [tilespmem:s9+$0x18000]  }
0xf5: {  	s23 =	sor.u32 s22, s6;
	v18 =	vld [tilespmem:s19+$0x80]  }
0xf6: {  	v28 =	vld [tilespmem:s23+$0x80]  }
0xf7: {  	s26 =	sor.u32 $0x20, s15;
	v30 =	vld [tilespmem:s19+$0x0]  }
0xf8: {  	s28 =	simm.s32 $0x120;
	s29 =	simm.s32 $0x90;
	v31 =	vld [tilespmem:s23+$0x0];
	s6 =	sor.u32 s26, s6  }
0xf9: {  	s31 =	simm.s32 $0x50;
	s12 =	sand.u32 $0x3F00, s28;
	s8 =	sand.u32 $0x50, s29;
	v33 =	vld [tilespmem:s6+$0x0]  }
0xfa: {  	s1 =	simm.s32 $0xA0;
	s28 =	simm.s32 $0x100;
	s8 =	sor.u32 s8, s12;
	v37 =	vld [tilespmem:s6+$0x80]  }
0xfb: {  	s2 =	simm.s32 $0xA0;
	s3 =	simm.s32 $0x140;
	s9 =	sand.u32 $0x3F00, s28;
	v1 =	vld [tilespmem:s8+$0x18080]  }
0xfc: {  	s18 =	sand.u32 $0x3F00, s1;
	s12 =	sand.u32 $0x50, s31;
	s9 =	sor.u32 s15, s9;
	v17 =	vld [tilespmem:s8+$0x18000]  }
0xfd: {  	s11 =	sand.u32 $0x60, s2;
	s16 =	sand.u32 $0x3F00, s3;
	s12 =	sor.u32 s12, s18;
	v35 =	vld [tilespmem:s9+$0x18000]  }
0xfe: {  	s8 =	sor.u32 s11, s16;
	v24 =	vld [tilespmem:s12+$0x18000]  }
0xff: {  	s29 =	sand.u32 $0xF80, s14;
	v13 =	vld [tilespmem:s8+$0x18080]  }
0x100: {  	s24 =	simm.s32 $0x80;
	s6 =	sor.u32 $0x1A000, s29;
	v25 =	vld [tilespmem:s8+$0x18000]  }
0x101: {  	s30 =	simm.s32 $0x160;
	s18 =	sand.u32 $0x1F80, s24;
	s0 =	sor.u32 s17, s6;
	v26 =	vld [tilespmem:s12+$0x18080]  }
0x102: {  	s31 =	simm.s32 $0xB0;
	s25 =	sor.u32 s15, s18;
	s8 =	sor.u32 s26, s6;
	v60 =	vld [tilespmem:s0+$0x0]  }
0x103: {  	s15 =	sand.u32 $0x70, s31;
	s12 =	sor.u32 s22, s6;
	v51 =	vld [tilespmem:s8+$0x0];
	s8 =	sand.u32 $0x3F00, s30  }
0x104: {  	v41 =	vld [tilespmem:s12+$0x0];
	s8 =	sor.u32 s15, s8  }
0x105: {  	v42 =	vld [tilespmem:s8+$0x18080]  }
0x106: {  	v45 =	vld [tilespmem:s8+$0x18000]  }
0x107: {  	v12 =	vld.idx.msk [tilespmem:v10+s10+$0x0], $0xffff  }
0x108: {  	v15 =	vld.idx.msk [tilespmem:v10+s5+$0x0], $0xffff  }
0x109: {  	v29 =	vld.idx.msk [tilespmem:v14+s5+$0x0], $0xffff  }
0x10a: {  	v20 =	vld.idx.msk [tilespmem:v14+s10+$0x0], $0xffff  }
0x10b: {  	v14 =	vld [tilespmem:s25+$0x1A000]  }
0x10c: {  	v32 =	vld.idx.msk [tilespmem:v16+s10+$0x0], $0xffff  }
0x10d: {  	v34 =	vld.idx.msk [tilespmem:v16+s5+$0x0], $0xffff  }
0x10e: {  	v16 =	vld.idx.msk [tilespmem:v27+s5+$0x0], $0xffff  }
0x10f: {  	v39 =	vld.idx.msk [tilespmem:v30+s10+$0x0], $0xffff  }
0x110: {  	v52 =	vld.idx.msk [tilespmem:v31+s10+$0x0], $0xffff  }
0x111: {  	v31 =	vld.idx.msk [tilespmem:v31+s5+$0x0], $0xffff  }
0x112: {  	v30 =	vld.idx.msk [tilespmem:v30+s5+$0x0], $0xffff  }
0x113: {  	v50 =	vld.idx.msk [tilespmem:v33+s10+$0x0], $0xffff  }
0x114: {  	v33 =	vld.idx.msk [tilespmem:v33+s5+$0x0], $0xffff  }
0x115: {  	v10 =	vld.idx.msk [tilespmem:v17+s10+$0x0], $0xffff  }
0x116: {  	v17 =	vld.idx.msk [tilespmem:v17+s5+$0x0], $0xffff  }
0x117: {  	v53 =	vld.idx.msk [tilespmem:v35+s5+$0x0], $0xffff  }
0x118: {  	v35 =	vld.idx.msk [tilespmem:v35+s10+$0x0], $0xffff  }
0x119: {  	v19 =	vld.idx.msk [tilespmem:v25+s10+$0x0], $0xffff  }
0x11a: {  	v36 =	vld.idx.msk [tilespmem:v24+s10+$0x0], $0xffff  }
0x11b: {  	v24 =	vld.idx.msk [tilespmem:v24+s5+$0x0], $0xffff;
	v38 =	vand.u32 $0xFFFF0000, v29  }
0x11c: {  	v25 =	vld.idx.msk [tilespmem:v25+s5+$0x0], $0xffff;
	v40 =	vand.u32 $0xFFFF0000, v34;
	v38 =	vmul.f32 v38, v5  }
0x11d: {  	v46 =	vand.u32 $0xFFFF0000, v31;
	v40 =	vmul.f32 v40, v22;
	v57 =	vld.idx.msk [tilespmem:v45+s5+$0x0], $0xffff  }
0x11e: {  	v29 =	vshll.u32 v29, $0x10;
	v54 =	vmul.f32 v46, v41;
	[tilespmem:v9+s7+$0x0] =	vst.idx.add.f32.msk $0xffff, v38  }
0x11f: {  	v34 =	vshll.u32 v34, $0x10;
	v29 =	vmul.f32 v29, v5;
	[tilespmem:v23+s7+$0x0] =	vst.idx.add.f32.msk $0xffff, v40  }
0x120: {  	v49 =	vand.u32 $0xFFFF0000, v32;
	v34 =	vmul.f32 v34, v22;
	[tilespmem:v28+s7+$0x0] =	vst.idx.add.f32.msk $0xffff, v54  }
0x121: {  	v32 =	vshll.u32 v32, $0x10;
	v61 =	vand.u32 $0xFFFF0000, v33;
	v44 =	vand.u32 $0xFFFF0000, v17;
	[tilespmem:v9+s20+$0x0] =	vst.idx.add.f32.msk $0xffff, v29  }
0x122: {  	v58 =	vshll.u32 v31, $0x10;
	v31 =	vmul.f32 v61, v51;
	v44 =	vmul.f32 v44, v2;
	[tilespmem:v23+s20+$0x0] =	vst.idx.add.f32.msk $0xffff, v34  }
0x123: {  	v33 =	vshll.u32 v33, $0x10;
	v29 =	vmul.f32 v49, v22;
	v22 =	vmul.f32 v32, v22;
	v32 =	vld [tilespmem:s9+$0x18080]  }
0x124: {  	v33 =	vmul.f32 v33, v51;
	[tilespmem:v37+s7+$0x0] =	vst.idx.add.f32.msk $0xffff, v31  }
0x125: {  	v43 =	vand.u32 $0xFFFF0000, v24;
	[tilespmem:v1+s7+$0x0] =	vst.idx.add.f32.msk $0xffff, v44  }
0x126: {  	v63 =	vand.u32 $0xFFFF0000, v50;
	v43 =	vmul.f32 v43, v21;
	[tilespmem:v37+s20+$0x0] =	vst.idx.add.f32.msk $0xffff, v33  }
0x127: {  	v31 =	vmul.f32 v63, v51;
	[tilespmem:v23+s21+$0x0] =	vst.idx.add.f32.msk $0xffff, v29  }
0x128: {  	v24 =	vshll.u32 v24, $0x10;
	[tilespmem:v26+s7+$0x0] =	vst.idx.add.f32.msk $0xffff, v43  }
0x129: {  	v55 =	vand.u32 $0xFFFF0000, v36;
	v24 =	vmul.f32 v24, v21;
	[tilespmem:v37+s21+$0x0] =	vst.idx.add.f32.msk $0xffff, v31  }
0x12a: {  	v56 =	vshll.u32 v36, $0x10;
	[tilespmem:v23+s4+$0x0] =	vst.idx.add.f32.msk $0xffff, v22;
	v22 =	vmul.f32 v55, v21  }
0x12b: {  	[tilespmem:v26+s20+$0x0] =	vst.idx.add.f32.msk $0xffff, v24;
	v21 =	vmul.f32 v56, v21  }
0x12c: {  	[tilespmem:v26+s21+$0x0] =	vst.idx.add.f32.msk $0xffff, v22  }
0x12d: {  	[tilespmem:v26+s4+$0x0] =	vst.idx.add.f32.msk $0xffff, v21;
	v21 =	vmul.f32 v58, v41  }
0x12e: {  	v59 =	vand.u32 $0xFFFF0000, v53;
	v23 =	vld.idx.msk [tilespmem:v27+s10+$0x0], $0xffff  }
0x12f: {  	v26 =	vmul.f32 v59, v14;
	[tilespmem:v28+s20+$0x0] =	vst.idx.add.f32.msk $0xffff, v21;
	v21 =	vand.u32 $0xFFFF0000, v52  }
0x130: {  	v62 =	vshll.u32 v52, $0x10;
	v38 =	vand.u32 $0xFFFF0000, v30;
	v22 =	vld.idx.msk [tilespmem:v45+s10+$0x0], $0xffff;
	v21 =	vmul.f32 v21, v41  }
0x131: {  	[tilespmem:v32+s7+$0x0] =	vst.idx.add.f32.msk $0xffff, v26;
	v26 =	vmul.f32 v62, v41;
	v41 =	vmul.f32 v38, v60  }
0x132: {  	v29 =	vshll.u32 v50, $0x10;
	[tilespmem:v28+s21+$0x0] =	vst.idx.add.f32.msk $0xffff, v21  }
0x133: {  	v36 =	vand.u32 $0xFFFF0000, v57;
	v21 =	vmul.f32 v29, v51;
	[tilespmem:v18+s7+$0x0] =	vst.idx.add.f32.msk $0xffff, v41  }
0x134: {  	v24 =	vshll.u32 v57, $0x10;
	[tilespmem:v28+s4+$0x0] =	vst.idx.add.f32.msk $0xffff, v26;
	v26 =	vmul.f32 v36, v11  }
0x135: {  	v24 =	vmul.f32 v24, v11;
	[tilespmem:v37+s4+$0x0] =	vst.idx.add.f32.msk $0xffff, v21;
	v21 =	vand.u32 $0xFFFF0000, v22  }
0x136: {  	v22 =	vshll.u32 v22, $0x10;
	[tilespmem:v42+s7+$0x0] =	vst.idx.add.f32.msk $0xffff, v26;
	v21 =	vmul.f32 v21, v11  }
0x137: {  	v11 =	vmul.f32 v22, v11;
	v22 =	vshll.u32 v30, $0x10;
	[tilespmem:v42+s20+$0x0] =	vst.idx.add.f32.msk $0xffff, v24  }
0x138: {  	v22 =	vmul.f32 v22, v60;
	[tilespmem:v42+s21+$0x0] =	vst.idx.add.f32.msk $0xffff, v21;
	v21 =	vand.u32 $0xFFFF0000, v39  }
0x139: {  	[tilespmem:v42+s4+$0x0] =	vst.idx.add.f32.msk $0xffff, v11;
	v42 =	vshll.u32 v39, $0x10;
	v21 =	vmul.f32 v21, v60  }
0x13a: {  	[tilespmem:v18+s20+$0x0] =	vst.idx.add.f32.msk $0xffff, v22;
	v22 =	vand.u32 $0xFFFF0000, v25;
	v11 =	vmul.f32 v42, v60  }
0x13b: {  	v60 =	vshll.u32 v17, $0x10;
	[tilespmem:v18+s21+$0x0] =	vst.idx.add.f32.msk $0xffff, v21;
	v21 =	vmul.f32 v22, v8  }
0x13c: {  	v43 =	vshll.u32 v25, $0x10;
	v61 =	vmul.f32 v60, v2;
	[tilespmem:v18+s4+$0x0] =	vst.idx.add.f32.msk $0xffff, v11  }
0x13d: {  	v49 =	vshll.u32 v53, $0x10;
	v44 =	vmul.f32 v43, v8;
	[tilespmem:v13+s7+$0x0] =	vst.idx.add.f32.msk $0xffff, v21  }
0x13e: {  	v22 =	vand.u32 $0xFFFF0000, v19;
	v11 =	vmul.f32 v49, v14;
	[tilespmem:v1+s20+$0x0] =	vst.idx.add.f32.msk $0xffff, v61  }
0x13f: {  	v45 =	vshll.u32 v19, $0x10;
	v46 =	vmul.f32 v22, v8;
	[tilespmem:v13+s20+$0x0] =	vst.idx.add.f32.msk $0xffff, v44  }
0x140: {  	v8 =	vmul.f32 v45, v8;
	v21 =	vand.u32 $0xFFFF0000, v20;
	[tilespmem:v32+s20+$0x0] =	vst.idx.add.f32.msk $0xffff, v11  }
0x141: {  	v47 =	vshll.u32 v20, $0x10;
	v48 =	vmul.f32 v21, v5;
	[tilespmem:v13+s21+$0x0] =	vst.idx.add.f32.msk $0xffff, v46  }
0x142: {  	v50 =	vand.u32 $0xFFFF0000, v15;
	v5 =	vmul.f32 v47, v5;
	[tilespmem:v13+s4+$0x0] =	vst.idx.add.f32.msk $0xffff, v8  }
0x143: {  	[tilespmem:v9+s21+$0x0] =	vst.idx.add.f32.msk $0xffff, v48;
	v13 =	vshll.u32 v15, $0x10;
	v8 =	vmul.f32 v50, v4  }
0x144: {  	v51 =	vand.u32 $0xFFFF0000, v12;
	[tilespmem:v9+s4+$0x0] =	vst.idx.add.f32.msk $0xffff, v5;
	v52 =	vmul.f32 v13, v4  }
0x145: {  	v54 =	vand.u32 $0xFFFF0000, v35;
	v5 =	vmul.f32 v51, v4;
	[tilespmem:v6+s7+$0x0] =	vst.idx.add.f32.msk $0xffff, v8  }
0x146: {  	v53 =	vshll.u32 v12, $0x10;
	v8 =	vmul.f32 v54, v14;
	[tilespmem:v6+s20+$0x0] =	vst.idx.add.f32.msk $0xffff, v52  }
0x147: {  	v55 =	vshll.u32 v35, $0x10;
	v4 =	vmul.f32 v53, v4;
	[tilespmem:v6+s21+$0x0] =	vst.idx.add.f32.msk $0xffff, v5  }
0x148: {  	v56 =	vand.u32 $0xFFFF0000, v16;
	v9 =	vmul.f32 v55, v14;
	[tilespmem:v32+s21+$0x0] =	vst.idx.add.f32.msk $0xffff, v8  }
0x149: {  	v57 =	vshll.u32 v16, $0x10;
	v5 =	vmul.f32 v56, v3;
	[tilespmem:v6+s4+$0x0] =	vst.idx.add.f32.msk $0xffff, v4  }
0x14a: {  	v58 =	vand.u32 $0xFFFF0000, v23;
	v4 =	vmul.f32 v57, v3;
	[tilespmem:v32+s4+$0x0] =	vst.idx.add.f32.msk $0xffff, v9  }
0x14b: {  	v59 =	vshll.u32 v23, $0x10;
	v6 =	vmul.f32 v58, v3;
	[tilespmem:v7+s7+$0x0] =	vst.idx.add.f32.msk $0xffff, v5  }
0x14c: {  	s19 =	simm.s32 $0x1F80;
	v3 =	vmul.f32 v59, v3;
	[tilespmem:v7+s20+$0x0] =	vst.idx.add.f32.msk $0xffff, v4  }
0x14d: {  	s23 =	simm.s32 $0xFB0;
	s24 =	simm.s32 $0x2E0;
	s18 =	simm.s32 $0x1AFC0;
	v63 =	vshll.u32 v10, $0x10;
	v62 =	vand.u32 $0xFFFF0000, v10;
	[tilespmem:v7+s21+$0x0] =	vst.idx.add.f32.msk $0xffff, v6  }
0x14e: {  	s22 =	simm.s32 $0x180C0;
	s15 =	simm.s32 $0x18040;
	s25 =	simm.s32 $0x1A120;
	v23 =	vmul.f32 v63, v2;
	v15 =	vmul.f32 v62, v2;
	[tilespmem:v7+s4+$0x0] =	vst.idx.add.f32.msk $0xffff, v3  }
.LBB2_10:
0x14f: {  	s0 =	sadd.s32 $0xFFFFFEA0, s24  }
0x150: {  	s6 =	sadd.s32 $0x100, s14;
	s9 =	sadd.s32 $0xFFFFFF20, s24;
	[tilespmem:v1+s21+$0x0] =	vst.idx.add.f32.msk $0xffff, v15;
	s8 =	smov.u32 s14  }
0x151: {  	s26 =	sand.u32 $0x3F00, s24;
	s0 =	sand.u32 $0x1F00, s0;
	s29 =	sand.u32 $0x40, s6;
	[tilespmem:v1+s4+$0x0] =	vst.idx.add.f32.msk $0xffff, v23  }
0x152: {  	s9 =	sand.u32 $0x3F00, s9;
	s6 =	sor.u32 $0x18000, s0;
	v16 =	vld [tilespmem:s25+$0xFFFFFFA0];
	s0 =	sadd.s32 $0xFFFFFFC0, s24  }
0x153: {  	s14 =	sadd.s32 $0xC0, s14;
	s30 =	sadd.s32 $0xFFFFFF60, s24;
	s12 =	sadd.s32 $0x150, s8;
	v12 =	vld [tilespmem:s25+$0xFFFFFFE0]  }
0x154: {  	s3 =	sadd.s32 $0xFFFFFF80, s24;
	s31 =	sadd.s32 $0x130, s8;
	s17 =	sadd.s32 $0x170, s8;
	v2 =	vld [tilespmem:s25+$0x40]  }
0x155: {  	s2 =	sadd.s32 $0xFFFFFF40, s24;
	s1 =	sadd.s32 $0x110, s8;
	s16 =	sand.u32 $0x3F00, s0;
	v6 =	vld [tilespmem:s25+$0x50]  }
0x156: {  	s1 =	sand.u32 $0x50, s1;
	s11 =	sand.u32 $0x50, s12;
	s0 =	sadd.s32 $0x120, s8;
	v15 =	vld [tilespmem:s25+$0x30]  }
0x157: {  	s2 =	sand.u32 $0x3F00, s2;
	s28 =	sand.u32 $0x60, s0;
	s0 =	sand.u32 $0x70, s17;
	v10 =	vld [tilespmem:s25+$0x10]  }
0x158: {  	s12 =	sand.u32 $0x40, s14;
	s17 =	sand.u32 $0x3F00, s30;
	s30 =	sadd.s32 $0xFFFFFFA0, s24;
	v14 =	vld [tilespmem:s25+$0xFFFFFFF0]  }
0x159: {  	s3 =	sand.u32 $0x3F00, s3;
	s9 =	sor.u32 s29, s9;
	s29 =	sand.u32 $0x3F00, s30;
	v22 =	vld [tilespmem:s25+$0x0]  }
0x15a: {  	s1 =	sor.u32 s1, s2;
	s2 =	sor.u32 s28, s17;
	s17 =	sand.u32 $0x70, s31;
	v8 =	vld [tilespmem:s9+$0x18000]  }
0x15b: {  	s28 =	sor.u32 s12, s6;
	s30 =	sand.u32 $0xF80, s14;
	s3 =	sor.u32 s17, s3;
	v3 =	vld [tilespmem:s9+$0x18080]  }
0x15c: {  	p3 =	slt.u32 s14, $0xF00;
	s9 =	sor.u32 s11, s16;
	v18 =	vld [tilespmem:s2+$0x18080]  }
0x15d: {  	v5 =	vld [tilespmem:s28+$0x80]  }
0x15e: {  	s11 =	sadd.s32 $0x160, s8;
	s16 =	sadd.s32 $0xFFFFFFE0, s24;
	v17 =	vld [tilespmem:s28+$0x0]  }
0x15f: {  	s11 =	sand.u32 $0x60, s11;
	s16 =	sand.u32 $0x3F00, s16;
	v1 =	vld [tilespmem:s9+$0x18080]  }
0x160: {  	s8 =	sadd.s32 $0x140, s8;
	s11 =	sor.u32 s11, s16;
	v4 =	vld [tilespmem:s3+$0x18080]  }
0x161: {  	s8 =	sand.u32 $0x1F80, s8;
	s16 =	sor.u32 $0x30, s12;
	v23 =	vld [tilespmem:s9+$0x18000]  }
0x162: {  	s17 =	sor.u32 s16, s6;
	s28 =	sor.u32 s12, s8;
	v24 =	vld [tilespmem:s1+$0x18000]  }
0x163: {  	v9 =	vld.idx.msk [tilespmem:v8+s10+$0x0], $0xffff  }
0x164: {  	s8 =	sor.u32 $0x10, s12;
	v7 =	vld [tilespmem:s11+$0x18080]  }
0x165: {  	s31 =	sor.u32 s8, s6;
	v19 =	vld [tilespmem:s11+$0x18000]  }
0x166: {  	v25 =	vld [tilespmem:s1+$0x18080]  }
0x167: {  	v26 =	vld [tilespmem:s2+$0x18000]  }
0x168: {  	v13 =	vld.idx.msk [tilespmem:v8+s5+$0x0], $0xffff  }
0x169: {  	v8 =	vand.u32 $0xFFFF0000, v9;
	v20 =	vshll.u32 v9, $0x10;
	v28 =	vld [tilespmem:s3+$0x18000]  }
0x16a: {  	v9 =	vmul.f32 v8, v12;
	v8 =	vmul.f32 v20, v12;
	v11 =	vld [tilespmem:s17+$0x80]  }
0x16b: {  	s1 =	sor.u32 $0x1A000, s30;
	v21 =	vld [tilespmem:s31+$0x80]  }
0x16c: {  	s8 =	sor.u32 s8, s1;
	s2 =	sor.u32 $0x20, s12;
	v27 =	vld.idx.msk [tilespmem:v17+s5+$0x0], $0xffff  }
0x16d: {  	s30 =	sor.u32 s2, s1;
	s3 =	sor.u32 s2, s6;
	v20 =	vld.idx.msk [tilespmem:v19+s10+$0x0], $0xffff  }
0x16e: {  	s9 =	sor.u32 s16, s1;
	v29 =	vand.u32 $0xFFFF0000, v13;
	v30 =	vshll.u32 v13, $0x10;
	v31 =	vld.idx.msk [tilespmem:v23+s10+$0x0], $0xffff  }
0x16f: {  	v13 =	vmul.f32 v29, v12;
	v12 =	vmul.f32 v30, v12;
	v32 =	vld [tilespmem:s17+$0x0]  }
0x170: {  	s6 =	sor.u32 s12, s29;
	v17 =	vld.idx.msk [tilespmem:v17+s10+$0x0], $0xffff  }
0x171: {  	v30 =	vld [tilespmem:s28+$0x1A000]  }
0x172: {  	v29 =	vand.u32 $0xFFFF0000, v27;
	v27 =	vshll.u32 v27, $0x10;
	v33 =	vld [tilespmem:s31+$0x0]  }
0x173: {  	v34 =	vmul.f32 v29, v16;
	v35 =	vmul.f32 v27, v16;
	v36 =	vld.idx.msk [tilespmem:v26+s10+$0x0], $0xffff  }
0x174: {  	v37 =	vld [tilespmem:s3+$0x0]  }
0x175: {  	v26 =	vld.idx.msk [tilespmem:v26+s5+$0x0], $0xffff  }
0x176: {  	v27 =	vand.u32 $0xFFFF0000, v17;
	v29 =	vshll.u32 v17, $0x10;
	v38 =	vld [tilespmem:s6+$0x18000]  }
0x177: {  	v17 =	vmul.f32 v27, v16;
	v16 =	vmul.f32 v29, v16;
	v39 =	vld.idx.msk [tilespmem:v24+s10+$0x0], $0xffff  }
0x178: {  	v40 =	vld.idx.msk [tilespmem:v28+s5+$0x0], $0xffff  }
0x179: {  	v41 =	vshll.u32 v36, $0x10;
	v29 =	vld [tilespmem:s3+$0x80]  }
0x17a: {  	v41 =	vmul.f32 v41, v22;
	v27 =	vld.idx.msk [tilespmem:v32+s10+$0x0], $0xffff  }
0x17b: {  	v42 =	vld.idx.msk [tilespmem:v24+s5+$0x0], $0xffff;
	v24 =	vand.u32 $0xFFFF0000, v26;
	v26 =	vshll.u32 v26, $0x10  }
0x17c: {  	v24 =	vmul.f32 v24, v22;
	v23 =	vld.idx.msk [tilespmem:v23+s5+$0x0], $0xffff  }
0x17d: {  	v26 =	vmul.f32 v26, v22;
	[tilespmem:v5+s7+$0x0] =	vst.idx.add.f32.msk $0xffff, v34;
	v34 =	vshll.u32 v39, $0x10  }
0x17e: {  	[tilespmem:v5+s20+$0x0] =	vst.idx.add.f32.msk $0xffff, v35;
	v34 =	vmul.f32 v34, v14;
	v35 =	vand.u32 $0xFFFF0000, v36;
	v36 =	vand.u32 $0xFFFF0000, v40  }
0x17f: {  	s0 =	sor.u32 s0, s26;
	[tilespmem:v18+s7+$0x0] =	vst.idx.add.f32.msk $0xffff, v24;
	v35 =	vmul.f32 v35, v22;
	v24 =	vshll.u32 v40, $0x10;
	v22 =	vmul.f32 v36, v10  }
0x180: {  	[tilespmem:v18+s20+$0x0] =	vst.idx.add.f32.msk $0xffff, v26;
	v24 =	vmul.f32 v24, v10  }
0x181: {  	v26 =	vand.u32 $0xFFFF0000, v42;
	v36 =	vshll.u32 v42, $0x10;
	[tilespmem:v18+s21+$0x0] =	vst.idx.add.f32.msk $0xffff, v35  }
0x182: {  	v40 =	vmul.f32 v26, v14;
	v36 =	vmul.f32 v36, v14;
	v26 =	vand.u32 $0xFFFF0000, v23;
	v35 =	vld.idx.msk [tilespmem:v37+s10+$0x0], $0xffff  }
0x183: {  	v23 =	vshll.u32 v23, $0x10;
	v43 =	vmul.f32 v26, v15;
	v42 =	vld [tilespmem:s30+$0x0]  }
0x184: {  	v26 =	vmul.f32 v23, v15;
	v44 =	vld.idx.msk [tilespmem:v33+s10+$0x0], $0xffff  }
0x185: {  	v37 =	vld.idx.msk [tilespmem:v37+s5+$0x0], $0xffff  }
0x186: {  	v33 =	vld.idx.msk [tilespmem:v33+s5+$0x0], $0xffff  }
0x187: {  	v45 =	vld.idx.msk [tilespmem:v38+s5+$0x0], $0xffff  }
0x188: {  	v47 =	vand.u32 $0xFFFF0000, v31;
	v23 =	vshll.u32 v31, $0x10;
	v46 =	vld [tilespmem:s8+$0x0]  }
0x189: {  	v23 =	vmul.f32 v23, v15;
	v31 =	vand.u32 $0xFFFF0000, v35;
	v48 =	vld [tilespmem:s0+$0x18080]  }
0x18a: {  	v35 =	vshll.u32 v35, $0x10;
	v31 =	vmul.f32 v31, v42;
	v49 =	vand.u32 $0xFFFF0000, v44;
	v38 =	vld.idx.msk [tilespmem:v38+s10+$0x0], $0xffff  }
0x18b: {  	v35 =	vmul.f32 v35, v42;
	v50 =	vand.u32 $0xFFFF0000, v37;
	v37 =	vshll.u32 v37, $0x10;
	v51 =	vld [tilespmem:s0+$0x18000]  }
0x18c: {  	v52 =	vand.u32 $0xFFFF0000, v33;
	v50 =	vmul.f32 v50, v42;
	v37 =	vmul.f32 v37, v42;
	v32 =	vld.idx.msk [tilespmem:v32+s5+$0x0], $0xffff  }
0x18d: {  	v33 =	vshll.u32 v33, $0x10;
	v42 =	vmul.f32 v52, v46;
	v49 =	vmul.f32 v49, v46;
	[tilespmem:v25+s7+$0x0] =	vst.idx.add.f32.msk $0xffff, v40  }
0x18e: {  	v15 =	vmul.f32 v47, v15;
	v40 =	vshll.u32 v44, $0x10;
	v33 =	vmul.f32 v33, v46;
	[tilespmem:v1+s7+$0x0] =	vst.idx.add.f32.msk $0xffff, v43  }
0x18f: {  	v44 =	vand.u32 $0xFFFF0000, v45;
	v45 =	vshll.u32 v45, $0x10;
	v40 =	vmul.f32 v40, v46;
	v43 =	vld [tilespmem:s6+$0x18080]  }
0x190: {  	[tilespmem:v21+s7+$0x0] =	vst.idx.add.f32.msk $0xffff, v42;
	v42 =	vmul.f32 v44, v30;
	v44 =	vmul.f32 v45, v30  }
0x191: {  	v39 =	vand.u32 $0xFFFF0000, v39;
	[tilespmem:v18+s4+$0x0] =	vst.idx.add.f32.msk $0xffff, v41  }
0x192: {  	v14 =	vmul.f32 v39, v14;
	v18 =	vld.idx.msk [tilespmem:v28+s10+$0x0], $0xffff  }
0x193: {  	[tilespmem:v25+s20+$0x0] =	vst.idx.add.f32.msk $0xffff, v36  }
0x194: {  	[tilespmem:v25+s21+$0x0] =	vst.idx.add.f32.msk $0xffff, v14  }
0x195: {  	v28 =	vshll.u32 v38, $0x10;
	v14 =	vand.u32 $0xFFFF0000, v38;
	v36 =	vld.idx.msk [tilespmem:v51+s10+$0x0], $0xffff  }
0x196: {  	v14 =	vmul.f32 v14, v30;
	v38 =	vld.idx.msk [tilespmem:v51+s5+$0x0], $0xffff  }
0x197: {  	[tilespmem:v25+s4+$0x0] =	vst.idx.add.f32.msk $0xffff, v34;
	v25 =	vmul.f32 v28, v30  }
0x198: {  	v30 =	vand.u32 $0xFFFF0000, v18;
	v18 =	vshll.u32 v18, $0x10;
	v28 =	vld [tilespmem:s9+$0x0]  }
0x199: {  	v30 =	vmul.f32 v30, v10;
	v10 =	vmul.f32 v18, v10;
	v18 =	vld.idx.msk [tilespmem:v19+s5+$0x0], $0xffff  }
0x19a: {  	[tilespmem:v21+s20+$0x0] =	vst.idx.add.f32.msk $0xffff, v33  }
0x19b: {  	[tilespmem:v43+s7+$0x0] =	vst.idx.add.f32.msk $0xffff, v42  }
0x19c: {  	[tilespmem:v29+s7+$0x0] =	vst.idx.add.f32.msk $0xffff, v50  }
0x19d: {  	[tilespmem:v29+s20+$0x0] =	vst.idx.add.f32.msk $0xffff, v37  }
0x19e: {  	[tilespmem:v21+s21+$0x0] =	vst.idx.add.f32.msk $0xffff, v49  }
0x19f: {  	v19 =	vand.u32 $0xFFFF0000, v38;
	[tilespmem:v21+s4+$0x0] =	vst.idx.add.f32.msk $0xffff, v40  }
0x1a0: {  	v19 =	vmul.f32 v19, v6;
	v21 =	vshll.u32 v38, $0x10;
	[tilespmem:v29+s21+$0x0] =	vst.idx.add.f32.msk $0xffff, v31  }
0x1a1: {  	v31 =	vshll.u32 v36, $0x10;
	v21 =	vmul.f32 v21, v6;
	[tilespmem:v29+s4+$0x0] =	vst.idx.add.f32.msk $0xffff, v35;
	v29 =	vand.u32 $0xFFFF0000, v36  }
0x1a2: {  	v33 =	vand.u32 $0xFFFF0000, v20;
	v20 =	vshll.u32 v20, $0x10;
	[tilespmem:v48+s7+$0x0] =	vst.idx.add.f32.msk $0xffff, v19;
	v19 =	vmul.f32 v29, v6  }
0x1a3: {  	v29 =	vand.u32 $0xFFFF0000, v32;
	v6 =	vmul.f32 v31, v6;
	[tilespmem:v48+s20+$0x0] =	vst.idx.add.f32.msk $0xffff, v21  }
0x1a4: {  	v21 =	vshll.u32 v32, $0x10;
	v29 =	vmul.f32 v29, v28;
	[tilespmem:v48+s21+$0x0] =	vst.idx.add.f32.msk $0xffff, v19  }
0x1a5: {  	v19 =	vand.u32 $0xFFFF0000, v27;
	v21 =	vmul.f32 v21, v28;
	[tilespmem:v48+s4+$0x0] =	vst.idx.add.f32.msk $0xffff, v6  }
0x1a6: {  	v6 =	vshll.u32 v27, $0x10;
	v19 =	vmul.f32 v19, v28;
	[tilespmem:v11+s7+$0x0] =	vst.idx.add.f32.msk $0xffff, v29  }
0x1a7: {  	v6 =	vmul.f32 v6, v28;
	[tilespmem:v11+s20+$0x0] =	vst.idx.add.f32.msk $0xffff, v21;
	v21 =	vand.u32 $0xFFFF0000, v18;
	v18 =	vshll.u32 v18, $0x10  }
0x1a8: {  	[tilespmem:v11+s21+$0x0] =	vst.idx.add.f32.msk $0xffff, v19;
	v19 =	vmul.f32 v21, v2  }
0x1a9: {  	[tilespmem:v11+s4+$0x0] =	vst.idx.add.f32.msk $0xffff, v6;
	v6 =	vmul.f32 v18, v2  }
0x1aa: {  	v11 =	vmul.f32 v33, v2;
	[tilespmem:v7+s7+$0x0] =	vst.idx.add.f32.msk $0xffff, v19  }
0x1ab: {  	v2 =	vmul.f32 v20, v2;
	[tilespmem:v7+s20+$0x0] =	vst.idx.add.f32.msk $0xffff, v6  }
0x1ac: {  	[tilespmem:v7+s21+$0x0] =	vst.idx.add.f32.msk $0xffff, v11  }
0x1ad: {  	[tilespmem:v7+s4+$0x0] =	vst.idx.add.f32.msk $0xffff, v2  }
0x1ae: {  	[tilespmem:v5+s21+$0x0] =	vst.idx.add.f32.msk $0xffff, v17  }
0x1af: {  	[tilespmem:v5+s4+$0x0] =	vst.idx.add.f32.msk $0xffff, v16  }
0x1b0: {  	[tilespmem:v43+s20+$0x0] =	vst.idx.add.f32.msk $0xffff, v44  }
0x1b1: {  	[tilespmem:v3+s7+$0x0] =	vst.idx.add.f32.msk $0xffff, v13  }
0x1b2: {  	[tilespmem:v3+s20+$0x0] =	vst.idx.add.f32.msk $0xffff, v12  }
0x1b3: {  	[tilespmem:v3+s21+$0x0] =	vst.idx.add.f32.msk $0xffff, v9  }
0x1b4: {  	[tilespmem:v3+s4+$0x0] =	vst.idx.add.f32.msk $0xffff, v8  }
0x1b5: {  	[tilespmem:v43+s21+$0x0] =	vst.idx.add.f32.msk $0xffff, v14  }
0x1b6: {  	[tilespmem:v43+s4+$0x0] =	vst.idx.add.f32.msk $0xffff, v25  }
.Ltmp7:
0x1b7: {  	[tilespmem:v4+s7+$0x0] =	vst.idx.add.f32.msk $0xffff, v22;
	(pc) =	sbr.rel @p3 .LBB2_10-.Ltmp7, $4  }
0x1b8: {  	[tilespmem:v4+s20+$0x0] =	vst.idx.add.f32.msk $0xffff, v24  }
0x1b9: {  	[tilespmem:v4+s21+$0x0] =	vst.idx.add.f32.msk $0xffff, v30  }
0x1ba: {  	[tilespmem:v4+s4+$0x0] =	vst.idx.add.f32.msk $0xffff, v10  }
0x1bb: {  	s25 =	sadd.s32 $0xC0, s25;
	s24 =	sadd.s32 $0x180, s24;
	[tilespmem:v1+s20+$0x0] =	vst.idx.add.f32.msk $0xffff, v26  }
0x1bc: {  	_ =	sdelay $0x3  }
0x1bd: {  	[tilespmem:v1+s21+$0x0] =	vst.idx.add.f32.msk $0xffff, v15  }
0x1be: {  	[tilespmem:v1+s4+$0x0] =	vst.idx.add.f32.msk $0xffff, v23  }
.LBB2_12:
0x1bf: {  	s0 =	sand.u32 $0x3FFFFF00, s19  }
0x1c0: {  	s1 =	sadd.s32 s0, s15  }
0x1c1: {  	v1 =	vld [tilespmem:s1+$0x0];
	_ =	sdelay $0x5  }
0x1c2: {  	s0 =	sadd.s32 s0, s22  }
0x1c3: {  	v2 =	vld [tilespmem:s0+$0x0]  }
0x1c4: {  	v3 =	vld.idx.msk [tilespmem:v1+s5+$0x0], $0xffff  }
0x1c5: {  	v4 =	vld [tilespmem:s18+$0x0]  }
0x1c6: {  	v1 =	vld.idx.msk [tilespmem:v1+s10+$0x0], $0xffff;
	_ =	sdelay $0x2  }
0x1c7: {  	s23 =	sadd.s32 $0x10, s23;
	v5 =	vand.u32 $0xFFFF0000, v3  }
0x1c8: {  	p3 =	slt.u32 s23, $0xFF0;
	v3 =	vshll.u32 v3, $0x10;
	v5 =	vmul.f32 v5, v4  }
.Ltmp8:
0x1c9: {  	v6 =	vand.u32 $0xFFFF0000, v1;
	v3 =	vmul.f32 v3, v4;
	(pc) =	sbr.rel @p3 .LBB2_12-.Ltmp8, $4  }
0x1ca: {  	v1 =	vshll.u32 v1, $0x10;
	v63 =	vmul.f32 v6, v4;
	[tilespmem:v2+s7+$0x0] =	vst.idx.add.f32.msk $0xffff, v5  }
0x1cb: {  	v1 =	vmul.f32 v1, v4;
	[tilespmem:v2+s20+$0x0] =	vst.idx.add.f32.msk $0xffff, v3  }
0x1cc: {  	s18 =	sadd.s32 $0x10, s18;
	[tilespmem:v2+s21+$0x0] =	vst.idx.add.f32.msk $0xffff, v63  }
0x1cd: {  	s19 =	sadd.s32 $0x20, s19;
	s22 =	sadd.s32 $0x10, s22;
	s15 =	sadd.s32 $0x10, s15;
	[tilespmem:v2+s4+$0x0] =	vst.idx.add.f32.msk $0xffff, v1  }
0x1ce: {  	s14 =	sshll.u32 s13, $0x10;
	p3 =	seq.s32 s13, $0x27;
	s0 =	rddreg [dreg:$0x10]  }
0x1cf: {  	[dreg:$0x1c] =	wrdreg s13;
	s0 =	sadd.s32 @!p3 s14, s0  }
0x1d0: {  	s2 =	rddreg [dreg:$0x1];
	s1 =	sshrl.u32 @!p3 s0, $0x2  }
0x1d1: {  	s3 =	simm.s32 @!p3 $0x18000;
	s1 =	sadd.s32 @!p3 s2, s1;
	s2 =	simm.s32 @!p3 $0x0  }
0x1d2: {  	[tilespmem:s3], [sflag:$0x1] =	stream.linear.gather @!p3 [hbm4b:s1+s2], $0x2000, $0x38;
	[tilespmem:$0x1E000] =	vst v63  }
0x1d3: {  	s0 =	sshrl.u32 @!p3 s0, $0x3;
	s1 =	rddreg [dreg:$0x2]  }
0x1d4: {  	s12 =	simm.s32 $0x2;
	s0 =	sadd.s32 @!p3 s1, s0;
	s1 =	simm.s32 @!p3 $0x1A000  }
0x1d5: {  	[tilespmem:s1], [sflag:$0x1] =	stream.linear.gather @!p3 [hbm4b:s0+s2], $0x1000, $0x38;
	[tilespmem:$0x1E000] =	vst v63  }
0x1d6: {  	_ =	swait.ge [sflag:s12], $0x2000  }
0x1d7: {  	[sflag:s12] =	ssyncset.done $0x0  }
0x1d8: {  	[sflag:s12] =	ssyncadd.s32 $0xFFFFE000  }
0x1d9: {  	_ =	swait.ge [sflag:s12], $0x1000  }
0x1da: {  	[sflag:s12] =	ssyncset.done $0x0  }
0x1db: {  	s13 =	simm.s32 $0x1D060;
	[sflag:s12] =	ssyncadd.s32 $0xFFFFF000  }
0x1dc: {  	v3 =	vld [tilespmem:s13+$0x30]  }
0x1dd: {  	v13 =	vld [tilespmem:s13+$0xFFFFFFA0]  }
0x1de: {  	v2 =	vld [tilespmem:s13+$0x10]  }
0x1df: {  	s15 =	simm.s32 $0x160;
	s16 =	simm.s32 $0x60;
	v5 =	vld [tilespmem:s13+$0x0]  }
0x1e0: {  	s17 =	simm.s32 $0x40;
	s6 =	simm.s32 $0x80;
	s8 =	simm.s32 $0xB0;
	v20 =	vld [tilespmem:s13+$0xFFFFFFF0]  }
0x1e1: {  	s9 =	simm.s32 $0xE0;
	s11 =	simm.s32 $0xC0;
	s19 =	simm.s32 $0x70;
	v7 =	vld [tilespmem:s13+$0xFFFFFFE0]  }
0x1e2: {  	s24 =	simm.s32 $0x140;
	s8 =	sand.u32 $0x70, s8;
	s1 =	sand.u32 $0x3F00, s15;
	v22 =	vld [tilespmem:s13+$0x50]  }
0x1e3: {  	s9 =	sand.u32 $0x3F00, s9;
	s18 =	sand.u32 $0x3F00, s11;
	s1 =	sor.u32 s8, s1;
	v4 =	vld [tilespmem:s13+$0x40]  }
0x1e4: {  	s22 =	sand.u32 $0x70, s19;
	s2 =	sand.u32 $0x60, s16;
	s23 =	sadd.s32 $0x1B000, s1;
	v1 =	vld [tilespmem:s1+$0x1B000]  }
0x1e5: {  	s25 =	simm.s32 $0xA0;
	s0 =	sor.u32 s2, s18;
	s2 =	sor.u32 s22, s9;
	v23 =	vld [tilespmem:s23+$0x80]  }
0x1e6: {  	s26 =	simm.s32 $0x90;
	s28 =	simm.s32 $0x120;
	s30 =	simm.s32 $0x0;
	v11 =	vld [tilespmem:s2+$0x1B000]  }
0x1e7: {  	s6 =	sand.u32 $0x3F00, s6;
	s3 =	sand.u32 $0x40, s17;
	s31 =	sadd.s32 $0x1B000, s0;
	v18 =	vld [tilespmem:s0+$0x1B000]  }
0x1e8: {  	s29 =	sand.u32 $0x50, s26;
	s3 =	sor.u32 s3, s6;
	s15 =	simm.s32 $0x0;
	v9 =	vld [tilespmem:s31+$0x80]  }
0x1e9: {  	s8 =	sand.u32 $0x60, s25;
	s22 =	sand.u32 $0xF80, s15;
	s12 =	sadd.s32 $0x1B000, s3;
	v21 =	vld [tilespmem:s3+$0x1B000]  }
0x1ea: {  	s1 =	sand.u32 $0x3F00, s24;
	s2 =	sadd.s32 $0x1B000, s2;
	s0 =	sand.u32 $0x40, s15;
	v16 =	vld [tilespmem:s12+$0x80]  }
0x1eb: {  	s13 =	simm.s32 $0x100;
	s1 =	sor.u32 s8, s1;
	v6 =	vld [tilespmem:s2+$0x80];
	s8 =	sand.u32 $0x3F00, s28  }
0x1ec: {  	s23 =	sor.u32 $0x1D000, s22;
	s18 =	sor.u32 $0x10, s0;
	s2 =	sor.u32 s29, s8;
	v15 =	vld [tilespmem:s1+$0x1B000]  }
0x1ed: {  	s17 =	sand.u32 $0x3F00, s13;
	s8 =	sand.u32 $0x1F00, s30;
	s29 =	sor.u32 s18, s23;
	v12 =	vld [tilespmem:s2+$0x1B000]  }
0x1ee: {  	s8 =	sadd.s32 $0x1B000, s8;
	s16 =	sadd.s32 $0x1B000, s2;
	s2 =	sor.u32 s0, s17;
	v39 =	vld [tilespmem:s29+$0x0]  }
0x1ef: {  	s11 =	sor.u32 s0, s8;
	v28 =	vld [tilespmem:s2+$0x1B000]  }
0x1f0: {  	s2 =	sadd.s32 $0x1B000, s2;
	v24 =	vld [tilespmem:s11+$0x0]  }
0x1f1: {  	s19 =	sor.u32 s18, s8;
	v29 =	vld [tilespmem:s2+$0x80]  }
0x1f2: {  	s24 =	sor.u32 $0x30, s0;
	v30 =	vld [tilespmem:s19+$0x0]  }
0x1f3: {  	v31 =	vld [tilespmem:s11+$0x80];
	s2 =	sor.u32 s24, s23  }
0x1f4: {  	v32 =	vld [tilespmem:s2+$0x0]  }
0x1f5: {  	v25 =	vld.idx.msk [tilespmem:v1+s10+$0x0], $0xffff  }
0x1f6: {  	s1 =	sadd.s32 $0x1B000, s1;
	v26 =	vld.idx.msk [tilespmem:v1+s5+$0x0], $0xffff  }
0x1f7: {  	v1 =	vld [tilespmem:s1+$0x80]  }
0x1f8: {  	v10 =	vld.idx.msk [tilespmem:v11+s10+$0x0], $0xffff  }
0x1f9: {  	v14 =	vld.idx.msk [tilespmem:v11+s5+$0x0], $0xffff  }
0x1fa: {  	v19 =	vld.idx.msk [tilespmem:v21+s10+$0x0], $0xffff  }
0x1fb: {  	s25 =	simm.s32 $0x80;
	v27 =	vld.idx.msk [tilespmem:v21+s5+$0x0], $0xffff  }
0x1fc: {  	s2 =	sand.u32 $0x1F80, s25;
	v11 =	vld [tilespmem:s16+$0x80]  }
0x1fd: {  	s30 =	sor.u32 $0x20, s0;
	s2 =	sor.u32 s0, s2;
	v21 =	vld [tilespmem:s19+$0x80]  }
0x1fe: {  	s0 =	sor.u32 s30, s8;
	v35 =	vld [tilespmem:s2+$0x1D000]  }
0x1ff: {  	v59 =	vld [tilespmem:s0+$0x80]  }
0x200: {  	s1 =	sor.u32 s24, s8;
	v60 =	vld [tilespmem:s0+$0x0]  }
0x201: {  	v34 =	vld [tilespmem:s1+$0x0]  }
0x202: {  	v37 =	vld [tilespmem:s1+$0x80]  }
0x203: {  	v8 =	vld.idx.msk [tilespmem:v15+s10+$0x0], $0xffff  }
0x204: {  	s26 =	simm.s32 $0x50;
	s28 =	simm.s32 $0xA0;
	v15 =	vld.idx.msk [tilespmem:v15+s5+$0x0], $0xffff  }
0x205: {  	s2 =	sand.u32 $0x3F00, s28;
	s1 =	sand.u32 $0x50, s26;
	v17 =	vld.idx.msk [tilespmem:v12+s5+$0x0], $0xffff  }
0x206: {  	s1 =	sor.u32 s1, s2;
	v12 =	vld.idx.msk [tilespmem:v12+s10+$0x0], $0xffff  }
0x207: {  	v47 =	vld [tilespmem:s1+$0x1B000];
	s1 =	sadd.s32 $0x1B000, s1  }
0x208: {  	v52 =	vld [tilespmem:s1+$0x80]  }
0x209: {  	v40 =	vld.idx.msk [tilespmem:v28+s5+$0x0], $0xffff  }
0x20a: {  	v28 =	vld.idx.msk [tilespmem:v28+s10+$0x0], $0xffff  }
0x20b: {  	v33 =	vand.u32 $0xFFFF0000, v26;
	v26 =	vshll.u32 v26, $0x10;
	v49 =	vld.idx.msk [tilespmem:v24+s10+$0x0], $0xffff  }
0x20c: {  	v36 =	vand.u32 $0xFFFF0000, v25;
	v25 =	vshll.u32 v25, $0x10;
	v24 =	vld.idx.msk [tilespmem:v24+s5+$0x0], $0xffff;
	v33 =	vmul.f32 v33, v22  }
0x20d: {  	v45 =	vand.u32 $0xFFFF0000, v27;
	v50 =	vld.idx.msk [tilespmem:v30+s5+$0x0], $0xffff;
	v26 =	vmul.f32 v26, v22;
	v36 =	vmul.f32 v36, v22  }
0x20e: {  	v30 =	vld.idx.msk [tilespmem:v30+s10+$0x0], $0xffff;
	v22 =	vmul.f32 v25, v22;
	v25 =	vmul.f32 v45, v7  }
0x20f: {  	[tilespmem:v23+s7+$0x0] =	vst.idx.add.f32.msk $0xffff, v33  }
0x210: {  	[tilespmem:v16+s7+$0x0] =	vst.idx.add.f32.msk $0xffff, v25  }
0x211: {  	v46 =	vshll.u32 v27, $0x10;
	v43 =	vld.idx.msk [tilespmem:v60+s10+$0x0], $0xffff  }
0x212: {  	v48 =	vmul.f32 v46, v7;
	v45 =	vld.idx.msk [tilespmem:v60+s5+$0x0], $0xffff  }
0x213: {  	[tilespmem:v23+s20+$0x0] =	vst.idx.add.f32.msk $0xffff, v26  }
0x214: {  	[tilespmem:v16+s20+$0x0] =	vst.idx.add.f32.msk $0xffff, v48  }
0x215: {  	v38 =	vld.idx.msk [tilespmem:v34+s5+$0x0], $0xffff  }
0x216: {  	v34 =	vld.idx.msk [tilespmem:v34+s10+$0x0], $0xffff  }
0x217: {  	[tilespmem:v23+s21+$0x0] =	vst.idx.add.f32.msk $0xffff, v36  }
0x218: {  	[tilespmem:v23+s4+$0x0] =	vst.idx.add.f32.msk $0xffff, v22  }
0x219: {  	v22 =	vld.idx.msk [tilespmem:v18+s5+$0x0], $0xffff  }
0x21a: {  	v51 =	vld.idx.msk [tilespmem:v47+s10+$0x0], $0xffff  }
0x21b: {  	s31 =	sor.u32 s30, s23;
	v53 =	vand.u32 $0xFFFF0000, v24;
	v27 =	vld.idx.msk [tilespmem:v47+s5+$0x0], $0xffff  }
0x21c: {  	v24 =	vshll.u32 v24, $0x10;
	v36 =	vmul.f32 v53, v13;
	v47 =	vld [tilespmem:s31+$0x0]  }
0x21d: {  	v61 =	vand.u32 $0xFFFF0000, v49;
	v24 =	vmul.f32 v24, v13;
	v18 =	vld.idx.msk [tilespmem:v18+s10+$0x0], $0xffff  }
0x21e: {  	v62 =	vmul.f32 v61, v13;
	[tilespmem:v31+s7+$0x0] =	vst.idx.add.f32.msk $0xffff, v36;
	v55 =	vand.u32 $0xFFFF0000, v38  }
0x21f: {  	[tilespmem:v31+s20+$0x0] =	vst.idx.add.f32.msk $0xffff, v24;
	v38 =	vshll.u32 v38, $0x10;
	v36 =	vmul.f32 v55, v32  }
0x220: {  	v56 =	vmul.f32 v38, v32;
	v38 =	vshll.u32 v49, $0x10;
	[tilespmem:v31+s21+$0x0] =	vst.idx.add.f32.msk $0xffff, v62  }
0x221: {  	v48 =	vand.u32 $0xFFFF0000, v50;
	v49 =	vand.u32 $0xFFFF0000, v45;
	v13 =	vmul.f32 v38, v13;
	[tilespmem:v37+s7+$0x0] =	vst.idx.add.f32.msk $0xffff, v36  }
0x222: {  	v25 =	vshll.u32 v50, $0x10;
	v54 =	vand.u32 $0xFFFF0000, v27;
	v50 =	vmul.f32 v49, v47;
	[tilespmem:v37+s20+$0x0] =	vst.idx.add.f32.msk $0xffff, v56  }
0x223: {  	v27 =	vshll.u32 v27, $0x10;
	v24 =	vmul.f32 v54, v20;
	[tilespmem:v31+s4+$0x0] =	vst.idx.add.f32.msk $0xffff, v13  }
0x224: {  	v27 =	vmul.f32 v27, v20;
	v54 =	vand.u32 $0xFFFF0000, v17;
	[tilespmem:v59+s7+$0x0] =	vst.idx.add.f32.msk $0xffff, v50  }
0x225: {  	v58 =	vand.u32 $0xFFFF0000, v51;
	v55 =	vmul.f32 v54, v3;
	[tilespmem:v52+s7+$0x0] =	vst.idx.add.f32.msk $0xffff, v24  }
0x226: {  	v63 =	vand.u32 $0xFFFF0000, v34;
	v26 =	vshll.u32 v51, $0x10;
	v24 =	vmul.f32 v58, v20;
	[tilespmem:v52+s20+$0x0] =	vst.idx.add.f32.msk $0xffff, v27  }
0x227: {  	v57 =	vand.u32 $0xFFFF0000, v40;
	v20 =	vmul.f32 v26, v20;
	v26 =	vmul.f32 v63, v32;
	[tilespmem:v11+s7+$0x0] =	vst.idx.add.f32.msk $0xffff, v55  }
0x228: {  	v27 =	vmul.f32 v57, v35;
	[tilespmem:v52+s21+$0x0] =	vst.idx.add.f32.msk $0xffff, v24  }
0x229: {  	v34 =	vshll.u32 v34, $0x10;
	[tilespmem:v37+s21+$0x0] =	vst.idx.add.f32.msk $0xffff, v26  }
0x22a: {  	v41 =	vmul.f32 v34, v32;
	v56 =	vand.u32 $0xFFFF0000, v14;
	[tilespmem:v29+s7+$0x0] =	vst.idx.add.f32.msk $0xffff, v27  }
0x22b: {  	v42 =	vshll.u32 v40, $0x10;
	v57 =	vshll.u32 v14, $0x10;
	v14 =	vmul.f32 v56, v2;
	[tilespmem:v52+s4+$0x0] =	vst.idx.add.f32.msk $0xffff, v20  }
0x22c: {  	v44 =	vand.u32 $0xFFFF0000, v28;
	v13 =	vmul.f32 v42, v35;
	[tilespmem:v37+s4+$0x0] =	vst.idx.add.f32.msk $0xffff, v41  }
0x22d: {  	v23 =	vmul.f32 v44, v35;
	v24 =	vshll.u32 v45, $0x10;
	[tilespmem:v6+s7+$0x0] =	vst.idx.add.f32.msk $0xffff, v14  }
0x22e: {  	v24 =	vmul.f32 v24, v47;
	[tilespmem:v29+s20+$0x0] =	vst.idx.add.f32.msk $0xffff, v13;
	v13 =	vand.u32 $0xFFFF0000, v15  }
0x22f: {  	v13 =	vmul.f32 v13, v4;
	[tilespmem:v29+s21+$0x0] =	vst.idx.add.f32.msk $0xffff, v23  }
0x230: {  	v23 =	vmul.f32 v48, v39;
	[tilespmem:v59+s20+$0x0] =	vst.idx.add.f32.msk $0xffff, v24  }
0x231: {  	v46 =	vshll.u32 v28, $0x10;
	[tilespmem:v1+s7+$0x0] =	vst.idx.add.f32.msk $0xffff, v13;
	v13 =	vmul.f32 v25, v39  }
0x232: {  	v51 =	vand.u32 $0xFFFF0000, v30;
	v26 =	vmul.f32 v46, v35;
	[tilespmem:v21+s7+$0x0] =	vst.idx.add.f32.msk $0xffff, v23  }
0x233: {  	v23 =	vmul.f32 v51, v39;
	[tilespmem:v21+s20+$0x0] =	vst.idx.add.f32.msk $0xffff, v13;
	v13 =	vand.u32 $0xFFFF0000, v43  }
0x234: {  	v52 =	vshll.u32 v30, $0x10;
	[tilespmem:v29+s4+$0x0] =	vst.idx.add.f32.msk $0xffff, v26;
	v13 =	vmul.f32 v13, v47  }
0x235: {  	v20 =	vshll.u32 v43, $0x10;
	v24 =	vmul.f32 v52, v39;
	[tilespmem:v21+s21+$0x0] =	vst.idx.add.f32.msk $0xffff, v23  }
0x236: {  	v20 =	vmul.f32 v20, v47;
	[tilespmem:v59+s21+$0x0] =	vst.idx.add.f32.msk $0xffff, v13;
	v13 =	vand.u32 $0xFFFF0000, v22  }
0x237: {  	v53 =	vand.u32 $0xFFFF0000, v19;
	[tilespmem:v21+s4+$0x0] =	vst.idx.add.f32.msk $0xffff, v24;
	v13 =	vmul.f32 v13, v5  }
0x238: {  	v19 =	vshll.u32 v19, $0x10;
	[tilespmem:v59+s4+$0x0] =	vst.idx.add.f32.msk $0xffff, v20;
	v20 =	vmul.f32 v53, v7  }
0x239: {  	v7 =	vmul.f32 v19, v7;
	[tilespmem:v9+s7+$0x0] =	vst.idx.add.f32.msk $0xffff, v13;
	v13 =	vshll.u32 v17, $0x10  }
0x23a: {  	[tilespmem:v16+s21+$0x0] =	vst.idx.add.f32.msk $0xffff, v20;
	v13 =	vmul.f32 v13, v3  }
0x23b: {  	v59 =	vshll.u32 v22, $0x10;
	[tilespmem:v16+s4+$0x0] =	vst.idx.add.f32.msk $0xffff, v7;
	v7 =	vmul.f32 v57, v2  }
0x23c: {  	v14 =	vand.u32 $0xFFFF0000, v18;
	v16 =	vmul.f32 v59, v5;
	[tilespmem:v11+s20+$0x0] =	vst.idx.add.f32.msk $0xffff, v13  }
0x23d: {  	v58 =	vand.u32 $0xFFFF0000, v10;
	v14 =	vmul.f32 v14, v5;
	[tilespmem:v6+s20+$0x0] =	vst.idx.add.f32.msk $0xffff, v7  }
0x23e: {  	v60 =	vshll.u32 v18, $0x10;
	v13 =	vmul.f32 v58, v2;
	[tilespmem:v9+s20+$0x0] =	vst.idx.add.f32.msk $0xffff, v16  }
0x23f: {  	v10 =	vshll.u32 v10, $0x10;
	v5 =	vmul.f32 v60, v5;
	[tilespmem:v9+s21+$0x0] =	vst.idx.add.f32.msk $0xffff, v14  }
0x240: {  	v2 =	vmul.f32 v10, v2;
	[tilespmem:v6+s21+$0x0] =	vst.idx.add.f32.msk $0xffff, v13;
	v13 =	vand.u32 $0xFFFF0000, v12  }
0x241: {  	v61 =	vshll.u32 v12, $0x10;
	[tilespmem:v9+s4+$0x0] =	vst.idx.add.f32.msk $0xffff, v5;
	v12 =	vmul.f32 v13, v3  }
0x242: {  	v62 =	vshll.u32 v15, $0x10;
	v3 =	vmul.f32 v61, v3;
	[tilespmem:v6+s4+$0x0] =	vst.idx.add.f32.msk $0xffff, v2  }
0x243: {  	v63 =	vand.u32 $0xFFFF0000, v8;
	v5 =	vmul.f32 v62, v4;
	[tilespmem:v11+s21+$0x0] =	vst.idx.add.f32.msk $0xffff, v12  }
0x244: {  	[tilespmem:v11+s4+$0x0] =	vst.idx.add.f32.msk $0xffff, v3;
	v3 =	vmul.f32 v63, v4  }
0x245: {  	s22 =	simm.s32 $0x1B0C0;
	s18 =	simm.s32 $0x1B040;
	v2 =	vshll.u32 v8, $0x10;
	[tilespmem:v1+s20+$0x0] =	vst.idx.add.f32.msk $0xffff, v5  }
0x246: {  	s23 =	simm.s32 $0x2E0;
	s19 =	simm.s32 $0x1DFC0;
	s24 =	simm.s32 $0x1D120;
	v12 =	vmul.f32 v2, v4;
	[tilespmem:v1+s21+$0x0] =	vst.idx.add.f32.msk $0xffff, v3  }
.LBB2_14:
0x247: {  	s0 =	sadd.s32 $0x100, s15  }
0x248: {  	s1 =	sadd.s32 $0xFFFFFF20, s23;
	s2 =	sadd.s32 $0x120, s15;
	[tilespmem:v1+s4+$0x0] =	vst.idx.add.f32.msk $0xffff, v12;
	s26 =	smov.u32 s15  }
0x249: {  	s30 =	sadd.s32 $0x110, s15;
	s3 =	sand.u32 $0x3F00, s23;
	s2 =	sand.u32 $0x60, s2;
	v12 =	vld [tilespmem:s24+$0x30]  }
0x24a: {  	s15 =	sadd.s32 $0xC0, s15;
	s8 =	sand.u32 $0x40, s0;
	s0 =	sadd.s32 $0x170, s26;
	v7 =	vld [tilespmem:s24+$0xFFFFFFA0]  }
0x24b: {  	s6 =	sadd.s32 $0xFFFFFFA0, s23;
	s29 =	sand.u32 $0x40, s15;
	s11 =	sand.u32 $0x70, s0;
	v21 =	vld [tilespmem:s24+$0x10]  }
0x24c: {  	s12 =	sadd.s32 $0xFFFFFEA0, s23;
	s16 =	sadd.s32 $0xFFFFFFE0, s23;
	s9 =	sor.u32 $0x10, s29;
	v2 =	vld [tilespmem:s24+$0x0]  }
0x24d: {  	s17 =	sadd.s32 $0xFFFFFF80, s23;
	s25 =	sadd.s32 $0x160, s26;
	s0 =	sadd.s32 $0xFFFFFF40, s23;
	v10 =	vld [tilespmem:s24+$0xFFFFFFF0]  }
0x24e: {  	s28 =	sadd.s32 $0xFFFFFF60, s23;
	s17 =	sand.u32 $0x3F00, s17;
	s0 =	sand.u32 $0x3F00, s0;
	v17 =	vld [tilespmem:s24+$0xFFFFFFE0]  }
0x24f: {  	s1 =	sand.u32 $0x3F00, s1;
	s28 =	sand.u32 $0x3F00, s28;
	s31 =	sadd.s32 $0x130, s26;
	v5 =	vld [tilespmem:s24+$0x50]  }
0x250: {  	s2 =	sor.u32 s2, s28;
	s28 =	sand.u32 $0x70, s31;
	s3 =	sor.u32 s11, s3;
	v24 =	vld [tilespmem:s24+$0x40]  }
0x251: {  	s31 =	sadd.s32 $0xFFFFFFC0, s23;
	s11 =	sadd.s32 $0x150, s26;
	s13 =	sadd.s32 $0x1B000, s3;
	v1 =	vld [tilespmem:s3+$0x1B000]  }
0x252: {  	s11 =	sand.u32 $0x50, s11;
	s3 =	sand.u32 $0x1F00, s12;
	s12 =	sand.u32 $0x3F00, s31;
	v14 =	vld [tilespmem:s13+$0x80]  }
0x253: {  	s1 =	sor.u32 s8, s1;
	s11 =	sor.u32 s11, s12;
	s13 =	sand.u32 $0x60, s25;
	v6 =	vld [tilespmem:s2+$0x1B000]  }
0x254: {  	s16 =	sand.u32 $0x3F00, s16;
	s25 =	sadd.s32 $0x1B000, s3;
	s3 =	sor.u32 s28, s17;
	v8 =	vld [tilespmem:s11+$0x1B000]  }
0x255: {  	s12 =	sor.u32 s29, s25;
	s8 =	sor.u32 s9, s25;
	s13 =	sor.u32 s13, s16;
	v9 =	vld [tilespmem:s3+$0x1B000]  }
0x256: {  	p4 =	slt.u32 s15, $0xF00;
	v11 =	vld [tilespmem:s13+$0x1B000]  }
0x257: {  	v27 =	vld [tilespmem:s12+$0x0]  }
0x258: {  	v13 =	vld [tilespmem:s1+$0x1B000]  }
0x259: {  	s2 =	sadd.s32 $0x1B000, s2;
	s3 =	sadd.s32 $0x1B000, s3;
	v15 =	vld.idx.msk [tilespmem:v1+s10+$0x0], $0xffff  }
0x25a: {  	v3 =	vld [tilespmem:s3+$0x80]  }
0x25b: {  	v16 =	vld.idx.msk [tilespmem:v1+s5+$0x0], $0xffff  }
0x25c: {  	s31 =	sadd.s32 $0x1B000, s11;
	v4 =	vld [tilespmem:s2+$0x80];
	s2 =	sadd.s32 $0x1B000, s13  }
0x25d: {  	v1 =	vld [tilespmem:s2+$0x80]  }
0x25e: {  	v18 =	vld.idx.msk [tilespmem:v11+s10+$0x0], $0xffff  }
0x25f: {  	s1 =	sadd.s32 $0x1B000, s1;
	v20 =	vand.u32 $0xFFFF0000, v15;
	v15 =	vshll.u32 v15, $0x10;
	v19 =	vld.idx.msk [tilespmem:v9+s10+$0x0], $0xffff  }
0x260: {  	v20 =	vmul.f32 v20, v5;
	v22 =	vmul.f32 v15, v5;
	v9 =	vld.idx.msk [tilespmem:v9+s5+$0x0], $0xffff  }
0x261: {  	v23 =	vand.u32 $0xFFFF0000, v16;
	v16 =	vshll.u32 v16, $0x10;
	v15 =	vld.idx.msk [tilespmem:v13+s10+$0x0], $0xffff  }
0x262: {  	v23 =	vmul.f32 v23, v5;
	v26 =	vmul.f32 v16, v5;
	v25 =	vld.idx.msk [tilespmem:v8+s5+$0x0], $0xffff  }
0x263: {  	v28 =	vld.idx.msk [tilespmem:v8+s10+$0x0], $0xffff  }
0x264: {  	v5 =	vand.u32 $0xFFFF0000, v18;
	v29 =	vshll.u32 v18, $0x10;
	v8 =	vld [tilespmem:s1+$0x80]  }
0x265: {  	v31 =	vshll.u32 v19, $0x10;
	v5 =	vmul.f32 v5, v24;
	v30 =	vld.idx.msk [tilespmem:v13+s5+$0x0], $0xffff;
	v13 =	vand.u32 $0xFFFF0000, v19  }
0x266: {  	s1 =	sand.u32 $0x3F00, s6;
	v16 =	vand.u32 $0xFFFF0000, v9;
	v18 =	vshll.u32 v9, $0x10;
	v9 =	vmul.f32 v13, v21;
	v32 =	vld.idx.msk [tilespmem:v11+s5+$0x0], $0xffff  }
0x267: {  	s1 =	sor.u32 s29, s1;
	v13 =	vand.u32 $0xFFFF0000, v15;
	v15 =	vshll.u32 v15, $0x10;
	v11 =	vmul.f32 v16, v21;
	[tilespmem:v14+s7+$0x0] =	vst.idx.add.f32.msk $0xffff, v23  }
0x268: {  	v16 =	vmul.f32 v13, v17;
	v15 =	vmul.f32 v15, v17;
	v19 =	vand.u32 $0xFFFF0000, v25;
	[tilespmem:v14+s20+$0x0] =	vst.idx.add.f32.msk $0xffff, v26  }
0x269: {  	v13 =	vmul.f32 v18, v21;
	v23 =	vshll.u32 v25, $0x10;
	v18 =	vmul.f32 v19, v12;
	[tilespmem:v14+s21+$0x0] =	vst.idx.add.f32.msk $0xffff, v20  }
0x26a: {  	v19 =	vand.u32 $0xFFFF0000, v28;
	v25 =	vshll.u32 v28, $0x10;
	v20 =	vmul.f32 v23, v12;
	[tilespmem:v14+s4+$0x0] =	vst.idx.add.f32.msk $0xffff, v22  }
0x26b: {  	v22 =	vand.u32 $0xFFFF0000, v30;
	v23 =	vshll.u32 v30, $0x10;
	v14 =	vmul.f32 v19, v12;
	v28 =	vld [tilespmem:s1+$0x1B000]  }
0x26c: {  	v22 =	vmul.f32 v22, v17;
	v30 =	vmul.f32 v23, v17;
	v26 =	vand.u32 $0xFFFF0000, v32;
	v17 =	vld [tilespmem:s31+$0x80]  }
0x26d: {  	v19 =	vmul.f32 v25, v12;
	v12 =	vshll.u32 v32, $0x10;
	v25 =	vmul.f32 v26, v24;
	v23 =	vld [tilespmem:s8+$0x80]  }
0x26e: {  	v21 =	vmul.f32 v31, v21;
	s1 =	sadd.s32 $0x1B000, s1;
	[tilespmem:v8+s7+$0x0] =	vst.idx.add.f32.msk $0xffff, v22;
	v22 =	vmul.f32 v12, v24  }
0x26f: {  	s6 =	sor.u32 $0x20, s29;
	v12 =	vmul.f32 v29, v24;
	v26 =	vld [tilespmem:s1+$0x80]  }
0x270: {  	[tilespmem:v8+s20+$0x0] =	vst.idx.add.f32.msk $0xffff, v30  }
0x271: {  	s1 =	sand.u32 $0x50, s30;
	v29 =	vld [tilespmem:s8+$0x0]  }
0x272: {  	s2 =	sand.u32 $0xF80, s15;
	s1 =	sor.u32 s1, s0;
	v24 =	vld.idx.msk [tilespmem:v6+s5+$0x0], $0xffff  }
0x273: {  	s0 =	sor.u32 $0x1D000, s2;
	s2 =	sor.u32 $0x30, s29;
	v30 =	vld [tilespmem:s1+$0x1B000]  }
0x274: {  	s3 =	sor.u32 s9, s0;
	s8 =	sor.u32 s2, s0;
	s9 =	sadd.s32 $0x140, s26;
	v31 =	vld [tilespmem:s12+$0x80]  }
0x275: {  	s2 =	sor.u32 s2, s25;
	s9 =	sand.u32 $0x1F80, s9;
	v32 =	vld.idx.msk [tilespmem:v27+s10+$0x0], $0xffff  }
0x276: {  	v33 =	vld [tilespmem:s8+$0x0];
	s8 =	sor.u32 s29, s9  }
0x277: {  	v34 =	vld [tilespmem:s2+$0x0]  }
0x278: {  	v35 =	vld [tilespmem:s8+$0x1D000]  }
0x279: {  	v27 =	vld.idx.msk [tilespmem:v27+s5+$0x0], $0xffff  }
0x27a: {  	v36 =	vld [tilespmem:s2+$0x80]  }
0x27b: {  	s1 =	sadd.s32 $0x1B000, s1;
	v37 =	vld.idx.msk [tilespmem:v29+s5+$0x0], $0xffff  }
0x27c: {  	v38 =	vld.idx.msk [tilespmem:v30+s10+$0x0], $0xffff  }
0x27d: {  	v30 =	vld.idx.msk [tilespmem:v30+s5+$0x0], $0xffff  }
0x27e: {  	v39 =	vld [tilespmem:s1+$0x80]  }
0x27f: {  	v40 =	vand.u32 $0xFFFF0000, v27;
	v27 =	vshll.u32 v27, $0x10;
	v41 =	vld.idx.msk [tilespmem:v34+s5+$0x0], $0xffff  }
0x280: {  	v40 =	vmul.f32 v40, v7;
	v27 =	vmul.f32 v27, v7;
	v42 =	vld [tilespmem:s3+$0x0]  }
0x281: {  	v43 =	vld.idx.msk [tilespmem:v28+s5+$0x0], $0xffff  }
0x282: {  	[tilespmem:v31+s7+$0x0] =	vst.idx.add.f32.msk $0xffff, v40  }
0x283: {  	v40 =	vshll.u32 v32, $0x10;
	[tilespmem:v31+s20+$0x0] =	vst.idx.add.f32.msk $0xffff, v27;
	v27 =	vand.u32 $0xFFFF0000, v30;
	v30 =	vshll.u32 v30, $0x10  }
0x284: {  	v40 =	vmul.f32 v40, v7;
	v27 =	vmul.f32 v27, v10;
	v28 =	vld.idx.msk [tilespmem:v28+s10+$0x0], $0xffff  }
0x285: {  	v44 =	vand.u32 $0xFFFF0000, v41;
	v41 =	vshll.u32 v41, $0x10;
	v30 =	vmul.f32 v30, v10;
	v34 =	vld.idx.msk [tilespmem:v34+s10+$0x0], $0xffff  }
0x286: {  	v44 =	vmul.f32 v44, v33;
	v41 =	vmul.f32 v41, v33;
	[tilespmem:v39+s7+$0x0] =	vst.idx.add.f32.msk $0xffff, v27  }
0x287: {  	v27 =	vand.u32 $0xFFFF0000, v32;
	v32 =	vshll.u32 v43, $0x10;
	[tilespmem:v39+s20+$0x0] =	vst.idx.add.f32.msk $0xffff, v30;
	v30 =	vand.u32 $0xFFFF0000, v43  }
0x288: {  	v7 =	vmul.f32 v27, v7;
	[tilespmem:v36+s7+$0x0] =	vst.idx.add.f32.msk $0xffff, v44;
	v27 =	vmul.f32 v30, v35  }
0x289: {  	v32 =	vmul.f32 v32, v35;
	v30 =	vand.u32 $0xFFFF0000, v38;
	v38 =	vshll.u32 v38, $0x10;
	[tilespmem:v36+s20+$0x0] =	vst.idx.add.f32.msk $0xffff, v41  }
0x28a: {  	s1 =	sor.u32 s6, s25;
	v30 =	vmul.f32 v30, v10;
	v10 =	vmul.f32 v38, v10;
	[tilespmem:v26+s7+$0x0] =	vst.idx.add.f32.msk $0xffff, v27  }
0x28b: {  	v38 =	vand.u32 $0xFFFF0000, v34;
	v34 =	vshll.u32 v34, $0x10;
	v27 =	vld [tilespmem:s1+$0x80]  }
0x28c: {  	v38 =	vmul.f32 v38, v33;
	v33 =	vmul.f32 v34, v33;
	v41 =	vld [tilespmem:s1+$0x0]  }
0x28d: {  	[tilespmem:v39+s21+$0x0] =	vst.idx.add.f32.msk $0xffff, v30  }
0x28e: {  	v30 =	vand.u32 $0xFFFF0000, v28;
	v29 =	vld.idx.msk [tilespmem:v29+s10+$0x0], $0xffff  }
0x28f: {  	[tilespmem:v39+s4+$0x0] =	vst.idx.add.f32.msk $0xffff, v10;
	v10 =	vshll.u32 v28, $0x10;
	v28 =	vmul.f32 v30, v35  }
0x290: {  	[tilespmem:v31+s21+$0x0] =	vst.idx.add.f32.msk $0xffff, v7;
	v7 =	vmul.f32 v10, v35  }
0x291: {  	[tilespmem:v36+s21+$0x0] =	vst.idx.add.f32.msk $0xffff, v38  }
0x292: {  	[tilespmem:v36+s4+$0x0] =	vst.idx.add.f32.msk $0xffff, v33  }
0x293: {  	[tilespmem:v31+s4+$0x0] =	vst.idx.add.f32.msk $0xffff, v40  }
0x294: {  	v10 =	vld.idx.msk [tilespmem:v41+s10+$0x0], $0xffff  }
0x295: {  	v30 =	vld.idx.msk [tilespmem:v41+s5+$0x0], $0xffff  }
0x296: {  	s0 =	sor.u32 s6, s0;
	[tilespmem:v26+s20+$0x0] =	vst.idx.add.f32.msk $0xffff, v32  }
0x297: {  	v31 =	vld [tilespmem:s0+$0x0]  }
0x298: {  	[tilespmem:v26+s21+$0x0] =	vst.idx.add.f32.msk $0xffff, v28  }
0x299: {  	v28 =	vand.u32 $0xFFFF0000, v37;
	[tilespmem:v26+s4+$0x0] =	vst.idx.add.f32.msk $0xffff, v7  }
0x29a: {  	v7 =	vshll.u32 v37, $0x10;
	v26 =	vmul.f32 v28, v42;
	[tilespmem:v1+s7+$0x0] =	vst.idx.add.f32.msk $0xffff, v25  }
0x29b: {  	v7 =	vmul.f32 v7, v42;
	v25 =	vand.u32 $0xFFFF0000, v30;
	v28 =	vshll.u32 v30, $0x10;
	v6 =	vld.idx.msk [tilespmem:v6+s10+$0x0], $0xffff  }
0x29c: {  	[tilespmem:v23+s7+$0x0] =	vst.idx.add.f32.msk $0xffff, v26;
	v25 =	vmul.f32 v25, v31;
	v26 =	vmul.f32 v28, v31  }
0x29d: {  	[tilespmem:v23+s20+$0x0] =	vst.idx.add.f32.msk $0xffff, v7;
	v7 =	vand.u32 $0xFFFF0000, v10  }
0x29e: {  	v10 =	vshll.u32 v10, $0x10;
	[tilespmem:v27+s7+$0x0] =	vst.idx.add.f32.msk $0xffff, v25;
	v7 =	vmul.f32 v7, v31  }
0x29f: {  	v25 =	vand.u32 $0xFFFF0000, v29;
	v10 =	vmul.f32 v10, v31;
	[tilespmem:v27+s20+$0x0] =	vst.idx.add.f32.msk $0xffff, v26;
	v26 =	vand.u32 $0xFFFF0000, v24  }
0x2a0: {  	v28 =	vshll.u32 v29, $0x10;
	v25 =	vmul.f32 v25, v42;
	[tilespmem:v27+s21+$0x0] =	vst.idx.add.f32.msk $0xffff, v7;
	v7 =	vmul.f32 v26, v2  }
0x2a1: {  	v26 =	vmul.f32 v28, v42;
	[tilespmem:v27+s4+$0x0] =	vst.idx.add.f32.msk $0xffff, v10;
	v10 =	vand.u32 $0xFFFF0000, v6;
	v6 =	vshll.u32 v6, $0x10  }
0x2a2: {  	v24 =	vshll.u32 v24, $0x10;
	[tilespmem:v23+s21+$0x0] =	vst.idx.add.f32.msk $0xffff, v25;
	v10 =	vmul.f32 v10, v2;
	v6 =	vmul.f32 v6, v2  }
0x2a3: {  	v2 =	vmul.f32 v24, v2;
	[tilespmem:v23+s4+$0x0] =	vst.idx.add.f32.msk $0xffff, v26  }
0x2a4: {  	[tilespmem:v4+s7+$0x0] =	vst.idx.add.f32.msk $0xffff, v7  }
0x2a5: {  	[tilespmem:v8+s21+$0x0] =	vst.idx.add.f32.msk $0xffff, v16  }
0x2a6: {  	[tilespmem:v8+s4+$0x0] =	vst.idx.add.f32.msk $0xffff, v15  }
0x2a7: {  	[tilespmem:v17+s7+$0x0] =	vst.idx.add.f32.msk $0xffff, v18  }
0x2a8: {  	[tilespmem:v17+s20+$0x0] =	vst.idx.add.f32.msk $0xffff, v20  }
0x2a9: {  	[tilespmem:v3+s7+$0x0] =	vst.idx.add.f32.msk $0xffff, v11  }
0x2aa: {  	[tilespmem:v3+s20+$0x0] =	vst.idx.add.f32.msk $0xffff, v13  }
0x2ab: {  	[tilespmem:v3+s21+$0x0] =	vst.idx.add.f32.msk $0xffff, v9  }
0x2ac: {  	[tilespmem:v4+s20+$0x0] =	vst.idx.add.f32.msk $0xffff, v2  }
0x2ad: {  	[tilespmem:v4+s21+$0x0] =	vst.idx.add.f32.msk $0xffff, v10  }
0x2ae: {  	[tilespmem:v4+s4+$0x0] =	vst.idx.add.f32.msk $0xffff, v6  }
.Ltmp9:
0x2af: {  	[tilespmem:v17+s21+$0x0] =	vst.idx.add.f32.msk $0xffff, v14;
	(pc) =	sbr.rel @p4 .LBB2_14-.Ltmp9, $4  }
0x2b0: {  	[tilespmem:v17+s4+$0x0] =	vst.idx.add.f32.msk $0xffff, v19  }
0x2b1: {  	[tilespmem:v3+s4+$0x0] =	vst.idx.add.f32.msk $0xffff, v21  }
0x2b2: {  	s0 =	simm.s32 $0x1F80;
	[tilespmem:v1+s20+$0x0] =	vst.idx.add.f32.msk $0xffff, v22  }
0x2b3: {  	s23 =	sadd.s32 $0x180, s23;
	s24 =	sadd.s32 $0xC0, s24;
	s6 =	simm.s32 $0xFB0;
	[tilespmem:v1+s21+$0x0] =	vst.idx.add.f32.msk $0xffff, v5  }
0x2b4: {  	_ =	sdelay $0x3  }
0x2b5: {  	[tilespmem:v1+s4+$0x0] =	vst.idx.add.f32.msk $0xffff, v12  }
.LBB2_16:
0x2b6: {  	s1 =	sand.u32 $0x3FFFFF00, s0  }
0x2b7: {  	s2 =	sadd.s32 s1, s18  }
0x2b8: {  	v1 =	vld [tilespmem:s2+$0x0];
	_ =	sdelay $0x5  }
0x2b9: {  	s1 =	sadd.s32 s1, s22  }
0x2ba: {  	v2 =	vld [tilespmem:s1+$0x0]  }
0x2bb: {  	v3 =	vld.idx.msk [tilespmem:v1+s5+$0x0], $0xffff  }
0x2bc: {  	v4 =	vld [tilespmem:s19+$0x0]  }
0x2bd: {  	v1 =	vld.idx.msk [tilespmem:v1+s10+$0x0], $0xffff;
	_ =	sdelay $0x2  }
0x2be: {  	s6 =	sadd.s32 $0x10, s6;
	v5 =	vand.u32 $0xFFFF0000, v3  }
0x2bf: {  	p4 =	slt.u32 s6, $0xFF0;
	v3 =	vshll.u32 v3, $0x10;
	v5 =	vmul.f32 v5, v4  }
.Ltmp10:
0x2c0: {  	v6 =	vand.u32 $0xFFFF0000, v1;
	v3 =	vmul.f32 v3, v4;
	(pc) =	sbr.rel @p4 .LBB2_16-.Ltmp10, $4  }
0x2c1: {  	v1 =	vshll.u32 v1, $0x10;
	v63 =	vmul.f32 v6, v4;
	[tilespmem:v2+s7+$0x0] =	vst.idx.add.f32.msk $0xffff, v5  }
0x2c2: {  	v1 =	vmul.f32 v1, v4;
	[tilespmem:v2+s20+$0x0] =	vst.idx.add.f32.msk $0xffff, v3  }
0x2c3: {  	s19 =	sadd.s32 $0x10, s19;
	[tilespmem:v2+s21+$0x0] =	vst.idx.add.f32.msk $0xffff, v63  }
0x2c4: {  	s0 =	sadd.s32 $0x20, s0;
	s22 =	sadd.s32 $0x10, s22;
	s18 =	sadd.s32 $0x10, s18;
	[tilespmem:v2+s4+$0x0] =	vst.idx.add.f32.msk $0xffff, v1  }
.Ltmp11:
0x2c5: {  	(pc) =	sbr.rel @p3 .LBB2_19-.Ltmp11, $2  }
0x2c6: {  	_ =	sdelay $0x2  }
0x2c7: {  	s13 =	rddreg [dreg:$0x1c]  }
0x2c8: {  	s0 =	rddreg [dreg:$0x11]  }
0x2c9: {  	s2 =	rddreg [dreg:$0x1];
	s0 =	sadd.s32 s14, s0  }
.Ltmp12:
0x2ca: {  	s29 =	simm.s32 $0x1B000;
	s1 =	sshrl.u32 s0, $0x2;
	(pc) =	sbr.rel .LBB2_9-.Ltmp12, $4  }
0x2cb: {  	s30 =	rddreg [dreg:$0x2];
	s0 =	sshrl.u32 s0, $0x3;
	s1 =	sadd.s32 s2, s1  }
0x2cc: {  	[tilespmem:s29], [sflag:$0x2] =	stream.linear.gather [hbm4b:s1+s5], $0x2000, $0x38;
	[tilespmem:$0x1E000] =	vst v63  }
0x2cd: {  	s31 =	simm.s32 $0x1D000;
	s13 =	sadd.s32 $0x1, s13;
	s0 =	sadd.s32 s30, s0  }
0x2ce: {  	[tilespmem:s31], [sflag:$0x2] =	stream.linear.gather [hbm4b:s0+s5], $0x1000, $0x38;
	[tilespmem:$0x1E000] =	vst v63  }
.LBB2_19:
0x2cf: {  	s0 =	rddreg [dreg:$0x12];
	s1 =	simm.s32 $0x18000  }
0x2d0: {  	[tilespmem:s1], [sflag:$0x1] =	stream.linear.gather [hbm4b:s0+s5], $0x2000, $0x38;
	[tilespmem:$0x1E000] =	vst v63  }
0x2d1: {  	s22 =	rddreg [dreg:$0x13];
	s23 =	simm.s32 $0x1A000;
	s24 =	simm.s32 $0x1  }
0x2d2: {  	[tilespmem:s23], [sflag:$0x1] =	stream.linear.gather [hbm4b:s22+s5], $0x1000, $0x38;
	[tilespmem:$0x1E000] =	vst v63  }
0x2d3: {  	_ =	swait.ge [sflag:s24], $0x2000  }
0x2d4: {  	[sflag:s24] =	ssyncset.done $0x0  }
0x2d5: {  	[sflag:s24] =	ssyncadd.s32 $0xFFFFE000  }
0x2d6: {  	_ =	swait.ge [sflag:s24], $0x1000  }
0x2d7: {  	[sflag:s24] =	ssyncset.done $0x0  }
0x2d8: {  	s25 =	simm.s32 $0x1A060;
	[sflag:s24] =	ssyncadd.s32 $0xFFFFF000  }
0x2d9: {  	v5 =	vld [tilespmem:s25+$0xFFFFFFA0]  }
0x2da: {  	v4 =	vld [tilespmem:s25+$0xFFFFFFE0]  }
0x2db: {  	v7 =	vld [tilespmem:s25+$0x40]  }
0x2dc: {  	v10 =	vld [tilespmem:s25+$0x50]  }
0x2dd: {  	v2 =	vld [tilespmem:s25+$0x30]  }
0x2de: {  	s2 =	simm.s32 $0x40;
	s3 =	simm.s32 $0x80;
	v3 =	vld [tilespmem:s25+$0x10]  }
0x2df: {  	s26 =	simm.s32 $0x0;
	s2 =	sand.u32 $0x40, s2;
	s3 =	sand.u32 $0x3F00, s3;
	v19 =	vld [tilespmem:s25+$0xFFFFFFF0]  }
0x2e0: {  	s13 =	simm.s32 $0x0;
	s1 =	sand.u32 $0x1F00, s26;
	s2 =	sor.u32 s2, s3;
	v21 =	vld [tilespmem:s25+$0x0]  }
0x2e1: {  	s6 =	simm.s32 $0x120;
	s8 =	sand.u32 $0x40, s13;
	s1 =	sor.u32 $0x18000, s1;
	v13 =	vld [tilespmem:s2+$0x18000]  }
0x2e2: {  	s9 =	simm.s32 $0xC0;
	s29 =	simm.s32 $0x60;
	s11 =	sor.u32 s8, s1;
	v6 =	vld [tilespmem:s2+$0x18080]  }
0x2e3: {  	s28 =	simm.s32 $0x90;
	s9 =	sand.u32 $0x3F00, s9;
	s3 =	sand.u32 $0x60, s29;
	v9 =	vld [tilespmem:s11+$0x80]  }
0x2e4: {  	s6 =	sand.u32 $0x3F00, s6;
	s0 =	sand.u32 $0x50, s28;
	s3 =	sor.u32 s3, s9;
	v16 =	vld [tilespmem:s11+$0x0]  }
0x2e5: {  	s0 =	sor.u32 s0, s6;
	v22 =	vld [tilespmem:s3+$0x18080]  }
0x2e6: {  	v1 =	vld [tilespmem:s0+$0x18080]  }
0x2e7: {  	s17 =	sor.u32 $0x30, s8;
	v23 =	vld [tilespmem:s0+$0x18000]  }
0x2e8: {  	s19 =	sor.u32 $0x10, s8;
	s18 =	sor.u32 s17, s1;
	v17 =	vld [tilespmem:s3+$0x18000]  }
0x2e9: {  	s23 =	sor.u32 s19, s1;
	v15 =	vld [tilespmem:s18+$0x80]  }
0x2ea: {  	v28 =	vld [tilespmem:s23+$0x80]  }
0x2eb: {  	s30 =	simm.s32 $0x70;
	s24 =	sor.u32 $0x20, s8;
	v29 =	vld [tilespmem:s18+$0x0]  }
0x2ec: {  	s31 =	simm.s32 $0xE0;
	s12 =	simm.s32 $0x50;
	s1 =	sor.u32 s24, s1;
	v30 =	vld [tilespmem:s23+$0x0]  }
0x2ed: {  	s14 =	simm.s32 $0xA0;
	s9 =	sand.u32 $0x3F00, s31;
	s2 =	sand.u32 $0x70, s30;
	v31 =	vld [tilespmem:s1+$0x0]  }
0x2ee: {  	s6 =	sand.u32 $0x3F00, s14;
	s11 =	sand.u32 $0x50, s12;
	s2 =	sor.u32 s2, s9;
	v32 =	vld [tilespmem:s1+$0x80]  }
0x2ef: {  	s6 =	sor.u32 s11, s6;
	v8 =	vld [tilespmem:s2+$0x18080]  }
0x2f0: {  	s15 =	simm.s32 $0xA0;
	s16 =	simm.s32 $0x140;
	v24 =	vld [tilespmem:s6+$0x18000]  }
0x2f1: {  	s0 =	sand.u32 $0x3F00, s16;
	s9 =	sand.u32 $0x60, s15;
	v26 =	vld [tilespmem:s6+$0x18080]  }
0x2f2: {  	s25 =	sand.u32 $0xF80, s13;
	s0 =	sor.u32 s9, s0;
	v27 =	vld [tilespmem:s2+$0x18000]  }
0x2f3: {  	s26 =	sor.u32 $0x1A000, s25;
	v12 =	vld [tilespmem:s0+$0x18080]  }
0x2f4: {  	s22 =	simm.s32 $0x80;
	s3 =	sor.u32 s24, s26;
	v25 =	vld [tilespmem:s0+$0x18000]  }
0x2f5: {  	s2 =	sand.u32 $0x1F80, s22;
	s30 =	sor.u32 s19, s26;
	v33 =	vld [tilespmem:s3+$0x0]  }
0x2f6: {  	s28 =	simm.s32 $0x160;
	s29 =	simm.s32 $0xB0;
	s2 =	sor.u32 s8, s2;
	v34 =	vld [tilespmem:s30+$0x0]  }
0x2f7: {  	s1 =	sand.u32 $0x70, s29;
	s0 =	sor.u32 s17, s26;
	v11 =	vld [tilespmem:s2+$0x1A000];
	s2 =	sand.u32 $0x3F00, s28  }
0x2f8: {  	s31 =	simm.s32 $0x100;
	v60 =	vld [tilespmem:s0+$0x0];
	s1 =	sor.u32 s1, s2  }
0x2f9: {  	s2 =	sand.u32 $0x3F00, s31;
	v35 =	vld [tilespmem:s1+$0x18080]  }
0x2fa: {  	s2 =	sor.u32 s8, s2;
	v36 =	vld [tilespmem:s1+$0x18000]  }
0x2fb: {  	v37 =	vld [tilespmem:s2+$0x18000]  }
0x2fc: {  	v14 =	vld [tilespmem:s2+$0x18080]  }
0x2fd: {  	v18 =	vld.idx.msk [tilespmem:v13+s10+$0x0], $0xffff  }
0x2fe: {  	v20 =	vld.idx.msk [tilespmem:v13+s5+$0x0], $0xffff  }
0x2ff: {  	v38 =	vld.idx.msk [tilespmem:v16+s5+$0x0], $0xffff  }
0x300: {  	v13 =	vld.idx.msk [tilespmem:v23+s10+$0x0], $0xffff  }
0x301: {  	v40 =	vld.idx.msk [tilespmem:v16+s10+$0x0], $0xffff  }
0x302: {  	v41 =	vld.idx.msk [tilespmem:v17+s10+$0x0], $0xffff  }
0x303: {  	v42 =	vld.idx.msk [tilespmem:v17+s5+$0x0], $0xffff  }
0x304: {  	v44 =	vld.idx.msk [tilespmem:v29+s10+$0x0], $0xffff  }
0x305: {  	v50 =	vld.idx.msk [tilespmem:v30+s5+$0x0], $0xffff  }
0x306: {  	v30 =	vld.idx.msk [tilespmem:v30+s10+$0x0], $0xffff  }
0x307: {  	v29 =	vld.idx.msk [tilespmem:v29+s5+$0x0], $0xffff  }
0x308: {  	v43 =	vld.idx.msk [tilespmem:v24+s10+$0x0], $0xffff  }
0x309: {  	v17 =	vld.idx.msk [tilespmem:v27+s5+$0x0], $0xffff  }
0x30a: {  	v24 =	vld.idx.msk [tilespmem:v24+s5+$0x0], $0xffff  }
0x30b: {  	v39 =	vld.idx.msk [tilespmem:v25+s10+$0x0], $0xffff  }
0x30c: {  	v25 =	vld.idx.msk [tilespmem:v25+s5+$0x0], $0xffff;
	v16 =	vand.u32 $0xFFFF0000, v38  }
0x30d: {  	v45 =	vmul.f32 v16, v5;
	v16 =	vld.idx.msk [tilespmem:v23+s5+$0x0], $0xffff  }
0x30e: {  	v56 =	vld.idx.msk [tilespmem:v36+s5+$0x0], $0xffff  }
0x30f: {  	v46 =	vand.u32 $0xFFFF0000, v42;
	v52 =	vld.idx.msk [tilespmem:v37+s5+$0x0], $0xffff  }
0x310: {  	v47 =	vand.u32 $0xFFFF0000, v50;
	v48 =	vmul.f32 v46, v21;
	v37 =	vld.idx.msk [tilespmem:v37+s10+$0x0], $0xffff  }
0x311: {  	v38 =	vshll.u32 v38, $0x10;
	v47 =	vmul.f32 v47, v34;
	[tilespmem:v9+s7+$0x0] =	vst.idx.add.f32.msk $0xffff, v45  }
0x312: {  	v38 =	vmul.f32 v38, v5;
	v23 =	vshll.u32 v42, $0x10;
	[tilespmem:v22+s7+$0x0] =	vst.idx.add.f32.msk $0xffff, v48  }
0x313: {  	v23 =	vmul.f32 v23, v21;
	[tilespmem:v28+s7+$0x0] =	vst.idx.add.f32.msk $0xffff, v47  }
0x314: {  	[tilespmem:v9+s20+$0x0] =	vst.idx.add.f32.msk $0xffff, v38  }
0x315: {  	v57 =	vshll.u32 v50, $0x10;
	[tilespmem:v22+s20+$0x0] =	vst.idx.add.f32.msk $0xffff, v23  }
0x316: {  	v58 =	vmul.f32 v57, v34;
	v51 =	vand.u32 $0xFFFF0000, v24;
	v23 =	vld.idx.msk [tilespmem:v31+s10+$0x0], $0xffff  }
0x317: {  	v49 =	vand.u32 $0xFFFF0000, v41;
	v42 =	vmul.f32 v51, v19;
	v31 =	vld.idx.msk [tilespmem:v31+s5+$0x0], $0xffff  }
0x318: {  	v24 =	vshll.u32 v24, $0x10;
	v38 =	vmul.f32 v49, v21;
	[tilespmem:v28+s20+$0x0] =	vst.idx.add.f32.msk $0xffff, v58  }
0x319: {  	v41 =	vshll.u32 v41, $0x10;
	v24 =	vmul.f32 v24, v19;
	[tilespmem:v26+s7+$0x0] =	vst.idx.add.f32.msk $0xffff, v42  }
0x31a: {  	v21 =	vmul.f32 v41, v21;
	[tilespmem:v22+s21+$0x0] =	vst.idx.add.f32.msk $0xffff, v38  }
0x31b: {  	v53 =	vand.u32 $0xFFFF0000, v16;
	[tilespmem:v26+s20+$0x0] =	vst.idx.add.f32.msk $0xffff, v24  }
0x31c: {  	v54 =	vand.u32 $0xFFFF0000, v43;
	v46 =	vmul.f32 v53, v2;
	[tilespmem:v22+s4+$0x0] =	vst.idx.add.f32.msk $0xffff, v21  }
0x31d: {  	v55 =	vshll.u32 v43, $0x10;
	v21 =	vmul.f32 v54, v19;
	v22 =	vld.idx.msk [tilespmem:v27+s10+$0x0], $0xffff  }
0x31e: {  	v19 =	vmul.f32 v55, v19;
	[tilespmem:v1+s7+$0x0] =	vst.idx.add.f32.msk $0xffff, v46  }
0x31f: {  	v59 =	vand.u32 $0xFFFF0000, v52;
	[tilespmem:v26+s21+$0x0] =	vst.idx.add.f32.msk $0xffff, v21  }
0x320: {  	v61 =	vand.u32 $0xFFFF0000, v31;
	[tilespmem:v26+s4+$0x0] =	vst.idx.add.f32.msk $0xffff, v19;
	v26 =	vmul.f32 v59, v11  }
0x321: {  	v62 =	vand.u32 $0xFFFF0000, v30;
	v21 =	vld.idx.msk [tilespmem:v36+s10+$0x0], $0xffff;
	v36 =	vmul.f32 v61, v33  }
0x322: {  	v31 =	vshll.u32 v31, $0x10;
	v19 =	vmul.f32 v62, v34;
	[tilespmem:v14+s7+$0x0] =	vst.idx.add.f32.msk $0xffff, v26  }
0x323: {  	v63 =	vshll.u32 v30, $0x10;
	v31 =	vmul.f32 v31, v33;
	[tilespmem:v32+s7+$0x0] =	vst.idx.add.f32.msk $0xffff, v36  }
0x324: {  	v36 =	vand.u32 $0xFFFF0000, v23;
	v26 =	vmul.f32 v63, v34;
	[tilespmem:v28+s21+$0x0] =	vst.idx.add.f32.msk $0xffff, v19  }
0x325: {  	v23 =	vshll.u32 v23, $0x10;
	[tilespmem:v32+s20+$0x0] =	vst.idx.add.f32.msk $0xffff, v31;
	v30 =	vmul.f32 v36, v33  }
0x326: {  	v38 =	vmul.f32 v23, v33;
	v23 =	vand.u32 $0xFFFF0000, v56;
	[tilespmem:v28+s4+$0x0] =	vst.idx.add.f32.msk $0xffff, v26  }
0x327: {  	v24 =	vshll.u32 v56, $0x10;
	v23 =	vmul.f32 v23, v10;
	[tilespmem:v32+s21+$0x0] =	vst.idx.add.f32.msk $0xffff, v30  }
0x328: {  	v24 =	vmul.f32 v24, v10;
	v41 =	vand.u32 $0xFFFF0000, v21;
	[tilespmem:v32+s4+$0x0] =	vst.idx.add.f32.msk $0xffff, v38  }
0x329: {  	v21 =	vshll.u32 v21, $0x10;
	v19 =	vmul.f32 v41, v10;
	[tilespmem:v35+s7+$0x0] =	vst.idx.add.f32.msk $0xffff, v23  }
0x32a: {  	v10 =	vmul.f32 v21, v10;
	v23 =	vand.u32 $0xFFFF0000, v29;
	[tilespmem:v35+s20+$0x0] =	vst.idx.add.f32.msk $0xffff, v24  }
0x32b: {  	v21 =	vshll.u32 v29, $0x10;
	v23 =	vmul.f32 v23, v60;
	[tilespmem:v35+s21+$0x0] =	vst.idx.add.f32.msk $0xffff, v19  }
0x32c: {  	v42 =	vand.u32 $0xFFFF0000, v44;
	v21 =	vmul.f32 v21, v60;
	[tilespmem:v35+s4+$0x0] =	vst.idx.add.f32.msk $0xffff, v10  }
0x32d: {  	v43 =	vshll.u32 v44, $0x10;
	v19 =	vmul.f32 v42, v60;
	[tilespmem:v15+s7+$0x0] =	vst.idx.add.f32.msk $0xffff, v23  }
0x32e: {  	v10 =	vmul.f32 v43, v60;
	v60 =	vshll.u32 v16, $0x10;
	[tilespmem:v15+s20+$0x0] =	vst.idx.add.f32.msk $0xffff, v21  }
0x32f: {  	v21 =	vand.u32 $0xFFFF0000, v25;
	v61 =	vmul.f32 v60, v2;
	[tilespmem:v15+s21+$0x0] =	vst.idx.add.f32.msk $0xffff, v19  }
0x330: {  	v23 =	vshll.u32 v25, $0x10;
	v44 =	vmul.f32 v21, v7;
	[tilespmem:v15+s4+$0x0] =	vst.idx.add.f32.msk $0xffff, v10  }
0x331: {  	v49 =	vshll.u32 v52, $0x10;
	v46 =	vmul.f32 v23, v7;
	[tilespmem:v1+s20+$0x0] =	vst.idx.add.f32.msk $0xffff, v61  }
0x332: {  	v21 =	vand.u32 $0xFFFF0000, v39;
	v10 =	vmul.f32 v49, v11;
	[tilespmem:v12+s7+$0x0] =	vst.idx.add.f32.msk $0xffff, v44  }
0x333: {  	v15 =	vshll.u32 v39, $0x10;
	v47 =	vmul.f32 v21, v7;
	v21 =	vand.u32 $0xFFFF0000, v40;
	[tilespmem:v12+s20+$0x0] =	vst.idx.add.f32.msk $0xffff, v46  }
0x334: {  	v7 =	vmul.f32 v15, v7;
	v15 =	vmul.f32 v21, v5;
	[tilespmem:v14+s20+$0x0] =	vst.idx.add.f32.msk $0xffff, v10  }
0x335: {  	v48 =	vshll.u32 v40, $0x10;
	[tilespmem:v12+s21+$0x0] =	vst.idx.add.f32.msk $0xffff, v47  }
0x336: {  	v50 =	vand.u32 $0xFFFF0000, v20;
	v5 =	vmul.f32 v48, v5;
	[tilespmem:v9+s21+$0x0] =	vst.idx.add.f32.msk $0xffff, v15  }
0x337: {  	[tilespmem:v12+s4+$0x0] =	vst.idx.add.f32.msk $0xffff, v7;
	v12 =	vshll.u32 v20, $0x10;
	v7 =	vmul.f32 v50, v4  }
0x338: {  	v51 =	vand.u32 $0xFFFF0000, v18;
	[tilespmem:v9+s4+$0x0] =	vst.idx.add.f32.msk $0xffff, v5;
	v52 =	vmul.f32 v12, v4  }
0x339: {  	v54 =	vand.u32 $0xFFFF0000, v37;
	v5 =	vmul.f32 v51, v4;
	[tilespmem:v6+s7+$0x0] =	vst.idx.add.f32.msk $0xffff, v7  }
0x33a: {  	v53 =	vshll.u32 v18, $0x10;
	v7 =	vmul.f32 v54, v11;
	[tilespmem:v6+s20+$0x0] =	vst.idx.add.f32.msk $0xffff, v52  }
0x33b: {  	v55 =	vshll.u32 v37, $0x10;
	v4 =	vmul.f32 v53, v4;
	[tilespmem:v6+s21+$0x0] =	vst.idx.add.f32.msk $0xffff, v5  }
0x33c: {  	v56 =	vand.u32 $0xFFFF0000, v17;
	v9 =	vmul.f32 v55, v11;
	[tilespmem:v14+s21+$0x0] =	vst.idx.add.f32.msk $0xffff, v7  }
0x33d: {  	v57 =	vshll.u32 v17, $0x10;
	v5 =	vmul.f32 v56, v3;
	[tilespmem:v6+s4+$0x0] =	vst.idx.add.f32.msk $0xffff, v4  }
0x33e: {  	v58 =	vand.u32 $0xFFFF0000, v22;
	v4 =	vmul.f32 v57, v3;
	[tilespmem:v14+s4+$0x0] =	vst.idx.add.f32.msk $0xffff, v9  }
0x33f: {  	v59 =	vshll.u32 v22, $0x10;
	v6 =	vmul.f32 v58, v3;
	[tilespmem:v8+s7+$0x0] =	vst.idx.add.f32.msk $0xffff, v5  }
0x340: {  	v3 =	vmul.f32 v59, v3;
	[tilespmem:v8+s20+$0x0] =	vst.idx.add.f32.msk $0xffff, v4  }
0x341: {  	v62 =	vand.u32 $0xFFFF0000, v13;
	v63 =	vshll.u32 v13, $0x10;
	[tilespmem:v8+s21+$0x0] =	vst.idx.add.f32.msk $0xffff, v6  }
0x342: {  	s14 =	simm.s32 $0x2E0;
	s15 =	simm.s32 $0x1A120;
	v21 =	vmul.f32 v63, v2;
	v15 =	vmul.f32 v62, v2;
	[tilespmem:v8+s4+$0x0] =	vst.idx.add.f32.msk $0xffff, v3  }
.LBB2_20:
0x343: {  	s0 =	sadd.s32 $0xFFFFFEA0, s14  }
0x344: {  	s1 =	sadd.s32 $0x100, s13;
	s2 =	sadd.s32 $0xFFFFFF20, s14;
	[tilespmem:v1+s21+$0x0] =	vst.idx.add.f32.msk $0xffff, v15;
	s8 =	smov.u32 s13  }
0x345: {  	s18 =	sand.u32 $0x3F00, s14;
	s0 =	sand.u32 $0x1F00, s0;
	s1 =	sand.u32 $0x40, s1;
	[tilespmem:v1+s4+$0x0] =	vst.idx.add.f32.msk $0xffff, v21  }
0x346: {  	s2 =	sand.u32 $0x3F00, s2;
	s6 =	sor.u32 $0x18000, s0;
	v16 =	vld [tilespmem:s15+$0xFFFFFFA0];
	s0 =	sadd.s32 $0xFFFFFFC0, s14  }
0x347: {  	s13 =	sadd.s32 $0xC0, s13;
	s3 =	sadd.s32 $0xFFFFFF60, s14;
	s9 =	sadd.s32 $0x150, s8;
	v12 =	vld [tilespmem:s15+$0xFFFFFFE0]  }
0x348: {  	s16 =	sadd.s32 $0xFFFFFF80, s14;
	s11 =	sadd.s32 $0x130, s8;
	s12 =	sadd.s32 $0x170, s8;
	v2 =	vld [tilespmem:s15+$0x40]  }
0x349: {  	s19 =	sadd.s32 $0xFFFFFF40, s14;
	s17 =	sadd.s32 $0x110, s8;
	s22 =	sand.u32 $0x3F00, s0;
	v6 =	vld [tilespmem:s15+$0x50]  }
0x34a: {  	s17 =	sand.u32 $0x50, s17;
	s9 =	sand.u32 $0x50, s9;
	s0 =	sadd.s32 $0x120, s8;
	v15 =	vld [tilespmem:s15+$0x30]  }
0x34b: {  	s23 =	sand.u32 $0x3F00, s19;
	s24 =	sand.u32 $0x60, s0;
	s0 =	sand.u32 $0x70, s12;
	v10 =	vld [tilespmem:s15+$0x10]  }
0x34c: {  	s3 =	sand.u32 $0x3F00, s3;
	s19 =	sadd.s32 $0xFFFFFFA0, s14;
	s12 =	sand.u32 $0x40, s13;
	v14 =	vld [tilespmem:s15+$0xFFFFFFF0]  }
0x34d: {  	s1 =	sor.u32 s1, s2;
	s2 =	sand.u32 $0x3F00, s16;
	s19 =	sand.u32 $0x3F00, s19;
	v21 =	vld [tilespmem:s15+$0x0]  }
0x34e: {  	s11 =	sand.u32 $0x70, s11;
	s16 =	sor.u32 s17, s23;
	s3 =	sor.u32 s24, s3;
	v8 =	vld [tilespmem:s1+$0x18000]  }
0x34f: {  	s23 =	sand.u32 $0xF80, s13;
	s17 =	sor.u32 s12, s6;
	v3 =	vld [tilespmem:s1+$0x18080];
	s1 =	sor.u32 s11, s2  }
0x350: {  	p3 =	slt.u32 s13, $0xF00;
	s2 =	sor.u32 s9, s22;
	v18 =	vld [tilespmem:s3+$0x18080]  }
0x351: {  	v5 =	vld [tilespmem:s17+$0x80]  }
0x352: {  	s9 =	sadd.s32 $0x160, s8;
	s11 =	sadd.s32 $0xFFFFFFE0, s14;
	v17 =	vld [tilespmem:s17+$0x0]  }
0x353: {  	s9 =	sand.u32 $0x60, s9;
	s11 =	sand.u32 $0x3F00, s11;
	v1 =	vld [tilespmem:s2+$0x18080]  }
0x354: {  	s8 =	sadd.s32 $0x140, s8;
	s9 =	sor.u32 s9, s11;
	v4 =	vld [tilespmem:s1+$0x18080]  }
0x355: {  	s8 =	sand.u32 $0x1F80, s8;
	s11 =	sor.u32 $0x30, s12;
	v23 =	vld [tilespmem:s2+$0x18000]  }
0x356: {  	s17 =	sor.u32 s12, s8;
	s2 =	sor.u32 s11, s6;
	v24 =	vld [tilespmem:s16+$0x18000]  }
0x357: {  	v9 =	vld.idx.msk [tilespmem:v8+s10+$0x0], $0xffff  }
0x358: {  	s8 =	sor.u32 $0x10, s12;
	v7 =	vld [tilespmem:s9+$0x18080]  }
0x359: {  	s24 =	sor.u32 s8, s6;
	v19 =	vld [tilespmem:s9+$0x18000]  }
0x35a: {  	v25 =	vld [tilespmem:s16+$0x18080]  }
0x35b: {  	v26 =	vld [tilespmem:s3+$0x18000]  }
0x35c: {  	v13 =	vld.idx.msk [tilespmem:v8+s5+$0x0], $0xffff  }
0x35d: {  	v8 =	vand.u32 $0xFFFF0000, v9;
	v20 =	vshll.u32 v9, $0x10;
	v28 =	vld [tilespmem:s1+$0x18000]  }
0x35e: {  	v9 =	vmul.f32 v8, v12;
	v8 =	vmul.f32 v20, v12;
	v11 =	vld [tilespmem:s2+$0x80]  }
0x35f: {  	s1 =	sor.u32 $0x1A000, s23;
	v22 =	vld [tilespmem:s24+$0x80]  }
0x360: {  	s3 =	sor.u32 $0x20, s12;
	s8 =	sor.u32 s8, s1;
	v27 =	vld.idx.msk [tilespmem:v17+s5+$0x0], $0xffff  }
0x361: {  	s16 =	sor.u32 s3, s6;
	s22 =	sor.u32 s3, s1;
	v20 =	vld.idx.msk [tilespmem:v19+s10+$0x0], $0xffff  }
0x362: {  	s9 =	sor.u32 s11, s1;
	v29 =	vand.u32 $0xFFFF0000, v13;
	v30 =	vshll.u32 v13, $0x10;
	v31 =	vld.idx.msk [tilespmem:v23+s10+$0x0], $0xffff  }
0x363: {  	v13 =	vmul.f32 v29, v12;
	v12 =	vmul.f32 v30, v12;
	v32 =	vld [tilespmem:s2+$0x0]  }
0x364: {  	s6 =	sor.u32 s12, s19;
	v17 =	vld.idx.msk [tilespmem:v17+s10+$0x0], $0xffff  }
0x365: {  	v30 =	vld [tilespmem:s17+$0x1A000]  }
0x366: {  	v29 =	vand.u32 $0xFFFF0000, v27;
	v27 =	vshll.u32 v27, $0x10;
	v33 =	vld [tilespmem:s24+$0x0]  }
0x367: {  	v34 =	vmul.f32 v29, v16;
	v35 =	vmul.f32 v27, v16;
	v36 =	vld.idx.msk [tilespmem:v26+s10+$0x0], $0xffff  }
0x368: {  	v37 =	vld [tilespmem:s16+$0x0]  }
0x369: {  	v26 =	vld.idx.msk [tilespmem:v26+s5+$0x0], $0xffff  }
0x36a: {  	v27 =	vand.u32 $0xFFFF0000, v17;
	v29 =	vshll.u32 v17, $0x10;
	v38 =	vld [tilespmem:s6+$0x18000]  }
0x36b: {  	v17 =	vmul.f32 v27, v16;
	v16 =	vmul.f32 v29, v16;
	v39 =	vld.idx.msk [tilespmem:v24+s10+$0x0], $0xffff  }
0x36c: {  	v40 =	vld.idx.msk [tilespmem:v28+s5+$0x0], $0xffff  }
0x36d: {  	v41 =	vshll.u32 v36, $0x10;
	v29 =	vld [tilespmem:s16+$0x80]  }
0x36e: {  	v41 =	vmul.f32 v41, v21;
	v27 =	vld.idx.msk [tilespmem:v32+s10+$0x0], $0xffff  }
0x36f: {  	v42 =	vld.idx.msk [tilespmem:v24+s5+$0x0], $0xffff;
	v24 =	vand.u32 $0xFFFF0000, v26;
	v26 =	vshll.u32 v26, $0x10  }
0x370: {  	v24 =	vmul.f32 v24, v21;
	v43 =	vld.idx.msk [tilespmem:v23+s5+$0x0], $0xffff  }
0x371: {  	v23 =	vshll.u32 v39, $0x10;
	v26 =	vmul.f32 v26, v21;
	[tilespmem:v5+s7+$0x0] =	vst.idx.add.f32.msk $0xffff, v34  }
0x372: {  	v34 =	vmul.f32 v23, v14;
	v23 =	vand.u32 $0xFFFF0000, v36;
	[tilespmem:v5+s20+$0x0] =	vst.idx.add.f32.msk $0xffff, v35;
	v35 =	vand.u32 $0xFFFF0000, v40  }
0x373: {  	s0 =	sor.u32 s0, s18;
	v21 =	vmul.f32 v23, v21;
	[tilespmem:v18+s7+$0x0] =	vst.idx.add.f32.msk $0xffff, v24;
	v24 =	vshll.u32 v40, $0x10;
	v23 =	vmul.f32 v35, v10  }
0x374: {  	[tilespmem:v18+s20+$0x0] =	vst.idx.add.f32.msk $0xffff, v26;
	v24 =	vmul.f32 v24, v10  }
0x375: {  	v26 =	vand.u32 $0xFFFF0000, v42;
	v35 =	vshll.u32 v42, $0x10;
	[tilespmem:v18+s21+$0x0] =	vst.idx.add.f32.msk $0xffff, v21  }
0x376: {  	v40 =	vmul.f32 v26, v14;
	v35 =	vmul.f32 v35, v14;
	v21 =	vand.u32 $0xFFFF0000, v43;
	v36 =	vld.idx.msk [tilespmem:v37+s10+$0x0], $0xffff  }
0x377: {  	v26 =	vshll.u32 v43, $0x10;
	v43 =	vmul.f32 v21, v15;
	v42 =	vld [tilespmem:s22+$0x0]  }
0x378: {  	v26 =	vmul.f32 v26, v15;
	v44 =	vld.idx.msk [tilespmem:v33+s10+$0x0], $0xffff  }
0x379: {  	v37 =	vld.idx.msk [tilespmem:v37+s5+$0x0], $0xffff  }
0x37a: {  	v33 =	vld.idx.msk [tilespmem:v33+s5+$0x0], $0xffff  }
0x37b: {  	v45 =	vld.idx.msk [tilespmem:v38+s5+$0x0], $0xffff  }
0x37c: {  	v47 =	vand.u32 $0xFFFF0000, v31;
	v21 =	vshll.u32 v31, $0x10;
	v46 =	vld [tilespmem:s8+$0x0]  }
0x37d: {  	v21 =	vmul.f32 v21, v15;
	v31 =	vand.u32 $0xFFFF0000, v36;
	v48 =	vld [tilespmem:s0+$0x18080]  }
0x37e: {  	v36 =	vshll.u32 v36, $0x10;
	v31 =	vmul.f32 v31, v42;
	v49 =	vand.u32 $0xFFFF0000, v44;
	v38 =	vld.idx.msk [tilespmem:v38+s10+$0x0], $0xffff  }
0x37f: {  	v36 =	vmul.f32 v36, v42;
	v50 =	vand.u32 $0xFFFF0000, v37;
	v37 =	vshll.u32 v37, $0x10;
	v51 =	vld [tilespmem:s0+$0x18000]  }
0x380: {  	v52 =	vand.u32 $0xFFFF0000, v33;
	v50 =	vmul.f32 v50, v42;
	v37 =	vmul.f32 v37, v42;
	v32 =	vld.idx.msk [tilespmem:v32+s5+$0x0], $0xffff  }
0x381: {  	v33 =	vshll.u32 v33, $0x10;
	v42 =	vmul.f32 v52, v46;
	v49 =	vmul.f32 v49, v46;
	[tilespmem:v25+s7+$0x0] =	vst.idx.add.f32.msk $0xffff, v40  }
0x382: {  	v15 =	vmul.f32 v47, v15;
	v40 =	vshll.u32 v44, $0x10;
	v33 =	vmul.f32 v33, v46;
	[tilespmem:v1+s7+$0x0] =	vst.idx.add.f32.msk $0xffff, v43  }
0x383: {  	v44 =	vand.u32 $0xFFFF0000, v45;
	v45 =	vshll.u32 v45, $0x10;
	v40 =	vmul.f32 v40, v46;
	v43 =	vld [tilespmem:s6+$0x18080]  }
0x384: {  	[tilespmem:v22+s7+$0x0] =	vst.idx.add.f32.msk $0xffff, v42;
	v42 =	vmul.f32 v44, v30;
	v44 =	vmul.f32 v45, v30  }
0x385: {  	v39 =	vand.u32 $0xFFFF0000, v39;
	[tilespmem:v18+s4+$0x0] =	vst.idx.add.f32.msk $0xffff, v41  }
0x386: {  	v14 =	vmul.f32 v39, v14;
	v18 =	vld.idx.msk [tilespmem:v28+s10+$0x0], $0xffff  }
0x387: {  	[tilespmem:v25+s20+$0x0] =	vst.idx.add.f32.msk $0xffff, v35  }
0x388: {  	[tilespmem:v25+s21+$0x0] =	vst.idx.add.f32.msk $0xffff, v14  }
0x389: {  	v28 =	vshll.u32 v38, $0x10;
	v14 =	vand.u32 $0xFFFF0000, v38;
	v35 =	vld.idx.msk [tilespmem:v51+s10+$0x0], $0xffff  }
0x38a: {  	v14 =	vmul.f32 v14, v30;
	v38 =	vld.idx.msk [tilespmem:v51+s5+$0x0], $0xffff  }
0x38b: {  	[tilespmem:v25+s4+$0x0] =	vst.idx.add.f32.msk $0xffff, v34;
	v25 =	vmul.f32 v28, v30  }
0x38c: {  	v30 =	vand.u32 $0xFFFF0000, v18;
	v18 =	vshll.u32 v18, $0x10;
	v28 =	vld [tilespmem:s9+$0x0]  }
0x38d: {  	v30 =	vmul.f32 v30, v10;
	v10 =	vmul.f32 v18, v10;
	v18 =	vld.idx.msk [tilespmem:v19+s5+$0x0], $0xffff  }
0x38e: {  	[tilespmem:v22+s20+$0x0] =	vst.idx.add.f32.msk $0xffff, v33  }
0x38f: {  	[tilespmem:v43+s7+$0x0] =	vst.idx.add.f32.msk $0xffff, v42  }
0x390: {  	[tilespmem:v29+s7+$0x0] =	vst.idx.add.f32.msk $0xffff, v50  }
0x391: {  	[tilespmem:v29+s20+$0x0] =	vst.idx.add.f32.msk $0xffff, v37  }
0x392: {  	[tilespmem:v22+s21+$0x0] =	vst.idx.add.f32.msk $0xffff, v49  }
0x393: {  	v19 =	vand.u32 $0xFFFF0000, v38;
	[tilespmem:v22+s4+$0x0] =	vst.idx.add.f32.msk $0xffff, v40  }
0x394: {  	v19 =	vmul.f32 v19, v6;
	v22 =	vshll.u32 v38, $0x10;
	[tilespmem:v29+s21+$0x0] =	vst.idx.add.f32.msk $0xffff, v31  }
0x395: {  	v31 =	vshll.u32 v35, $0x10;
	v22 =	vmul.f32 v22, v6;
	[tilespmem:v29+s4+$0x0] =	vst.idx.add.f32.msk $0xffff, v36;
	v29 =	vand.u32 $0xFFFF0000, v35  }
0x396: {  	v33 =	vand.u32 $0xFFFF0000, v20;
	v20 =	vshll.u32 v20, $0x10;
	[tilespmem:v48+s7+$0x0] =	vst.idx.add.f32.msk $0xffff, v19;
	v19 =	vmul.f32 v29, v6  }
0x397: {  	v29 =	vand.u32 $0xFFFF0000, v32;
	v6 =	vmul.f32 v31, v6;
	[tilespmem:v48+s20+$0x0] =	vst.idx.add.f32.msk $0xffff, v22  }
0x398: {  	v22 =	vshll.u32 v32, $0x10;
	v29 =	vmul.f32 v29, v28;
	[tilespmem:v48+s21+$0x0] =	vst.idx.add.f32.msk $0xffff, v19  }
0x399: {  	v19 =	vand.u32 $0xFFFF0000, v27;
	v22 =	vmul.f32 v22, v28;
	[tilespmem:v48+s4+$0x0] =	vst.idx.add.f32.msk $0xffff, v6  }
0x39a: {  	v6 =	vshll.u32 v27, $0x10;
	v19 =	vmul.f32 v19, v28;
	[tilespmem:v11+s7+$0x0] =	vst.idx.add.f32.msk $0xffff, v29  }
0x39b: {  	v6 =	vmul.f32 v6, v28;
	[tilespmem:v11+s20+$0x0] =	vst.idx.add.f32.msk $0xffff, v22;
	v22 =	vand.u32 $0xFFFF0000, v18;
	v18 =	vshll.u32 v18, $0x10  }
0x39c: {  	[tilespmem:v11+s21+$0x0] =	vst.idx.add.f32.msk $0xffff, v19;
	v19 =	vmul.f32 v22, v2  }
0x39d: {  	[tilespmem:v11+s4+$0x0] =	vst.idx.add.f32.msk $0xffff, v6;
	v6 =	vmul.f32 v18, v2  }
0x39e: {  	v11 =	vmul.f32 v33, v2;
	[tilespmem:v7+s7+$0x0] =	vst.idx.add.f32.msk $0xffff, v19  }
0x39f: {  	v2 =	vmul.f32 v20, v2;
	[tilespmem:v7+s20+$0x0] =	vst.idx.add.f32.msk $0xffff, v6  }
0x3a0: {  	[tilespmem:v7+s21+$0x0] =	vst.idx.add.f32.msk $0xffff, v11  }
0x3a1: {  	[tilespmem:v7+s4+$0x0] =	vst.idx.add.f32.msk $0xffff, v2  }
0x3a2: {  	[tilespmem:v5+s21+$0x0] =	vst.idx.add.f32.msk $0xffff, v17  }
0x3a3: {  	[tilespmem:v5+s4+$0x0] =	vst.idx.add.f32.msk $0xffff, v16  }
0x3a4: {  	[tilespmem:v43+s20+$0x0] =	vst.idx.add.f32.msk $0xffff, v44  }
0x3a5: {  	[tilespmem:v3+s7+$0x0] =	vst.idx.add.f32.msk $0xffff, v13  }
0x3a6: {  	[tilespmem:v3+s20+$0x0] =	vst.idx.add.f32.msk $0xffff, v12  }
0x3a7: {  	[tilespmem:v3+s21+$0x0] =	vst.idx.add.f32.msk $0xffff, v9  }
0x3a8: {  	[tilespmem:v3+s4+$0x0] =	vst.idx.add.f32.msk $0xffff, v8  }
0x3a9: {  	[tilespmem:v43+s21+$0x0] =	vst.idx.add.f32.msk $0xffff, v14  }
0x3aa: {  	[tilespmem:v43+s4+$0x0] =	vst.idx.add.f32.msk $0xffff, v25  }
.Ltmp13:
0x3ab: {  	[tilespmem:v4+s7+$0x0] =	vst.idx.add.f32.msk $0xffff, v23;
	(pc) =	sbr.rel @p3 .LBB2_20-.Ltmp13, $4  }
0x3ac: {  	[tilespmem:v4+s20+$0x0] =	vst.idx.add.f32.msk $0xffff, v24  }
0x3ad: {  	s0 =	simm.s32 $0x18040;
	[tilespmem:v4+s21+$0x0] =	vst.idx.add.f32.msk $0xffff, v30  }
0x3ae: {  	s8 =	simm.s32 $0x1F80;
	s6 =	simm.s32 $0x1AFC0;
	s9 =	simm.s32 $0x180C0;
	[tilespmem:v4+s4+$0x0] =	vst.idx.add.f32.msk $0xffff, v10  }
0x3af: {  	s15 =	sadd.s32 $0xC0, s15;
	s14 =	sadd.s32 $0x180, s14;
	s12 =	simm.s32 $0xFB0;
	[tilespmem:v1+s20+$0x0] =	vst.idx.add.f32.msk $0xffff, v26  }
0x3b0: {  	_ =	sdelay $0x3  }
0x3b1: {  	[tilespmem:v1+s21+$0x0] =	vst.idx.add.f32.msk $0xffff, v15  }
0x3b2: {  	[tilespmem:v1+s4+$0x0] =	vst.idx.add.f32.msk $0xffff, v21  }
.LBB2_22:
0x3b3: {  	s1 =	sand.u32 $0x3FFFFF00, s8  }
0x3b4: {  	s2 =	sadd.s32 s1, s0  }
0x3b5: {  	v1 =	vld [tilespmem:s2+$0x0];
	_ =	sdelay $0x5  }
0x3b6: {  	s1 =	sadd.s32 s1, s9  }
0x3b7: {  	v2 =	vld [tilespmem:s1+$0x0]  }
0x3b8: {  	v3 =	vld.idx.msk [tilespmem:v1+s5+$0x0], $0xffff  }
0x3b9: {  	v4 =	vld [tilespmem:s6+$0x0]  }
0x3ba: {  	v1 =	vld.idx.msk [tilespmem:v1+s10+$0x0], $0xffff;
	_ =	sdelay $0x2  }
0x3bb: {  	s12 =	sadd.s32 $0x10, s12;
	v5 =	vand.u32 $0xFFFF0000, v3  }
0x3bc: {  	p3 =	slt.u32 s12, $0xFF0;
	v3 =	vshll.u32 v3, $0x10;
	v5 =	vmul.f32 v5, v4  }
.Ltmp14:
0x3bd: {  	v6 =	vand.u32 $0xFFFF0000, v1;
	v3 =	vmul.f32 v3, v4;
	(pc) =	sbr.rel @p3 .LBB2_22-.Ltmp14, $4  }
0x3be: {  	v1 =	vshll.u32 v1, $0x10;
	v63 =	vmul.f32 v6, v4;
	[tilespmem:v2+s7+$0x0] =	vst.idx.add.f32.msk $0xffff, v5  }
0x3bf: {  	v1 =	vmul.f32 v1, v4;
	[tilespmem:v2+s20+$0x0] =	vst.idx.add.f32.msk $0xffff, v3  }
0x3c0: {  	s6 =	sadd.s32 $0x10, s6;
	[tilespmem:v2+s21+$0x0] =	vst.idx.add.f32.msk $0xffff, v63  }
0x3c1: {  	s8 =	sadd.s32 $0x20, s8;
	s9 =	sadd.s32 $0x10, s9;
	s0 =	sadd.s32 $0x10, s0;
	[tilespmem:v2+s4+$0x0] =	vst.idx.add.f32.msk $0xffff, v1  }
.Ltmp15:
0x3c2: {  	(pc) =	sbr.rel @p1 .LBB2_28-.Ltmp15, $1  }
0x3c3: {  	_ =	sdelay $0x3  }
0x3c4: {  	s0 =	rddreg [dreg:$0x14];
	s1 =	simm.s32 $0x1B000  }
0x3c5: {  	[tilespmem:s1], [sflag:$0x2] =	stream.linear.gather [hbm4b:s0+s5], $0x2000, $0x38;
	[tilespmem:$0x1E000] =	vst v63  }
0x3c6: {  	s15 =	rddreg [dreg:$0x15];
	s16 =	simm.s32 $0x1D000;
	s17 =	simm.s32 $0x2  }
0x3c7: {  	[tilespmem:s16], [sflag:$0x2] =	stream.linear.gather [hbm4b:s15+s5], $0x1000, $0x38;
	[tilespmem:$0x1E000] =	vst v63  }
0x3c8: {  	_ =	swait.ge [sflag:s17], $0x2000  }
0x3c9: {  	[sflag:s17] =	ssyncset.done $0x0  }
0x3ca: {  	[sflag:s17] =	ssyncadd.s32 $0xFFFFE000  }
0x3cb: {  	_ =	swait.ge [sflag:s17], $0x1000  }
0x3cc: {  	[sflag:s17] =	ssyncset.done $0x0  }
0x3cd: {  	s18 =	simm.s32 $0x1D060;
	[sflag:s17] =	ssyncadd.s32 $0xFFFFF000  }
0x3ce: {  	v3 =	vld [tilespmem:s18+$0x30]  }
0x3cf: {  	v10 =	vld [tilespmem:s18+$0xFFFFFFA0]  }
0x3d0: {  	s19 =	simm.s32 $0x160;
	v2 =	vld [tilespmem:s18+$0x10]  }
0x3d1: {  	s2 =	simm.s32 $0x60;
	s3 =	simm.s32 $0xB0;
	s13 =	simm.s32 $0x0;
	v5 =	vld [tilespmem:s18+$0x0]  }
0x3d2: {  	s6 =	simm.s32 $0xC0;
	s8 =	simm.s32 $0x0;
	s9 =	simm.s32 $0x140;
	v14 =	vld [tilespmem:s18+$0xFFFFFFF0]  }
0x3d3: {  	s11 =	simm.s32 $0xE0;
	s23 =	simm.s32 $0x90;
	s24 =	simm.s32 $0x120;
	v7 =	vld [tilespmem:s18+$0xFFFFFFE0]  }
0x3d4: {  	s26 =	simm.s32 $0x70;
	s1 =	sand.u32 $0x3F00, s19;
	s3 =	sand.u32 $0x70, s3;
	v20 =	vld [tilespmem:s18+$0x50]  }
0x3d5: {  	s29 =	simm.s32 $0xA0;
	s2 =	sand.u32 $0x60, s2;
	s22 =	sor.u32 s3, s1;
	v4 =	vld [tilespmem:s18+$0x40]  }
0x3d6: {  	s6 =	sand.u32 $0x3F00, s6;
	s28 =	sand.u32 $0x3F00, s11;
	s25 =	sadd.s32 $0x1B000, s22;
	v13 =	vld [tilespmem:s22+$0x1B000]  }
0x3d7: {  	s2 =	sor.u32 s2, s6;
	s1 =	sand.u32 $0x50, s23;
	s3 =	sand.u32 $0x3F00, s24;
	v21 =	vld [tilespmem:s25+$0x80]  }
0x3d8: {  	s0 =	sand.u32 $0x70, s26;
	s8 =	sand.u32 $0x1F00, s8;
	s1 =	sor.u32 s1, s3;
	v12 =	vld [tilespmem:s2+$0x1B000]  }
0x3d9: {  	s30 =	sand.u32 $0x3F00, s9;
	s0 =	sor.u32 s0, s28;
	s3 =	sand.u32 $0x60, s29;
	v17 =	vld [tilespmem:s1+$0x1B000]  }
0x3da: {  	s31 =	sand.u32 $0x40, s13;
	s8 =	sadd.s32 $0x1B000, s8;
	s3 =	sor.u32 s3, s30;
	v18 =	vld [tilespmem:s0+$0x1B000]  }
0x3db: {  	s14 =	sor.u32 s31, s8;
	v22 =	vld [tilespmem:s3+$0x1B000]  }
0x3dc: {  	v23 =	vld [tilespmem:s14+$0x0]  }
0x3dd: {  	s0 =	sadd.s32 $0x1B000, s0;
	v28 =	vld [tilespmem:s14+$0x80]  }
0x3de: {  	s2 =	sadd.s32 $0x1B000, s2;
	v6 =	vld [tilespmem:s0+$0x80]  }
0x3df: {  	s3 =	sadd.s32 $0x1B000, s3;
	v8 =	vld [tilespmem:s2+$0x80]  }
0x3e0: {  	s17 =	sor.u32 $0x10, s31;
	s1 =	sadd.s32 $0x1B000, s1;
	v1 =	vld [tilespmem:s3+$0x80]  }
0x3e1: {  	s18 =	sor.u32 s17, s8;
	v9 =	vld [tilespmem:s1+$0x80]  }
0x3e2: {  	s22 =	sor.u32 $0x30, s31;
	v15 =	vld [tilespmem:s18+$0x80]  }
0x3e3: {  	s12 =	simm.s32 $0x80;
	s11 =	simm.s32 $0x40;
	v27 =	vld [tilespmem:s18+$0x0];
	s1 =	sor.u32 s22, s8  }
0x3e4: {  	s6 =	sand.u32 $0x3F00, s12;
	s15 =	simm.s32 $0x100;
	s0 =	sand.u32 $0x40, s11;
	v31 =	vld [tilespmem:s1+$0x0]  }
0x3e5: {  	s23 =	simm.s32 $0x80;
	s2 =	sand.u32 $0x3F00, s15;
	s0 =	sor.u32 s0, s6;
	v32 =	vld [tilespmem:s1+$0x80]  }
0x3e6: {  	s3 =	sand.u32 $0x1F80, s23;
	s16 =	sor.u32 s31, s2;
	v24 =	vld [tilespmem:s0+$0x1B000]  }
0x3e7: {  	s29 =	sor.u32 $0x20, s31;
	s3 =	sor.u32 s31, s3;
	v25 =	vld [tilespmem:s16+$0x1B000]  }
0x3e8: {  	s31 =	sor.u32 s29, s8;
	v30 =	vld [tilespmem:s3+$0x1D000]  }
0x3e9: {  	v36 =	vld [tilespmem:s31+$0x80]  }
0x3ea: {  	s26 =	simm.s32 $0xA0;
	s25 =	simm.s32 $0x50;
	s0 =	sadd.s32 $0x1B000, s0;
	v37 =	vld [tilespmem:s31+$0x0]  }
0x3eb: {  	s6 =	sand.u32 $0x50, s25;
	s3 =	sand.u32 $0x3F00, s26;
	v11 =	vld [tilespmem:s0+$0x80];
	s0 =	sadd.s32 $0x1B000, s16  }
0x3ec: {  	s19 =	sand.u32 $0xF80, s13;
	s3 =	sor.u32 s6, s3;
	v26 =	vld [tilespmem:s0+$0x80]  }
0x3ed: {  	s0 =	sor.u32 $0x1D000, s19;
	v33 =	vld [tilespmem:s3+$0x1B000];
	s28 =	sadd.s32 $0x1B000, s3  }
0x3ee: {  	s24 =	sor.u32 s22, s0;
	v34 =	vld [tilespmem:s28+$0x80]  }
0x3ef: {  	s30 =	sor.u32 s17, s0;
	v29 =	vld [tilespmem:s24+$0x0]  }
0x3f0: {  	v35 =	vld [tilespmem:s30+$0x0]  }
0x3f1: {  	v38 =	vld.idx.msk [tilespmem:v13+s10+$0x0], $0xffff  }
0x3f2: {  	v39 =	vld.idx.msk [tilespmem:v13+s5+$0x0], $0xffff  }
0x3f3: {  	v13 =	vld.idx.msk [tilespmem:v22+s10+$0x0], $0xffff  }
0x3f4: {  	v16 =	vld.idx.msk [tilespmem:v18+s10+$0x0], $0xffff  }
0x3f5: {  	v19 =	vld.idx.msk [tilespmem:v18+s5+$0x0], $0xffff  }
0x3f6: {  	v41 =	vld.idx.msk [tilespmem:v17+s5+$0x0], $0xffff  }
0x3f7: {  	v18 =	vld.idx.msk [tilespmem:v17+s10+$0x0], $0xffff  }
0x3f8: {  	v17 =	vld.idx.msk [tilespmem:v22+s5+$0x0], $0xffff  }
0x3f9: {  	v48 =	vld.idx.msk [tilespmem:v23+s5+$0x0], $0xffff  }
0x3fa: {  	v49 =	vld.idx.msk [tilespmem:v23+s10+$0x0], $0xffff  }
0x3fb: {  	v50 =	vld.idx.msk [tilespmem:v27+s5+$0x0], $0xffff  }
0x3fc: {  	v27 =	vld.idx.msk [tilespmem:v27+s10+$0x0], $0xffff  }
0x3fd: {  	v53 =	vld.idx.msk [tilespmem:v31+s5+$0x0], $0xffff  }
0x3fe: {  	v31 =	vld.idx.msk [tilespmem:v31+s10+$0x0], $0xffff  }
0x3ff: {  	v40 =	vld.idx.msk [tilespmem:v24+s10+$0x0], $0xffff  }
0x400: {  	v24 =	vld.idx.msk [tilespmem:v24+s5+$0x0], $0xffff  }
0x401: {  	v54 =	vld.idx.msk [tilespmem:v25+s5+$0x0], $0xffff  }
0x402: {  	v25 =	vld.idx.msk [tilespmem:v25+s10+$0x0], $0xffff  }
0x403: {  	v63 =	vand.u32 $0xFFFF0000, v39;
	v39 =	vshll.u32 v39, $0x10;
	v51 =	vld.idx.msk [tilespmem:v33+s5+$0x0], $0xffff  }
0x404: {  	s0 =	sor.u32 s29, s0;
	v43 =	vand.u32 $0xFFFF0000, v38;
	v33 =	vld.idx.msk [tilespmem:v33+s10+$0x0], $0xffff;
	v52 =	vand.u32 $0xFFFF0000, v48;
	v42 =	vmul.f32 v63, v20  }
0x405: {  	v44 =	vshll.u32 v38, $0x10;
	v45 =	vmul.f32 v43, v20;
	v38 =	vmul.f32 v52, v10;
	v43 =	vld [tilespmem:s0+$0x0]  }
0x406: {  	v39 =	vmul.f32 v39, v20;
	[tilespmem:v21+s7+$0x0] =	vst.idx.add.f32.msk $0xffff, v42  }
0x407: {  	v56 =	vand.u32 $0xFFFF0000, v53;
	[tilespmem:v28+s7+$0x0] =	vst.idx.add.f32.msk $0xffff, v38  }
0x408: {  	v38 =	vmul.f32 v56, v29;
	[tilespmem:v21+s20+$0x0] =	vst.idx.add.f32.msk $0xffff, v39  }
0x409: {  	[tilespmem:v21+s21+$0x0] =	vst.idx.add.f32.msk $0xffff, v45  }
0x40a: {  	v20 =	vmul.f32 v44, v20;
	v46 =	vand.u32 $0xFFFF0000, v24;
	[tilespmem:v32+s7+$0x0] =	vst.idx.add.f32.msk $0xffff, v38  }
0x40b: {  	v22 =	vmul.f32 v46, v7;
	v38 =	vld.idx.msk [tilespmem:v37+s5+$0x0], $0xffff  }
0x40c: {  	[tilespmem:v21+s4+$0x0] =	vst.idx.add.f32.msk $0xffff, v20  }
0x40d: {  	v24 =	vshll.u32 v24, $0x10;
	[tilespmem:v11+s7+$0x0] =	vst.idx.add.f32.msk $0xffff, v22  }
0x40e: {  	v47 =	vmul.f32 v24, v7;
	v39 =	vshll.u32 v53, $0x10;
	v21 =	vld.idx.msk [tilespmem:v12+s5+$0x0], $0xffff  }
0x40f: {  	v57 =	vmul.f32 v39, v29;
	v20 =	vshll.u32 v48, $0x10;
	v12 =	vld.idx.msk [tilespmem:v12+s10+$0x0], $0xffff  }
0x410: {  	v61 =	vand.u32 $0xFFFF0000, v49;
	[tilespmem:v11+s20+$0x0] =	vst.idx.add.f32.msk $0xffff, v47;
	v20 =	vmul.f32 v20, v10  }
0x411: {  	v62 =	vmul.f32 v61, v10;
	v55 =	vand.u32 $0xFFFF0000, v51;
	[tilespmem:v32+s20+$0x0] =	vst.idx.add.f32.msk $0xffff, v57  }
0x412: {  	v24 =	vshll.u32 v51, $0x10;
	[tilespmem:v28+s20+$0x0] =	vst.idx.add.f32.msk $0xffff, v20;
	v20 =	vmul.f32 v55, v14  }
0x413: {  	v59 =	vand.u32 $0xFFFF0000, v33;
	v24 =	vmul.f32 v24, v14;
	[tilespmem:v28+s21+$0x0] =	vst.idx.add.f32.msk $0xffff, v62  }
0x414: {  	v58 =	vand.u32 $0xFFFF0000, v54;
	v60 =	vmul.f32 v59, v14;
	[tilespmem:v34+s7+$0x0] =	vst.idx.add.f32.msk $0xffff, v20  }
0x415: {  	v33 =	vshll.u32 v33, $0x10;
	[tilespmem:v34+s20+$0x0] =	vst.idx.add.f32.msk $0xffff, v24;
	v24 =	vmul.f32 v58, v30  }
0x416: {  	v63 =	vand.u32 $0xFFFF0000, v31;
	v14 =	vmul.f32 v33, v14;
	[tilespmem:v34+s21+$0x0] =	vst.idx.add.f32.msk $0xffff, v60  }
0x417: {  	[tilespmem:v26+s7+$0x0] =	vst.idx.add.f32.msk $0xffff, v24;
	v24 =	vmul.f32 v63, v29  }
0x418: {  	v31 =	vshll.u32 v31, $0x10;
	v46 =	vand.u32 $0xFFFF0000, v38;
	[tilespmem:v34+s4+$0x0] =	vst.idx.add.f32.msk $0xffff, v14;
	v14 =	vshll.u32 v49, $0x10  }
0x419: {  	v47 =	vmul.f32 v46, v43;
	v10 =	vmul.f32 v14, v10;
	v14 =	vshll.u32 v54, $0x10;
	[tilespmem:v32+s21+$0x0] =	vst.idx.add.f32.msk $0xffff, v24  }
0x41a: {  	v31 =	vmul.f32 v31, v29;
	v33 =	vmul.f32 v14, v30;
	v14 =	vld.idx.msk [tilespmem:v37+s10+$0x0], $0xffff  }
0x41b: {  	v22 =	vshll.u32 v38, $0x10;
	[tilespmem:v36+s7+$0x0] =	vst.idx.add.f32.msk $0xffff, v47  }
0x41c: {  	v22 =	vmul.f32 v22, v43;
	[tilespmem:v32+s4+$0x0] =	vst.idx.add.f32.msk $0xffff, v31  }
0x41d: {  	v34 =	vand.u32 $0xFFFF0000, v25;
	[tilespmem:v28+s4+$0x0] =	vst.idx.add.f32.msk $0xffff, v10  }
0x41e: {  	v42 =	vand.u32 $0xFFFF0000, v17;
	v20 =	vmul.f32 v34, v30;
	[tilespmem:v36+s20+$0x0] =	vst.idx.add.f32.msk $0xffff, v22  }
0x41f: {  	v39 =	vshll.u32 v25, $0x10;
	v10 =	vmul.f32 v42, v4;
	[tilespmem:v26+s20+$0x0] =	vst.idx.add.f32.msk $0xffff, v33  }
0x420: {  	v44 =	vand.u32 $0xFFFF0000, v50;
	v24 =	vmul.f32 v39, v30;
	[tilespmem:v26+s21+$0x0] =	vst.idx.add.f32.msk $0xffff, v20  }
0x421: {  	v23 =	vshll.u32 v50, $0x10;
	v20 =	vmul.f32 v44, v35;
	[tilespmem:v1+s7+$0x0] =	vst.idx.add.f32.msk $0xffff, v10  }
0x422: {  	v45 =	vmul.f32 v23, v35;
	v49 =	vand.u32 $0xFFFF0000, v27;
	[tilespmem:v26+s4+$0x0] =	vst.idx.add.f32.msk $0xffff, v24  }
0x423: {  	[tilespmem:v15+s7+$0x0] =	vst.idx.add.f32.msk $0xffff, v20;
	v48 =	vand.u32 $0xFFFF0000, v14;
	v20 =	vmul.f32 v49, v35  }
0x424: {  	v50 =	vshll.u32 v27, $0x10;
	[tilespmem:v15+s20+$0x0] =	vst.idx.add.f32.msk $0xffff, v45;
	v10 =	vmul.f32 v48, v43  }
0x425: {  	v22 =	vmul.f32 v50, v35;
	v14 =	vshll.u32 v14, $0x10;
	[tilespmem:v15+s21+$0x0] =	vst.idx.add.f32.msk $0xffff, v20  }
0x426: {  	v51 =	vand.u32 $0xFFFF0000, v21;
	v14 =	vmul.f32 v14, v43;
	[tilespmem:v36+s21+$0x0] =	vst.idx.add.f32.msk $0xffff, v10  }
0x427: {  	v10 =	vmul.f32 v51, v5;
	[tilespmem:v15+s4+$0x0] =	vst.idx.add.f32.msk $0xffff, v22;
	v15 =	vand.u32 $0xFFFF0000, v41  }
0x428: {  	[tilespmem:v36+s4+$0x0] =	vst.idx.add.f32.msk $0xffff, v14;
	v14 =	vand.u32 $0xFFFF0000, v40;
	v15 =	vmul.f32 v15, v3  }
0x429: {  	v53 =	vshll.u32 v41, $0x10;
	v14 =	vmul.f32 v14, v7;
	[tilespmem:v8+s7+$0x0] =	vst.idx.add.f32.msk $0xffff, v10  }
0x42a: {  	v52 =	vshll.u32 v40, $0x10;
	v10 =	vmul.f32 v53, v3;
	[tilespmem:v9+s7+$0x0] =	vst.idx.add.f32.msk $0xffff, v15  }
0x42b: {  	v59 =	vand.u32 $0xFFFF0000, v18;
	v7 =	vmul.f32 v52, v7;
	[tilespmem:v11+s21+$0x0] =	vst.idx.add.f32.msk $0xffff, v14  }
0x42c: {  	v14 =	vand.u32 $0xFFFF0000, v19;
	[tilespmem:v9+s20+$0x0] =	vst.idx.add.f32.msk $0xffff, v10;
	v10 =	vmul.f32 v59, v3  }
0x42d: {  	v60 =	vshll.u32 v18, $0x10;
	[tilespmem:v11+s4+$0x0] =	vst.idx.add.f32.msk $0xffff, v7;
	v55 =	vmul.f32 v14, v2  }
0x42e: {  	v54 =	vshll.u32 v19, $0x10;
	v3 =	vmul.f32 v60, v3;
	[tilespmem:v9+s21+$0x0] =	vst.idx.add.f32.msk $0xffff, v10  }
0x42f: {  	v14 =	vand.u32 $0xFFFF0000, v16;
	v7 =	vmul.f32 v54, v2;
	[tilespmem:v6+s7+$0x0] =	vst.idx.add.f32.msk $0xffff, v55  }
0x430: {  	v56 =	vmul.f32 v14, v2;
	v14 =	vshll.u32 v21, $0x10;
	[tilespmem:v9+s4+$0x0] =	vst.idx.add.f32.msk $0xffff, v3  }
0x431: {  	v57 =	vand.u32 $0xFFFF0000, v12;
	v14 =	vmul.f32 v14, v5;
	[tilespmem:v6+s20+$0x0] =	vst.idx.add.f32.msk $0xffff, v7  }
0x432: {  	v58 =	vshll.u32 v12, $0x10;
	v11 =	vmul.f32 v57, v5;
	[tilespmem:v6+s21+$0x0] =	vst.idx.add.f32.msk $0xffff, v56  }
0x433: {  	v61 =	vshll.u32 v16, $0x10;
	v5 =	vmul.f32 v58, v5;
	[tilespmem:v8+s20+$0x0] =	vst.idx.add.f32.msk $0xffff, v14  }
0x434: {  	v62 =	vshll.u32 v17, $0x10;
	v2 =	vmul.f32 v61, v2;
	[tilespmem:v8+s21+$0x0] =	vst.idx.add.f32.msk $0xffff, v11  }
0x435: {  	v63 =	vand.u32 $0xFFFF0000, v13;
	[tilespmem:v8+s4+$0x0] =	vst.idx.add.f32.msk $0xffff, v5;
	v5 =	vmul.f32 v62, v4  }
0x436: {  	v3 =	vmul.f32 v63, v4;
	[tilespmem:v6+s4+$0x0] =	vst.idx.add.f32.msk $0xffff, v2  }
0x437: {  	v2 =	vshll.u32 v13, $0x10;
	[tilespmem:v1+s20+$0x0] =	vst.idx.add.f32.msk $0xffff, v5  }
0x438: {  	s14 =	simm.s32 $0x2E0;
	s15 =	simm.s32 $0x1D120;
	v12 =	vmul.f32 v2, v4;
	[tilespmem:v1+s21+$0x0] =	vst.idx.add.f32.msk $0xffff, v3  }
.LBB2_25:
0x439: {  	s0 =	sadd.s32 $0x100, s13  }
0x43a: {  	s1 =	sadd.s32 $0xFFFFFF20, s14;
	s2 =	sadd.s32 $0x120, s13;
	[tilespmem:v1+s4+$0x0] =	vst.idx.add.f32.msk $0xffff, v12;
	s19 =	smov.u32 s13  }
0x43b: {  	s23 =	sadd.s32 $0x110, s13;
	s3 =	sand.u32 $0x3F00, s14;
	s2 =	sand.u32 $0x60, s2;
	v12 =	vld [tilespmem:s15+$0x30]  }
0x43c: {  	s13 =	sadd.s32 $0xC0, s13;
	s8 =	sand.u32 $0x40, s0;
	s0 =	sadd.s32 $0x170, s19;
	v7 =	vld [tilespmem:s15+$0xFFFFFFA0]  }
0x43d: {  	s6 =	sadd.s32 $0xFFFFFFA0, s14;
	s22 =	sand.u32 $0x40, s13;
	s11 =	sand.u32 $0x70, s0;
	v21 =	vld [tilespmem:s15+$0x10]  }
0x43e: {  	s12 =	sadd.s32 $0xFFFFFEA0, s14;
	s16 =	sadd.s32 $0xFFFFFFE0, s14;
	s9 =	sor.u32 $0x10, s22;
	v2 =	vld [tilespmem:s15+$0x0]  }
0x43f: {  	s17 =	sadd.s32 $0xFFFFFF80, s14;
	s18 =	sadd.s32 $0x160, s19;
	s0 =	sadd.s32 $0xFFFFFF40, s14;
	v10 =	vld [tilespmem:s15+$0xFFFFFFF0]  }
0x440: {  	s24 =	sadd.s32 $0xFFFFFF60, s14;
	s17 =	sand.u32 $0x3F00, s17;
	s0 =	sand.u32 $0x3F00, s0;
	v17 =	vld [tilespmem:s15+$0xFFFFFFE0]  }
0x441: {  	s1 =	sand.u32 $0x3F00, s1;
	s24 =	sand.u32 $0x3F00, s24;
	s25 =	sadd.s32 $0x130, s19;
	v5 =	vld [tilespmem:s15+$0x50]  }
0x442: {  	s2 =	sor.u32 s2, s24;
	s24 =	sand.u32 $0x70, s25;
	s3 =	sor.u32 s11, s3;
	v24 =	vld [tilespmem:s15+$0x40]  }
0x443: {  	s25 =	sadd.s32 $0xFFFFFFC0, s14;
	s11 =	sadd.s32 $0x150, s19;
	s26 =	sadd.s32 $0x1B000, s3;
	v1 =	vld [tilespmem:s3+$0x1B000]  }
0x444: {  	s11 =	sand.u32 $0x50, s11;
	s3 =	sand.u32 $0x1F00, s12;
	s12 =	sand.u32 $0x3F00, s25;
	v14 =	vld [tilespmem:s26+$0x80]  }
0x445: {  	s1 =	sor.u32 s8, s1;
	s25 =	sand.u32 $0x60, s18;
	s11 =	sor.u32 s11, s12;
	v6 =	vld [tilespmem:s2+$0x1B000]  }
0x446: {  	s16 =	sand.u32 $0x3F00, s16;
	s18 =	sadd.s32 $0x1B000, s3;
	s3 =	sor.u32 s24, s17;
	v8 =	vld [tilespmem:s11+$0x1B000]  }
0x447: {  	s16 =	sor.u32 s25, s16;
	s12 =	sor.u32 s22, s18;
	s8 =	sor.u32 s9, s18;
	v9 =	vld [tilespmem:s3+$0x1B000]  }
0x448: {  	p3 =	slt.u32 s13, $0xF00;
	v11 =	vld [tilespmem:s16+$0x1B000]  }
0x449: {  	v27 =	vld [tilespmem:s12+$0x0]  }
0x44a: {  	v13 =	vld [tilespmem:s1+$0x1B000]  }
0x44b: {  	s2 =	sadd.s32 $0x1B000, s2;
	s3 =	sadd.s32 $0x1B000, s3;
	v15 =	vld.idx.msk [tilespmem:v1+s10+$0x0], $0xffff  }
0x44c: {  	v3 =	vld [tilespmem:s3+$0x80]  }
0x44d: {  	v16 =	vld.idx.msk [tilespmem:v1+s5+$0x0], $0xffff  }
0x44e: {  	s24 =	sadd.s32 $0x1B000, s11;
	v4 =	vld [tilespmem:s2+$0x80];
	s2 =	sadd.s32 $0x1B000, s16  }
0x44f: {  	v1 =	vld [tilespmem:s2+$0x80]  }
0x450: {  	v18 =	vld.idx.msk [tilespmem:v11+s10+$0x0], $0xffff  }
0x451: {  	s1 =	sadd.s32 $0x1B000, s1;
	v20 =	vand.u32 $0xFFFF0000, v15;
	v15 =	vshll.u32 v15, $0x10;
	v19 =	vld.idx.msk [tilespmem:v9+s10+$0x0], $0xffff  }
0x452: {  	v20 =	vmul.f32 v20, v5;
	v22 =	vmul.f32 v15, v5;
	v9 =	vld.idx.msk [tilespmem:v9+s5+$0x0], $0xffff  }
0x453: {  	v23 =	vand.u32 $0xFFFF0000, v16;
	v16 =	vshll.u32 v16, $0x10;
	v15 =	vld.idx.msk [tilespmem:v13+s10+$0x0], $0xffff  }
0x454: {  	v23 =	vmul.f32 v23, v5;
	v26 =	vmul.f32 v16, v5;
	v25 =	vld.idx.msk [tilespmem:v8+s5+$0x0], $0xffff  }
0x455: {  	v28 =	vld.idx.msk [tilespmem:v8+s10+$0x0], $0xffff  }
0x456: {  	v5 =	vand.u32 $0xFFFF0000, v18;
	v29 =	vshll.u32 v18, $0x10;
	v8 =	vld [tilespmem:s1+$0x80]  }
0x457: {  	v31 =	vshll.u32 v19, $0x10;
	v5 =	vmul.f32 v5, v24;
	v30 =	vld.idx.msk [tilespmem:v13+s5+$0x0], $0xffff;
	v13 =	vand.u32 $0xFFFF0000, v19  }
0x458: {  	s1 =	sand.u32 $0x3F00, s6;
	v16 =	vand.u32 $0xFFFF0000, v9;
	v18 =	vshll.u32 v9, $0x10;
	v9 =	vmul.f32 v13, v21;
	v32 =	vld.idx.msk [tilespmem:v11+s5+$0x0], $0xffff  }
0x459: {  	s1 =	sor.u32 s22, s1;
	v13 =	vand.u32 $0xFFFF0000, v15;
	v15 =	vshll.u32 v15, $0x10;
	v11 =	vmul.f32 v16, v21;
	[tilespmem:v14+s7+$0x0] =	vst.idx.add.f32.msk $0xffff, v23  }
0x45a: {  	v16 =	vmul.f32 v13, v17;
	v15 =	vmul.f32 v15, v17;
	v19 =	vand.u32 $0xFFFF0000, v25;
	[tilespmem:v14+s20+$0x0] =	vst.idx.add.f32.msk $0xffff, v26  }
0x45b: {  	v13 =	vmul.f32 v18, v21;
	v23 =	vshll.u32 v25, $0x10;
	v18 =	vmul.f32 v19, v12;
	[tilespmem:v14+s21+$0x0] =	vst.idx.add.f32.msk $0xffff, v20  }
0x45c: {  	v19 =	vand.u32 $0xFFFF0000, v28;
	v25 =	vshll.u32 v28, $0x10;
	v20 =	vmul.f32 v23, v12;
	[tilespmem:v14+s4+$0x0] =	vst.idx.add.f32.msk $0xffff, v22  }
0x45d: {  	v22 =	vand.u32 $0xFFFF0000, v30;
	v23 =	vshll.u32 v30, $0x10;
	v14 =	vmul.f32 v19, v12;
	v28 =	vld [tilespmem:s1+$0x1B000]  }
0x45e: {  	v22 =	vmul.f32 v22, v17;
	v30 =	vmul.f32 v23, v17;
	v26 =	vand.u32 $0xFFFF0000, v32;
	v17 =	vld [tilespmem:s24+$0x80]  }
0x45f: {  	v19 =	vmul.f32 v25, v12;
	v12 =	vshll.u32 v32, $0x10;
	v25 =	vmul.f32 v26, v24;
	v23 =	vld [tilespmem:s8+$0x80]  }
0x460: {  	s1 =	sadd.s32 $0x1B000, s1;
	[tilespmem:v8+s7+$0x0] =	vst.idx.add.f32.msk $0xffff, v22;
	v22 =	vmul.f32 v31, v21;
	v21 =	vmul.f32 v12, v24  }
0x461: {  	s6 =	sor.u32 $0x20, s22;
	v12 =	vmul.f32 v29, v24;
	v26 =	vld [tilespmem:s1+$0x80]  }
0x462: {  	[tilespmem:v8+s20+$0x0] =	vst.idx.add.f32.msk $0xffff, v30  }
0x463: {  	s1 =	sand.u32 $0x50, s23;
	v29 =	vld [tilespmem:s8+$0x0]  }
0x464: {  	s2 =	sand.u32 $0xF80, s13;
	s1 =	sor.u32 s1, s0;
	v24 =	vld.idx.msk [tilespmem:v6+s5+$0x0], $0xffff  }
0x465: {  	s0 =	sor.u32 $0x1D000, s2;
	s2 =	sor.u32 $0x30, s22;
	v30 =	vld [tilespmem:s1+$0x1B000]  }
0x466: {  	s3 =	sor.u32 s9, s0;
	s8 =	sor.u32 s2, s0;
	s9 =	sadd.s32 $0x140, s19;
	v31 =	vld [tilespmem:s12+$0x80]  }
0x467: {  	s2 =	sor.u32 s2, s18;
	s9 =	sand.u32 $0x1F80, s9;
	v32 =	vld.idx.msk [tilespmem:v27+s10+$0x0], $0xffff  }
0x468: {  	v33 =	vld [tilespmem:s8+$0x0];
	s8 =	sor.u32 s22, s9  }
0x469: {  	v34 =	vld [tilespmem:s2+$0x0]  }
0x46a: {  	v35 =	vld [tilespmem:s8+$0x1D000]  }
0x46b: {  	v27 =	vld.idx.msk [tilespmem:v27+s5+$0x0], $0xffff  }
0x46c: {  	v36 =	vld [tilespmem:s2+$0x80]  }
0x46d: {  	s1 =	sadd.s32 $0x1B000, s1;
	v37 =	vld.idx.msk [tilespmem:v29+s5+$0x0], $0xffff  }
0x46e: {  	v38 =	vld.idx.msk [tilespmem:v30+s10+$0x0], $0xffff  }
0x46f: {  	v30 =	vld.idx.msk [tilespmem:v30+s5+$0x0], $0xffff  }
0x470: {  	v39 =	vld [tilespmem:s1+$0x80]  }
0x471: {  	v40 =	vand.u32 $0xFFFF0000, v27;
	v27 =	vshll.u32 v27, $0x10;
	v41 =	vld.idx.msk [tilespmem:v34+s5+$0x0], $0xffff  }
0x472: {  	v40 =	vmul.f32 v40, v7;
	v27 =	vmul.f32 v27, v7;
	v42 =	vld [tilespmem:s3+$0x0]  }
0x473: {  	v43 =	vld.idx.msk [tilespmem:v28+s5+$0x0], $0xffff  }
0x474: {  	[tilespmem:v31+s7+$0x0] =	vst.idx.add.f32.msk $0xffff, v40  }
0x475: {  	v40 =	vshll.u32 v32, $0x10;
	[tilespmem:v31+s20+$0x0] =	vst.idx.add.f32.msk $0xffff, v27;
	v27 =	vand.u32 $0xFFFF0000, v30;
	v30 =	vshll.u32 v30, $0x10  }
0x476: {  	v40 =	vmul.f32 v40, v7;
	v27 =	vmul.f32 v27, v10;
	v28 =	vld.idx.msk [tilespmem:v28+s10+$0x0], $0xffff  }
0x477: {  	v44 =	vand.u32 $0xFFFF0000, v41;
	v41 =	vshll.u32 v41, $0x10;
	v30 =	vmul.f32 v30, v10;
	v34 =	vld.idx.msk [tilespmem:v34+s10+$0x0], $0xffff  }
0x478: {  	v44 =	vmul.f32 v44, v33;
	v41 =	vmul.f32 v41, v33;
	[tilespmem:v39+s7+$0x0] =	vst.idx.add.f32.msk $0xffff, v27  }
0x479: {  	v27 =	vand.u32 $0xFFFF0000, v32;
	v32 =	vshll.u32 v43, $0x10;
	[tilespmem:v39+s20+$0x0] =	vst.idx.add.f32.msk $0xffff, v30;
	v30 =	vand.u32 $0xFFFF0000, v43  }
0x47a: {  	v7 =	vmul.f32 v27, v7;
	[tilespmem:v36+s7+$0x0] =	vst.idx.add.f32.msk $0xffff, v44;
	v27 =	vmul.f32 v30, v35  }
0x47b: {  	v32 =	vmul.f32 v32, v35;
	v30 =	vand.u32 $0xFFFF0000, v38;
	v38 =	vshll.u32 v38, $0x10;
	[tilespmem:v36+s20+$0x0] =	vst.idx.add.f32.msk $0xffff, v41  }
0x47c: {  	s1 =	sor.u32 s6, s18;
	v30 =	vmul.f32 v30, v10;
	v10 =	vmul.f32 v38, v10;
	[tilespmem:v26+s7+$0x0] =	vst.idx.add.f32.msk $0xffff, v27  }
0x47d: {  	v38 =	vand.u32 $0xFFFF0000, v34;
	v34 =	vshll.u32 v34, $0x10;
	v27 =	vld [tilespmem:s1+$0x80]  }
0x47e: {  	v38 =	vmul.f32 v38, v33;
	v33 =	vmul.f32 v34, v33;
	v41 =	vld [tilespmem:s1+$0x0]  }
0x47f: {  	[tilespmem:v39+s21+$0x0] =	vst.idx.add.f32.msk $0xffff, v30  }
0x480: {  	v30 =	vand.u32 $0xFFFF0000, v28;
	v29 =	vld.idx.msk [tilespmem:v29+s10+$0x0], $0xffff  }
0x481: {  	[tilespmem:v39+s4+$0x0] =	vst.idx.add.f32.msk $0xffff, v10;
	v10 =	vshll.u32 v28, $0x10;
	v28 =	vmul.f32 v30, v35  }
0x482: {  	[tilespmem:v31+s21+$0x0] =	vst.idx.add.f32.msk $0xffff, v7;
	v7 =	vmul.f32 v10, v35  }
0x483: {  	[tilespmem:v36+s21+$0x0] =	vst.idx.add.f32.msk $0xffff, v38  }
0x484: {  	[tilespmem:v36+s4+$0x0] =	vst.idx.add.f32.msk $0xffff, v33  }
0x485: {  	[tilespmem:v31+s4+$0x0] =	vst.idx.add.f32.msk $0xffff, v40  }
0x486: {  	v10 =	vld.idx.msk [tilespmem:v41+s10+$0x0], $0xffff  }
0x487: {  	v30 =	vld.idx.msk [tilespmem:v41+s5+$0x0], $0xffff  }
0x488: {  	s0 =	sor.u32 s6, s0;
	[tilespmem:v26+s20+$0x0] =	vst.idx.add.f32.msk $0xffff, v32  }
0x489: {  	v31 =	vld [tilespmem:s0+$0x0]  }
0x48a: {  	[tilespmem:v26+s21+$0x0] =	vst.idx.add.f32.msk $0xffff, v28  }
0x48b: {  	v28 =	vand.u32 $0xFFFF0000, v37;
	[tilespmem:v26+s4+$0x0] =	vst.idx.add.f32.msk $0xffff, v7  }
0x48c: {  	v7 =	vshll.u32 v37, $0x10;
	v26 =	vmul.f32 v28, v42;
	[tilespmem:v1+s7+$0x0] =	vst.idx.add.f32.msk $0xffff, v25  }
0x48d: {  	v7 =	vmul.f32 v7, v42;
	v25 =	vand.u32 $0xFFFF0000, v30;
	v28 =	vshll.u32 v30, $0x10;
	v6 =	vld.idx.msk [tilespmem:v6+s10+$0x0], $0xffff  }
0x48e: {  	[tilespmem:v23+s7+$0x0] =	vst.idx.add.f32.msk $0xffff, v26;
	v25 =	vmul.f32 v25, v31;
	v26 =	vmul.f32 v28, v31  }
0x48f: {  	[tilespmem:v23+s20+$0x0] =	vst.idx.add.f32.msk $0xffff, v7;
	v7 =	vand.u32 $0xFFFF0000, v10  }
0x490: {  	v10 =	vshll.u32 v10, $0x10;
	[tilespmem:v27+s7+$0x0] =	vst.idx.add.f32.msk $0xffff, v25;
	v7 =	vmul.f32 v7, v31  }
0x491: {  	v25 =	vand.u32 $0xFFFF0000, v29;
	v10 =	vmul.f32 v10, v31;
	[tilespmem:v27+s20+$0x0] =	vst.idx.add.f32.msk $0xffff, v26;
	v26 =	vand.u32 $0xFFFF0000, v24  }
0x492: {  	v28 =	vshll.u32 v29, $0x10;
	v25 =	vmul.f32 v25, v42;
	[tilespmem:v27+s21+$0x0] =	vst.idx.add.f32.msk $0xffff, v7;
	v7 =	vmul.f32 v26, v2  }
0x493: {  	v26 =	vmul.f32 v28, v42;
	[tilespmem:v27+s4+$0x0] =	vst.idx.add.f32.msk $0xffff, v10;
	v10 =	vand.u32 $0xFFFF0000, v6;
	v6 =	vshll.u32 v6, $0x10  }
0x494: {  	v24 =	vshll.u32 v24, $0x10;
	[tilespmem:v23+s21+$0x0] =	vst.idx.add.f32.msk $0xffff, v25;
	v10 =	vmul.f32 v10, v2;
	v6 =	vmul.f32 v6, v2  }
0x495: {  	v2 =	vmul.f32 v24, v2;
	[tilespmem:v23+s4+$0x0] =	vst.idx.add.f32.msk $0xffff, v26  }
0x496: {  	[tilespmem:v4+s7+$0x0] =	vst.idx.add.f32.msk $0xffff, v7  }
0x497: {  	[tilespmem:v8+s21+$0x0] =	vst.idx.add.f32.msk $0xffff, v16  }
0x498: {  	[tilespmem:v8+s4+$0x0] =	vst.idx.add.f32.msk $0xffff, v15  }
0x499: {  	[tilespmem:v17+s7+$0x0] =	vst.idx.add.f32.msk $0xffff, v18  }
0x49a: {  	[tilespmem:v17+s20+$0x0] =	vst.idx.add.f32.msk $0xffff, v20  }
0x49b: {  	[tilespmem:v3+s7+$0x0] =	vst.idx.add.f32.msk $0xffff, v11  }
0x49c: {  	[tilespmem:v3+s20+$0x0] =	vst.idx.add.f32.msk $0xffff, v13  }
0x49d: {  	[tilespmem:v3+s21+$0x0] =	vst.idx.add.f32.msk $0xffff, v9  }
0x49e: {  	[tilespmem:v4+s20+$0x0] =	vst.idx.add.f32.msk $0xffff, v2  }
0x49f: {  	[tilespmem:v4+s21+$0x0] =	vst.idx.add.f32.msk $0xffff, v10  }
0x4a0: {  	[tilespmem:v4+s4+$0x0] =	vst.idx.add.f32.msk $0xffff, v6  }
.Ltmp16:
0x4a1: {  	[tilespmem:v17+s21+$0x0] =	vst.idx.add.f32.msk $0xffff, v14;
	(pc) =	sbr.rel @p3 .LBB2_25-.Ltmp16, $4  }
0x4a2: {  	[tilespmem:v17+s4+$0x0] =	vst.idx.add.f32.msk $0xffff, v19  }
0x4a3: {  	s0 =	simm.s32 $0x1B040;
	[tilespmem:v3+s4+$0x0] =	vst.idx.add.f32.msk $0xffff, v22  }
0x4a4: {  	s9 =	simm.s32 $0x1B0C0;
	s8 =	simm.s32 $0x1F80;
	s6 =	simm.s32 $0x1DFC0;
	[tilespmem:v1+s20+$0x0] =	vst.idx.add.f32.msk $0xffff, v21  }
0x4a5: {  	s14 =	sadd.s32 $0x180, s14;
	s15 =	sadd.s32 $0xC0, s15;
	s12 =	simm.s32 $0xFB0;
	[tilespmem:v1+s21+$0x0] =	vst.idx.add.f32.msk $0xffff, v5  }
0x4a6: {  	_ =	sdelay $0x3  }
0x4a7: {  	[tilespmem:v1+s4+$0x0] =	vst.idx.add.f32.msk $0xffff, v12  }
.LBB2_27:
0x4a8: {  	s1 =	sand.u32 $0x3FFFFF00, s8  }
0x4a9: {  	s2 =	sadd.s32 s1, s0  }
0x4aa: {  	v1 =	vld [tilespmem:s2+$0x0];
	_ =	sdelay $0x5  }
0x4ab: {  	s1 =	sadd.s32 s1, s9  }
0x4ac: {  	v2 =	vld [tilespmem:s1+$0x0]  }
0x4ad: {  	v3 =	vld.idx.msk [tilespmem:v1+s5+$0x0], $0xffff  }
0x4ae: {  	v4 =	vld [tilespmem:s6+$0x0]  }
0x4af: {  	v1 =	vld.idx.msk [tilespmem:v1+s10+$0x0], $0xffff;
	_ =	sdelay $0x2  }
0x4b0: {  	s12 =	sadd.s32 $0x10, s12;
	v5 =	vand.u32 $0xFFFF0000, v3  }
0x4b1: {  	p3 =	slt.u32 s12, $0xFF0;
	v3 =	vshll.u32 v3, $0x10;
	v5 =	vmul.f32 v5, v4  }
.Ltmp17:
0x4b2: {  	v6 =	vand.u32 $0xFFFF0000, v1;
	v3 =	vmul.f32 v3, v4;
	(pc) =	sbr.rel @p3 .LBB2_27-.Ltmp17, $4  }
0x4b3: {  	v1 =	vshll.u32 v1, $0x10;
	v63 =	vmul.f32 v6, v4;
	[tilespmem:v2+s7+$0x0] =	vst.idx.add.f32.msk $0xffff, v5  }
0x4b4: {  	v1 =	vmul.f32 v1, v4;
	[tilespmem:v2+s20+$0x0] =	vst.idx.add.f32.msk $0xffff, v3  }
0x4b5: {  	s6 =	sadd.s32 $0x10, s6;
	[tilespmem:v2+s21+$0x0] =	vst.idx.add.f32.msk $0xffff, v63  }
0x4b6: {  	s8 =	sadd.s32 $0x20, s8;
	s9 =	sadd.s32 $0x10, s9;
	s0 =	sadd.s32 $0x10, s0;
	[tilespmem:v2+s4+$0x0] =	vst.idx.add.f32.msk $0xffff, v1  }
.Ltmp18:
0x4b7: {  	_ = 	snop;
	(pc) =	sbr.rel .LBB2_33-.Ltmp18, $1  }
0x4b8: {  	_ =	sdelay $0x3  }
.LBB2_28:
.Ltmp19:
0x4b9: {  	(pc) =	sbr.rel @p2 .LBB2_33-.Ltmp19, $1  }
0x4ba: {  	_ =	sdelay $0x3  }
0x4bb: {  	s0 =	rddreg [dreg:$0x6];
	s1 =	simm.s32 $0x18000  }
0x4bc: {  	[tilespmem:s1], [sflag:$0x1] =	stream.linear.gather [hbm4b:s0+s5], $0x2000, $0x38;
	[tilespmem:$0x1E000] =	vst v63  }
0x4bd: {  	s22 =	rddreg [dreg:$0x7];
	s23 =	simm.s32 $0x1A000;
	s24 =	simm.s32 $0x1  }
0x4be: {  	[tilespmem:s23], [sflag:$0x1] =	stream.linear.gather [hbm4b:s22+s5], $0x1000, $0x38;
	[tilespmem:$0x1E000] =	vst v63  }
0x4bf: {  	_ =	swait.ge [sflag:s24], $0x2000  }
0x4c0: {  	[sflag:s24] =	ssyncset.done $0x0  }
0x4c1: {  	[sflag:s24] =	ssyncadd.s32 $0xFFFFE000  }
0x4c2: {  	_ =	swait.ge [sflag:s24], $0x1000  }
0x4c3: {  	[sflag:s24] =	ssyncset.done $0x0  }
0x4c4: {  	s25 =	simm.s32 $0x1A060;
	[sflag:s24] =	ssyncadd.s32 $0xFFFFF000  }
0x4c5: {  	v5 =	vld [tilespmem:s25+$0xFFFFFFA0]  }
0x4c6: {  	v4 =	vld [tilespmem:s25+$0xFFFFFFE0]  }
0x4c7: {  	v7 =	vld [tilespmem:s25+$0x40]  }
0x4c8: {  	v10 =	vld [tilespmem:s25+$0x50]  }
0x4c9: {  	v2 =	vld [tilespmem:s25+$0x30]  }
0x4ca: {  	s2 =	simm.s32 $0x40;
	s3 =	simm.s32 $0x80;
	v3 =	vld [tilespmem:s25+$0x10]  }
0x4cb: {  	s26 =	simm.s32 $0x0;
	s2 =	sand.u32 $0x40, s2;
	s3 =	sand.u32 $0x3F00, s3;
	v19 =	vld [tilespmem:s25+$0xFFFFFFF0]  }
0x4cc: {  	s13 =	simm.s32 $0x0;
	s1 =	sand.u32 $0x1F00, s26;
	s2 =	sor.u32 s2, s3;
	v21 =	vld [tilespmem:s25+$0x0]  }
0x4cd: {  	s6 =	simm.s32 $0x120;
	s8 =	sand.u32 $0x40, s13;
	s1 =	sor.u32 $0x18000, s1;
	v13 =	vld [tilespmem:s2+$0x18000]  }
0x4ce: {  	s9 =	simm.s32 $0xC0;
	s29 =	simm.s32 $0x60;
	s11 =	sor.u32 s8, s1;
	v6 =	vld [tilespmem:s2+$0x18080]  }
0x4cf: {  	s28 =	simm.s32 $0x90;
	s9 =	sand.u32 $0x3F00, s9;
	s3 =	sand.u32 $0x60, s29;
	v9 =	vld [tilespmem:s11+$0x80]  }
0x4d0: {  	s6 =	sand.u32 $0x3F00, s6;
	s0 =	sand.u32 $0x50, s28;
	s3 =	sor.u32 s3, s9;
	v16 =	vld [tilespmem:s11+$0x0]  }
0x4d1: {  	s0 =	sor.u32 s0, s6;
	v22 =	vld [tilespmem:s3+$0x18080]  }
0x4d2: {  	v1 =	vld [tilespmem:s0+$0x18080]  }
0x4d3: {  	s17 =	sor.u32 $0x30, s8;
	v23 =	vld [tilespmem:s0+$0x18000]  }
0x4d4: {  	s19 =	sor.u32 $0x10, s8;
	s18 =	sor.u32 s17, s1;
	v17 =	vld [tilespmem:s3+$0x18000]  }
0x4d5: {  	s23 =	sor.u32 s19, s1;
	v15 =	vld [tilespmem:s18+$0x80]  }
0x4d6: {  	v28 =	vld [tilespmem:s23+$0x80]  }
0x4d7: {  	s30 =	simm.s32 $0x70;
	s24 =	sor.u32 $0x20, s8;
	v29 =	vld [tilespmem:s18+$0x0]  }
0x4d8: {  	s31 =	simm.s32 $0xE0;
	s12 =	simm.s32 $0x50;
	s1 =	sor.u32 s24, s1;
	v30 =	vld [tilespmem:s23+$0x0]  }
0x4d9: {  	s14 =	simm.s32 $0xA0;
	s9 =	sand.u32 $0x3F00, s31;
	s2 =	sand.u32 $0x70, s30;
	v31 =	vld [tilespmem:s1+$0x0]  }
0x4da: {  	s6 =	sand.u32 $0x3F00, s14;
	s11 =	sand.u32 $0x50, s12;
	s2 =	sor.u32 s2, s9;
	v32 =	vld [tilespmem:s1+$0x80]  }
0x4db: {  	s6 =	sor.u32 s11, s6;
	v8 =	vld [tilespmem:s2+$0x18080]  }
0x4dc: {  	s15 =	simm.s32 $0xA0;
	s16 =	simm.s32 $0x140;
	v24 =	vld [tilespmem:s6+$0x18000]  }
0x4dd: {  	s0 =	sand.u32 $0x3F00, s16;
	s9 =	sand.u32 $0x60, s15;
	v26 =	vld [tilespmem:s6+$0x18080]  }
0x4de: {  	s25 =	sand.u32 $0xF80, s13;
	s0 =	sor.u32 s9, s0;
	v27 =	vld [tilespmem:s2+$0x18000]  }
0x4df: {  	s26 =	sor.u32 $0x1A000, s25;
	v12 =	vld [tilespmem:s0+$0x18080]  }
0x4e0: {  	s22 =	simm.s32 $0x80;
	s3 =	sor.u32 s24, s26;
	v25 =	vld [tilespmem:s0+$0x18000]  }
0x4e1: {  	s2 =	sand.u32 $0x1F80, s22;
	s30 =	sor.u32 s19, s26;
	v33 =	vld [tilespmem:s3+$0x0]  }
0x4e2: {  	s28 =	simm.s32 $0x160;
	s29 =	simm.s32 $0xB0;
	s2 =	sor.u32 s8, s2;
	v34 =	vld [tilespmem:s30+$0x0]  }
0x4e3: {  	s1 =	sand.u32 $0x70, s29;
	s0 =	sor.u32 s17, s26;
	v11 =	vld [tilespmem:s2+$0x1A000];
	s2 =	sand.u32 $0x3F00, s28  }
0x4e4: {  	s31 =	simm.s32 $0x100;
	v60 =	vld [tilespmem:s0+$0x0];
	s1 =	sor.u32 s1, s2  }
0x4e5: {  	s2 =	sand.u32 $0x3F00, s31;
	v35 =	vld [tilespmem:s1+$0x18080]  }
0x4e6: {  	s2 =	sor.u32 s8, s2;
	v36 =	vld [tilespmem:s1+$0x18000]  }
0x4e7: {  	v37 =	vld [tilespmem:s2+$0x18000]  }
0x4e8: {  	v14 =	vld [tilespmem:s2+$0x18080]  }
0x4e9: {  	v18 =	vld.idx.msk [tilespmem:v13+s10+$0x0], $0xffff  }
0x4ea: {  	v20 =	vld.idx.msk [tilespmem:v13+s5+$0x0], $0xffff  }
0x4eb: {  	v38 =	vld.idx.msk [tilespmem:v16+s5+$0x0], $0xffff  }
0x4ec: {  	v13 =	vld.idx.msk [tilespmem:v23+s10+$0x0], $0xffff  }
0x4ed: {  	v40 =	vld.idx.msk [tilespmem:v16+s10+$0x0], $0xffff  }
0x4ee: {  	v41 =	vld.idx.msk [tilespmem:v17+s10+$0x0], $0xffff  }
0x4ef: {  	v42 =	vld.idx.msk [tilespmem:v17+s5+$0x0], $0xffff  }
0x4f0: {  	v44 =	vld.idx.msk [tilespmem:v29+s10+$0x0], $0xffff  }
0x4f1: {  	v50 =	vld.idx.msk [tilespmem:v30+s5+$0x0], $0xffff  }
0x4f2: {  	v30 =	vld.idx.msk [tilespmem:v30+s10+$0x0], $0xffff  }
0x4f3: {  	v29 =	vld.idx.msk [tilespmem:v29+s5+$0x0], $0xffff  }
0x4f4: {  	v43 =	vld.idx.msk [tilespmem:v24+s10+$0x0], $0xffff  }
0x4f5: {  	v17 =	vld.idx.msk [tilespmem:v27+s5+$0x0], $0xffff  }
0x4f6: {  	v24 =	vld.idx.msk [tilespmem:v24+s5+$0x0], $0xffff  }
0x4f7: {  	v39 =	vld.idx.msk [tilespmem:v25+s10+$0x0], $0xffff  }
0x4f8: {  	v25 =	vld.idx.msk [tilespmem:v25+s5+$0x0], $0xffff;
	v16 =	vand.u32 $0xFFFF0000, v38  }
0x4f9: {  	v45 =	vmul.f32 v16, v5;
	v16 =	vld.idx.msk [tilespmem:v23+s5+$0x0], $0xffff  }
0x4fa: {  	v56 =	vld.idx.msk [tilespmem:v36+s5+$0x0], $0xffff  }
0x4fb: {  	v46 =	vand.u32 $0xFFFF0000, v42;
	v52 =	vld.idx.msk [tilespmem:v37+s5+$0x0], $0xffff  }
0x4fc: {  	v47 =	vand.u32 $0xFFFF0000, v50;
	v48 =	vmul.f32 v46, v21;
	v37 =	vld.idx.msk [tilespmem:v37+s10+$0x0], $0xffff  }
0x4fd: {  	v38 =	vshll.u32 v38, $0x10;
	v47 =	vmul.f32 v47, v34;
	[tilespmem:v9+s7+$0x0] =	vst.idx.add.f32.msk $0xffff, v45  }
0x4fe: {  	v38 =	vmul.f32 v38, v5;
	v23 =	vshll.u32 v42, $0x10;
	[tilespmem:v22+s7+$0x0] =	vst.idx.add.f32.msk $0xffff, v48  }
0x4ff: {  	v23 =	vmul.f32 v23, v21;
	[tilespmem:v28+s7+$0x0] =	vst.idx.add.f32.msk $0xffff, v47  }
0x500: {  	[tilespmem:v9+s20+$0x0] =	vst.idx.add.f32.msk $0xffff, v38  }
0x501: {  	v57 =	vshll.u32 v50, $0x10;
	[tilespmem:v22+s20+$0x0] =	vst.idx.add.f32.msk $0xffff, v23  }
0x502: {  	v58 =	vmul.f32 v57, v34;
	v51 =	vand.u32 $0xFFFF0000, v24;
	v23 =	vld.idx.msk [tilespmem:v31+s10+$0x0], $0xffff  }
0x503: {  	v49 =	vand.u32 $0xFFFF0000, v41;
	v42 =	vmul.f32 v51, v19;
	v31 =	vld.idx.msk [tilespmem:v31+s5+$0x0], $0xffff  }
0x504: {  	v24 =	vshll.u32 v24, $0x10;
	v38 =	vmul.f32 v49, v21;
	[tilespmem:v28+s20+$0x0] =	vst.idx.add.f32.msk $0xffff, v58  }
0x505: {  	v41 =	vshll.u32 v41, $0x10;
	v24 =	vmul.f32 v24, v19;
	[tilespmem:v26+s7+$0x0] =	vst.idx.add.f32.msk $0xffff, v42  }
0x506: {  	v21 =	vmul.f32 v41, v21;
	[tilespmem:v22+s21+$0x0] =	vst.idx.add.f32.msk $0xffff, v38  }
0x507: {  	v53 =	vand.u32 $0xFFFF0000, v16;
	[tilespmem:v26+s20+$0x0] =	vst.idx.add.f32.msk $0xffff, v24  }
0x508: {  	v54 =	vand.u32 $0xFFFF0000, v43;
	v46 =	vmul.f32 v53, v2;
	[tilespmem:v22+s4+$0x0] =	vst.idx.add.f32.msk $0xffff, v21  }
0x509: {  	v55 =	vshll.u32 v43, $0x10;
	v21 =	vmul.f32 v54, v19;
	v22 =	vld.idx.msk [tilespmem:v27+s10+$0x0], $0xffff  }
0x50a: {  	v19 =	vmul.f32 v55, v19;
	[tilespmem:v1+s7+$0x0] =	vst.idx.add.f32.msk $0xffff, v46  }
0x50b: {  	v59 =	vand.u32 $0xFFFF0000, v52;
	[tilespmem:v26+s21+$0x0] =	vst.idx.add.f32.msk $0xffff, v21  }
0x50c: {  	v61 =	vand.u32 $0xFFFF0000, v31;
	[tilespmem:v26+s4+$0x0] =	vst.idx.add.f32.msk $0xffff, v19;
	v26 =	vmul.f32 v59, v11  }
0x50d: {  	v62 =	vand.u32 $0xFFFF0000, v30;
	v21 =	vld.idx.msk [tilespmem:v36+s10+$0x0], $0xffff;
	v36 =	vmul.f32 v61, v33  }
0x50e: {  	v31 =	vshll.u32 v31, $0x10;
	v19 =	vmul.f32 v62, v34;
	[tilespmem:v14+s7+$0x0] =	vst.idx.add.f32.msk $0xffff, v26  }
0x50f: {  	v63 =	vshll.u32 v30, $0x10;
	v31 =	vmul.f32 v31, v33;
	[tilespmem:v32+s7+$0x0] =	vst.idx.add.f32.msk $0xffff, v36  }
0x510: {  	v36 =	vand.u32 $0xFFFF0000, v23;
	v26 =	vmul.f32 v63, v34;
	[tilespmem:v28+s21+$0x0] =	vst.idx.add.f32.msk $0xffff, v19  }
0x511: {  	v23 =	vshll.u32 v23, $0x10;
	[tilespmem:v32+s20+$0x0] =	vst.idx.add.f32.msk $0xffff, v31;
	v30 =	vmul.f32 v36, v33  }
0x512: {  	v38 =	vmul.f32 v23, v33;
	v23 =	vand.u32 $0xFFFF0000, v56;
	[tilespmem:v28+s4+$0x0] =	vst.idx.add.f32.msk $0xffff, v26  }
0x513: {  	v24 =	vshll.u32 v56, $0x10;
	v23 =	vmul.f32 v23, v10;
	[tilespmem:v32+s21+$0x0] =	vst.idx.add.f32.msk $0xffff, v30  }
0x514: {  	v24 =	vmul.f32 v24, v10;
	v41 =	vand.u32 $0xFFFF0000, v21;
	[tilespmem:v32+s4+$0x0] =	vst.idx.add.f32.msk $0xffff, v38  }
0x515: {  	v21 =	vshll.u32 v21, $0x10;
	v19 =	vmul.f32 v41, v10;
	[tilespmem:v35+s7+$0x0] =	vst.idx.add.f32.msk $0xffff, v23  }
0x516: {  	v10 =	vmul.f32 v21, v10;
	v23 =	vand.u32 $0xFFFF0000, v29;
	[tilespmem:v35+s20+$0x0] =	vst.idx.add.f32.msk $0xffff, v24  }
0x517: {  	v21 =	vshll.u32 v29, $0x10;
	v23 =	vmul.f32 v23, v60;
	[tilespmem:v35+s21+$0x0] =	vst.idx.add.f32.msk $0xffff, v19  }
0x518: {  	v42 =	vand.u32 $0xFFFF0000, v44;
	v21 =	vmul.f32 v21, v60;
	[tilespmem:v35+s4+$0x0] =	vst.idx.add.f32.msk $0xffff, v10  }
0x519: {  	v43 =	vshll.u32 v44, $0x10;
	v19 =	vmul.f32 v42, v60;
	[tilespmem:v15+s7+$0x0] =	vst.idx.add.f32.msk $0xffff, v23  }
0x51a: {  	v10 =	vmul.f32 v43, v60;
	v60 =	vshll.u32 v16, $0x10;
	[tilespmem:v15+s20+$0x0] =	vst.idx.add.f32.msk $0xffff, v21  }
0x51b: {  	v21 =	vand.u32 $0xFFFF0000, v25;
	v61 =	vmul.f32 v60, v2;
	[tilespmem:v15+s21+$0x0] =	vst.idx.add.f32.msk $0xffff, v19  }
0x51c: {  	v23 =	vshll.u32 v25, $0x10;
	v44 =	vmul.f32 v21, v7;
	[tilespmem:v15+s4+$0x0] =	vst.idx.add.f32.msk $0xffff, v10  }
0x51d: {  	v49 =	vshll.u32 v52, $0x10;
	v46 =	vmul.f32 v23, v7;
	[tilespmem:v1+s20+$0x0] =	vst.idx.add.f32.msk $0xffff, v61  }
0x51e: {  	v21 =	vand.u32 $0xFFFF0000, v39;
	v10 =	vmul.f32 v49, v11;
	[tilespmem:v12+s7+$0x0] =	vst.idx.add.f32.msk $0xffff, v44  }
0x51f: {  	v15 =	vshll.u32 v39, $0x10;
	v47 =	vmul.f32 v21, v7;
	v21 =	vand.u32 $0xFFFF0000, v40;
	[tilespmem:v12+s20+$0x0] =	vst.idx.add.f32.msk $0xffff, v46  }
0x520: {  	v7 =	vmul.f32 v15, v7;
	v15 =	vmul.f32 v21, v5;
	[tilespmem:v14+s20+$0x0] =	vst.idx.add.f32.msk $0xffff, v10  }
0x521: {  	v48 =	vshll.u32 v40, $0x10;
	[tilespmem:v12+s21+$0x0] =	vst.idx.add.f32.msk $0xffff, v47  }
0x522: {  	v50 =	vand.u32 $0xFFFF0000, v20;
	v5 =	vmul.f32 v48, v5;
	[tilespmem:v9+s21+$0x0] =	vst.idx.add.f32.msk $0xffff, v15  }
0x523: {  	[tilespmem:v12+s4+$0x0] =	vst.idx.add.f32.msk $0xffff, v7;
	v12 =	vshll.u32 v20, $0x10;
	v7 =	vmul.f32 v50, v4  }
0x524: {  	v51 =	vand.u32 $0xFFFF0000, v18;
	[tilespmem:v9+s4+$0x0] =	vst.idx.add.f32.msk $0xffff, v5;
	v52 =	vmul.f32 v12, v4  }
0x525: {  	v54 =	vand.u32 $0xFFFF0000, v37;
	v5 =	vmul.f32 v51, v4;
	[tilespmem:v6+s7+$0x0] =	vst.idx.add.f32.msk $0xffff, v7  }
0x526: {  	v53 =	vshll.u32 v18, $0x10;
	v7 =	vmul.f32 v54, v11;
	[tilespmem:v6+s20+$0x0] =	vst.idx.add.f32.msk $0xffff, v52  }
0x527: {  	v55 =	vshll.u32 v37, $0x10;
	v4 =	vmul.f32 v53, v4;
	[tilespmem:v6+s21+$0x0] =	vst.idx.add.f32.msk $0xffff, v5  }
0x528: {  	v56 =	vand.u32 $0xFFFF0000, v17;
	v9 =	vmul.f32 v55, v11;
	[tilespmem:v14+s21+$0x0] =	vst.idx.add.f32.msk $0xffff, v7  }
0x529: {  	v57 =	vshll.u32 v17, $0x10;
	v5 =	vmul.f32 v56, v3;
	[tilespmem:v6+s4+$0x0] =	vst.idx.add.f32.msk $0xffff, v4  }
0x52a: {  	v58 =	vand.u32 $0xFFFF0000, v22;
	v4 =	vmul.f32 v57, v3;
	[tilespmem:v14+s4+$0x0] =	vst.idx.add.f32.msk $0xffff, v9  }
0x52b: {  	v59 =	vshll.u32 v22, $0x10;
	v6 =	vmul.f32 v58, v3;
	[tilespmem:v8+s7+$0x0] =	vst.idx.add.f32.msk $0xffff, v5  }
0x52c: {  	v3 =	vmul.f32 v59, v3;
	[tilespmem:v8+s20+$0x0] =	vst.idx.add.f32.msk $0xffff, v4  }
0x52d: {  	v62 =	vand.u32 $0xFFFF0000, v13;
	v63 =	vshll.u32 v13, $0x10;
	[tilespmem:v8+s21+$0x0] =	vst.idx.add.f32.msk $0xffff, v6  }
0x52e: {  	s14 =	simm.s32 $0x2E0;
	s15 =	simm.s32 $0x1A120;
	v21 =	vmul.f32 v63, v2;
	v15 =	vmul.f32 v62, v2;
	[tilespmem:v8+s4+$0x0] =	vst.idx.add.f32.msk $0xffff, v3  }
.LBB2_30:
0x52f: {  	s0 =	sadd.s32 $0xFFFFFEA0, s14  }
0x530: {  	s1 =	sadd.s32 $0x100, s13;
	s2 =	sadd.s32 $0xFFFFFF20, s14;
	[tilespmem:v1+s21+$0x0] =	vst.idx.add.f32.msk $0xffff, v15;
	s8 =	smov.u32 s13  }
0x531: {  	s18 =	sand.u32 $0x3F00, s14;
	s0 =	sand.u32 $0x1F00, s0;
	s1 =	sand.u32 $0x40, s1;
	[tilespmem:v1+s4+$0x0] =	vst.idx.add.f32.msk $0xffff, v21  }
0x532: {  	s2 =	sand.u32 $0x3F00, s2;
	s6 =	sor.u32 $0x18000, s0;
	v16 =	vld [tilespmem:s15+$0xFFFFFFA0];
	s0 =	sadd.s32 $0xFFFFFFC0, s14  }
0x533: {  	s13 =	sadd.s32 $0xC0, s13;
	s3 =	sadd.s32 $0xFFFFFF60, s14;
	s9 =	sadd.s32 $0x150, s8;
	v12 =	vld [tilespmem:s15+$0xFFFFFFE0]  }
0x534: {  	s16 =	sadd.s32 $0xFFFFFF80, s14;
	s11 =	sadd.s32 $0x130, s8;
	s12 =	sadd.s32 $0x170, s8;
	v2 =	vld [tilespmem:s15+$0x40]  }
0x535: {  	s19 =	sadd.s32 $0xFFFFFF40, s14;
	s17 =	sadd.s32 $0x110, s8;
	s22 =	sand.u32 $0x3F00, s0;
	v6 =	vld [tilespmem:s15+$0x50]  }
0x536: {  	s17 =	sand.u32 $0x50, s17;
	s9 =	sand.u32 $0x50, s9;
	s0 =	sadd.s32 $0x120, s8;
	v15 =	vld [tilespmem:s15+$0x30]  }
0x537: {  	s23 =	sand.u32 $0x3F00, s19;
	s24 =	sand.u32 $0x60, s0;
	s0 =	sand.u32 $0x70, s12;
	v10 =	vld [tilespmem:s15+$0x10]  }
0x538: {  	s3 =	sand.u32 $0x3F00, s3;
	s19 =	sadd.s32 $0xFFFFFFA0, s14;
	s12 =	sand.u32 $0x40, s13;
	v14 =	vld [tilespmem:s15+$0xFFFFFFF0]  }
0x539: {  	s1 =	sor.u32 s1, s2;
	s2 =	sand.u32 $0x3F00, s16;
	s19 =	sand.u32 $0x3F00, s19;
	v21 =	vld [tilespmem:s15+$0x0]  }
0x53a: {  	s11 =	sand.u32 $0x70, s11;
	s16 =	sor.u32 s17, s23;
	s3 =	sor.u32 s24, s3;
	v8 =	vld [tilespmem:s1+$0x18000]  }
0x53b: {  	s23 =	sand.u32 $0xF80, s13;
	s17 =	sor.u32 s12, s6;
	v3 =	vld [tilespmem:s1+$0x18080];
	s1 =	sor.u32 s11, s2  }
0x53c: {  	p3 =	slt.u32 s13, $0xF00;
	s2 =	sor.u32 s9, s22;
	v18 =	vld [tilespmem:s3+$0x18080]  }
0x53d: {  	v5 =	vld [tilespmem:s17+$0x80]  }
0x53e: {  	s9 =	sadd.s32 $0x160, s8;
	s11 =	sadd.s32 $0xFFFFFFE0, s14;
	v17 =	vld [tilespmem:s17+$0x0]  }
0x53f: {  	s9 =	sand.u32 $0x60, s9;
	s11 =	sand.u32 $0x3F00, s11;
	v1 =	vld [tilespmem:s2+$0x18080]  }
0x540: {  	s8 =	sadd.s32 $0x140, s8;
	s9 =	sor.u32 s9, s11;
	v4 =	vld [tilespmem:s1+$0x18080]  }
0x541: {  	s8 =	sand.u32 $0x1F80, s8;
	s11 =	sor.u32 $0x30, s12;
	v23 =	vld [tilespmem:s2+$0x18000]  }
0x542: {  	s17 =	sor.u32 s12, s8;
	s2 =	sor.u32 s11, s6;
	v24 =	vld [tilespmem:s16+$0x18000]  }
0x543: {  	v9 =	vld.idx.msk [tilespmem:v8+s10+$0x0], $0xffff  }
0x544: {  	s8 =	sor.u32 $0x10, s12;
	v7 =	vld [tilespmem:s9+$0x18080]  }
0x545: {  	s24 =	sor.u32 s8, s6;
	v19 =	vld [tilespmem:s9+$0x18000]  }
0x546: {  	v25 =	vld [tilespmem:s16+$0x18080]  }
0x547: {  	v26 =	vld [tilespmem:s3+$0x18000]  }
0x548: {  	v13 =	vld.idx.msk [tilespmem:v8+s5+$0x0], $0xffff  }
0x549: {  	v8 =	vand.u32 $0xFFFF0000, v9;
	v20 =	vshll.u32 v9, $0x10;
	v28 =	vld [tilespmem:s1+$0x18000]  }
0x54a: {  	v9 =	vmul.f32 v8, v12;
	v8 =	vmul.f32 v20, v12;
	v11 =	vld [tilespmem:s2+$0x80]  }
0x54b: {  	s1 =	sor.u32 $0x1A000, s23;
	v22 =	vld [tilespmem:s24+$0x80]  }
0x54c: {  	s3 =	sor.u32 $0x20, s12;
	s8 =	sor.u32 s8, s1;
	v27 =	vld.idx.msk [tilespmem:v17+s5+$0x0], $0xffff  }
0x54d: {  	s16 =	sor.u32 s3, s6;
	s22 =	sor.u32 s3, s1;
	v20 =	vld.idx.msk [tilespmem:v19+s10+$0x0], $0xffff  }
0x54e: {  	s9 =	sor.u32 s11, s1;
	v29 =	vand.u32 $0xFFFF0000, v13;
	v30 =	vshll.u32 v13, $0x10;
	v31 =	vld.idx.msk [tilespmem:v23+s10+$0x0], $0xffff  }
0x54f: {  	v13 =	vmul.f32 v29, v12;
	v12 =	vmul.f32 v30, v12;
	v32 =	vld [tilespmem:s2+$0x0]  }
0x550: {  	s6 =	sor.u32 s12, s19;
	v17 =	vld.idx.msk [tilespmem:v17+s10+$0x0], $0xffff  }
0x551: {  	v30 =	vld [tilespmem:s17+$0x1A000]  }
0x552: {  	v29 =	vand.u32 $0xFFFF0000, v27;
	v27 =	vshll.u32 v27, $0x10;
	v33 =	vld [tilespmem:s24+$0x0]  }
0x553: {  	v34 =	vmul.f32 v29, v16;
	v35 =	vmul.f32 v27, v16;
	v36 =	vld.idx.msk [tilespmem:v26+s10+$0x0], $0xffff  }
0x554: {  	v37 =	vld [tilespmem:s16+$0x0]  }
0x555: {  	v26 =	vld.idx.msk [tilespmem:v26+s5+$0x0], $0xffff  }
0x556: {  	v27 =	vand.u32 $0xFFFF0000, v17;
	v29 =	vshll.u32 v17, $0x10;
	v38 =	vld [tilespmem:s6+$0x18000]  }
0x557: {  	v17 =	vmul.f32 v27, v16;
	v16 =	vmul.f32 v29, v16;
	v39 =	vld.idx.msk [tilespmem:v24+s10+$0x0], $0xffff  }
0x558: {  	v40 =	vld.idx.msk [tilespmem:v28+s5+$0x0], $0xffff  }
0x559: {  	v41 =	vshll.u32 v36, $0x10;
	v29 =	vld [tilespmem:s16+$0x80]  }
0x55a: {  	v41 =	vmul.f32 v41, v21;
	v27 =	vld.idx.msk [tilespmem:v32+s10+$0x0], $0xffff  }
0x55b: {  	v42 =	vld.idx.msk [tilespmem:v24+s5+$0x0], $0xffff;
	v24 =	vand.u32 $0xFFFF0000, v26;
	v26 =	vshll.u32 v26, $0x10  }
0x55c: {  	v24 =	vmul.f32 v24, v21;
	v43 =	vld.idx.msk [tilespmem:v23+s5+$0x0], $0xffff  }
0x55d: {  	v23 =	vshll.u32 v39, $0x10;
	v26 =	vmul.f32 v26, v21;
	[tilespmem:v5+s7+$0x0] =	vst.idx.add.f32.msk $0xffff, v34  }
0x55e: {  	v34 =	vmul.f32 v23, v14;
	v23 =	vand.u32 $0xFFFF0000, v36;
	[tilespmem:v5+s20+$0x0] =	vst.idx.add.f32.msk $0xffff, v35;
	v35 =	vand.u32 $0xFFFF0000, v40  }
0x55f: {  	s0 =	sor.u32 s0, s18;
	v21 =	vmul.f32 v23, v21;
	[tilespmem:v18+s7+$0x0] =	vst.idx.add.f32.msk $0xffff, v24;
	v24 =	vshll.u32 v40, $0x10;
	v23 =	vmul.f32 v35, v10  }
0x560: {  	[tilespmem:v18+s20+$0x0] =	vst.idx.add.f32.msk $0xffff, v26;
	v24 =	vmul.f32 v24, v10  }
0x561: {  	v26 =	vand.u32 $0xFFFF0000, v42;
	v35 =	vshll.u32 v42, $0x10;
	[tilespmem:v18+s21+$0x0] =	vst.idx.add.f32.msk $0xffff, v21  }
0x562: {  	v40 =	vmul.f32 v26, v14;
	v35 =	vmul.f32 v35, v14;
	v21 =	vand.u32 $0xFFFF0000, v43;
	v36 =	vld.idx.msk [tilespmem:v37+s10+$0x0], $0xffff  }
0x563: {  	v26 =	vshll.u32 v43, $0x10;
	v43 =	vmul.f32 v21, v15;
	v42 =	vld [tilespmem:s22+$0x0]  }
0x564: {  	v26 =	vmul.f32 v26, v15;
	v44 =	vld.idx.msk [tilespmem:v33+s10+$0x0], $0xffff  }
0x565: {  	v37 =	vld.idx.msk [tilespmem:v37+s5+$0x0], $0xffff  }
0x566: {  	v33 =	vld.idx.msk [tilespmem:v33+s5+$0x0], $0xffff  }
0x567: {  	v45 =	vld.idx.msk [tilespmem:v38+s5+$0x0], $0xffff  }
0x568: {  	v47 =	vand.u32 $0xFFFF0000, v31;
	v21 =	vshll.u32 v31, $0x10;
	v46 =	vld [tilespmem:s8+$0x0]  }
0x569: {  	v21 =	vmul.f32 v21, v15;
	v31 =	vand.u32 $0xFFFF0000, v36;
	v48 =	vld [tilespmem:s0+$0x18080]  }
0x56a: {  	v36 =	vshll.u32 v36, $0x10;
	v31 =	vmul.f32 v31, v42;
	v49 =	vand.u32 $0xFFFF0000, v44;
	v38 =	vld.idx.msk [tilespmem:v38+s10+$0x0], $0xffff  }
0x56b: {  	v36 =	vmul.f32 v36, v42;
	v50 =	vand.u32 $0xFFFF0000, v37;
	v37 =	vshll.u32 v37, $0x10;
	v51 =	vld [tilespmem:s0+$0x18000]  }
0x56c: {  	v52 =	vand.u32 $0xFFFF0000, v33;
	v50 =	vmul.f32 v50, v42;
	v37 =	vmul.f32 v37, v42;
	v32 =	vld.idx.msk [tilespmem:v32+s5+$0x0], $0xffff  }
0x56d: {  	v33 =	vshll.u32 v33, $0x10;
	v42 =	vmul.f32 v52, v46;
	v49 =	vmul.f32 v49, v46;
	[tilespmem:v25+s7+$0x0] =	vst.idx.add.f32.msk $0xffff, v40  }
0x56e: {  	v15 =	vmul.f32 v47, v15;
	v40 =	vshll.u32 v44, $0x10;
	v33 =	vmul.f32 v33, v46;
	[tilespmem:v1+s7+$0x0] =	vst.idx.add.f32.msk $0xffff, v43  }
0x56f: {  	v44 =	vand.u32 $0xFFFF0000, v45;
	v45 =	vshll.u32 v45, $0x10;
	v40 =	vmul.f32 v40, v46;
	v43 =	vld [tilespmem:s6+$0x18080]  }
0x570: {  	[tilespmem:v22+s7+$0x0] =	vst.idx.add.f32.msk $0xffff, v42;
	v42 =	vmul.f32 v44, v30;
	v44 =	vmul.f32 v45, v30  }
0x571: {  	v39 =	vand.u32 $0xFFFF0000, v39;
	[tilespmem:v18+s4+$0x0] =	vst.idx.add.f32.msk $0xffff, v41  }
0x572: {  	v14 =	vmul.f32 v39, v14;
	v18 =	vld.idx.msk [tilespmem:v28+s10+$0x0], $0xffff  }
0x573: {  	[tilespmem:v25+s20+$0x0] =	vst.idx.add.f32.msk $0xffff, v35  }
0x574: {  	[tilespmem:v25+s21+$0x0] =	vst.idx.add.f32.msk $0xffff, v14  }
0x575: {  	v28 =	vshll.u32 v38, $0x10;
	v14 =	vand.u32 $0xFFFF0000, v38;
	v35 =	vld.idx.msk [tilespmem:v51+s10+$0x0], $0xffff  }
0x576: {  	v14 =	vmul.f32 v14, v30;
	v38 =	vld.idx.msk [tilespmem:v51+s5+$0x0], $0xffff  }
0x577: {  	[tilespmem:v25+s4+$0x0] =	vst.idx.add.f32.msk $0xffff, v34;
	v25 =	vmul.f32 v28, v30  }
0x578: {  	v30 =	vand.u32 $0xFFFF0000, v18;
	v18 =	vshll.u32 v18, $0x10;
	v28 =	vld [tilespmem:s9+$0x0]  }
0x579: {  	v30 =	vmul.f32 v30, v10;
	v10 =	vmul.f32 v18, v10;
	v18 =	vld.idx.msk [tilespmem:v19+s5+$0x0], $0xffff  }
0x57a: {  	[tilespmem:v22+s20+$0x0] =	vst.idx.add.f32.msk $0xffff, v33  }
0x57b: {  	[tilespmem:v43+s7+$0x0] =	vst.idx.add.f32.msk $0xffff, v42  }
0x57c: {  	[tilespmem:v29+s7+$0x0] =	vst.idx.add.f32.msk $0xffff, v50  }
0x57d: {  	[tilespmem:v29+s20+$0x0] =	vst.idx.add.f32.msk $0xffff, v37  }
0x57e: {  	[tilespmem:v22+s21+$0x0] =	vst.idx.add.f32.msk $0xffff, v49  }
0x57f: {  	v19 =	vand.u32 $0xFFFF0000, v38;
	[tilespmem:v22+s4+$0x0] =	vst.idx.add.f32.msk $0xffff, v40  }
0x580: {  	v19 =	vmul.f32 v19, v6;
	v22 =	vshll.u32 v38, $0x10;
	[tilespmem:v29+s21+$0x0] =	vst.idx.add.f32.msk $0xffff, v31  }
0x581: {  	v31 =	vshll.u32 v35, $0x10;
	v22 =	vmul.f32 v22, v6;
	[tilespmem:v29+s4+$0x0] =	vst.idx.add.f32.msk $0xffff, v36;
	v29 =	vand.u32 $0xFFFF0000, v35  }
0x582: {  	v33 =	vand.u32 $0xFFFF0000, v20;
	v20 =	vshll.u32 v20, $0x10;
	[tilespmem:v48+s7+$0x0] =	vst.idx.add.f32.msk $0xffff, v19;
	v19 =	vmul.f32 v29, v6  }
0x583: {  	v29 =	vand.u32 $0xFFFF0000, v32;
	v6 =	vmul.f32 v31, v6;
	[tilespmem:v48+s20+$0x0] =	vst.idx.add.f32.msk $0xffff, v22  }
0x584: {  	v22 =	vshll.u32 v32, $0x10;
	v29 =	vmul.f32 v29, v28;
	[tilespmem:v48+s21+$0x0] =	vst.idx.add.f32.msk $0xffff, v19  }
0x585: {  	v19 =	vand.u32 $0xFFFF0000, v27;
	v22 =	vmul.f32 v22, v28;
	[tilespmem:v48+s4+$0x0] =	vst.idx.add.f32.msk $0xffff, v6  }
0x586: {  	v6 =	vshll.u32 v27, $0x10;
	v19 =	vmul.f32 v19, v28;
	[tilespmem:v11+s7+$0x0] =	vst.idx.add.f32.msk $0xffff, v29  }
0x587: {  	v6 =	vmul.f32 v6, v28;
	[tilespmem:v11+s20+$0x0] =	vst.idx.add.f32.msk $0xffff, v22;
	v22 =	vand.u32 $0xFFFF0000, v18;
	v18 =	vshll.u32 v18, $0x10  }
0x588: {  	[tilespmem:v11+s21+$0x0] =	vst.idx.add.f32.msk $0xffff, v19;
	v19 =	vmul.f32 v22, v2  }
0x589: {  	[tilespmem:v11+s4+$0x0] =	vst.idx.add.f32.msk $0xffff, v6;
	v6 =	vmul.f32 v18, v2  }
0x58a: {  	v11 =	vmul.f32 v33, v2;
	[tilespmem:v7+s7+$0x0] =	vst.idx.add.f32.msk $0xffff, v19  }
0x58b: {  	v2 =	vmul.f32 v20, v2;
	[tilespmem:v7+s20+$0x0] =	vst.idx.add.f32.msk $0xffff, v6  }
0x58c: {  	[tilespmem:v7+s21+$0x0] =	vst.idx.add.f32.msk $0xffff, v11  }
0x58d: {  	[tilespmem:v7+s4+$0x0] =	vst.idx.add.f32.msk $0xffff, v2  }
0x58e: {  	[tilespmem:v5+s21+$0x0] =	vst.idx.add.f32.msk $0xffff, v17  }
0x58f: {  	[tilespmem:v5+s4+$0x0] =	vst.idx.add.f32.msk $0xffff, v16  }
0x590: {  	[tilespmem:v43+s20+$0x0] =	vst.idx.add.f32.msk $0xffff, v44  }
0x591: {  	[tilespmem:v3+s7+$0x0] =	vst.idx.add.f32.msk $0xffff, v13  }
0x592: {  	[tilespmem:v3+s20+$0x0] =	vst.idx.add.f32.msk $0xffff, v12  }
0x593: {  	[tilespmem:v3+s21+$0x0] =	vst.idx.add.f32.msk $0xffff, v9  }
0x594: {  	[tilespmem:v3+s4+$0x0] =	vst.idx.add.f32.msk $0xffff, v8  }
0x595: {  	[tilespmem:v43+s21+$0x0] =	vst.idx.add.f32.msk $0xffff, v14  }
0x596: {  	[tilespmem:v43+s4+$0x0] =	vst.idx.add.f32.msk $0xffff, v25  }
.Ltmp20:
0x597: {  	[tilespmem:v4+s7+$0x0] =	vst.idx.add.f32.msk $0xffff, v23;
	(pc) =	sbr.rel @p3 .LBB2_30-.Ltmp20, $4  }
0x598: {  	[tilespmem:v4+s20+$0x0] =	vst.idx.add.f32.msk $0xffff, v24  }
0x599: {  	s0 =	simm.s32 $0x18040;
	[tilespmem:v4+s21+$0x0] =	vst.idx.add.f32.msk $0xffff, v30  }
0x59a: {  	s8 =	simm.s32 $0x1F80;
	s6 =	simm.s32 $0x1AFC0;
	s9 =	simm.s32 $0x180C0;
	[tilespmem:v4+s4+$0x0] =	vst.idx.add.f32.msk $0xffff, v10  }
0x59b: {  	s15 =	sadd.s32 $0xC0, s15;
	s14 =	sadd.s32 $0x180, s14;
	s12 =	simm.s32 $0xFB0;
	[tilespmem:v1+s20+$0x0] =	vst.idx.add.f32.msk $0xffff, v26  }
0x59c: {  	_ =	sdelay $0x3  }
0x59d: {  	[tilespmem:v1+s21+$0x0] =	vst.idx.add.f32.msk $0xffff, v15  }
0x59e: {  	[tilespmem:v1+s4+$0x0] =	vst.idx.add.f32.msk $0xffff, v21  }
.LBB2_32:
0x59f: {  	s1 =	sand.u32 $0x3FFFFF00, s8  }
0x5a0: {  	s2 =	sadd.s32 s1, s0  }
0x5a1: {  	v1 =	vld [tilespmem:s2+$0x0];
	_ =	sdelay $0x5  }
0x5a2: {  	s1 =	sadd.s32 s1, s9  }
0x5a3: {  	v2 =	vld [tilespmem:s1+$0x0]  }
0x5a4: {  	v3 =	vld.idx.msk [tilespmem:v1+s5+$0x0], $0xffff  }
0x5a5: {  	v4 =	vld [tilespmem:s6+$0x0]  }
0x5a6: {  	v1 =	vld.idx.msk [tilespmem:v1+s10+$0x0], $0xffff;
	_ =	sdelay $0x2  }
0x5a7: {  	s12 =	sadd.s32 $0x10, s12;
	v5 =	vand.u32 $0xFFFF0000, v3  }
0x5a8: {  	p3 =	slt.u32 s12, $0xFF0;
	v3 =	vshll.u32 v3, $0x10;
	v5 =	vmul.f32 v5, v4  }
.Ltmp21:
0x5a9: {  	v6 =	vand.u32 $0xFFFF0000, v1;
	v3 =	vmul.f32 v3, v4;
	(pc) =	sbr.rel @p3 .LBB2_32-.Ltmp21, $4  }
0x5aa: {  	v1 =	vshll.u32 v1, $0x10;
	v63 =	vmul.f32 v6, v4;
	[tilespmem:v2+s7+$0x0] =	vst.idx.add.f32.msk $0xffff, v5  }
0x5ab: {  	v1 =	vmul.f32 v1, v4;
	[tilespmem:v2+s20+$0x0] =	vst.idx.add.f32.msk $0xffff, v3  }
0x5ac: {  	s6 =	sadd.s32 $0x10, s6;
	[tilespmem:v2+s21+$0x0] =	vst.idx.add.f32.msk $0xffff, v63  }
0x5ad: {  	s8 =	sadd.s32 $0x20, s8;
	s9 =	sadd.s32 $0x10, s9;
	s0 =	sadd.s32 $0x10, s0;
	[tilespmem:v2+s4+$0x0] =	vst.idx.add.f32.msk $0xffff, v1  }
.Ltmp22:
0x5ae: {  	_ = 	snop;
	(pc) =	sbr.rel .LBB2_33-.Ltmp22, $1  }
0x5af: {  	_ =	sdelay $0x3  }
.LBB2_34:
0x5b0: {  	_ =	sfence.sel $0x180000  }
0x5b1: {  	[bflag:$0x0] =	sbarrier.arrive $0xFFFF  }
0x5b2: {  	_ =	strace $0x90000047  }
0x5b3: {  	s0 =	stileid.u32;
	[bflag:$0x2] =	sbarrier.arrive $0xFFFF  }
0x5b4: {  	p0 =	sne.s32 s0, $0x0;
	s0 =	rddreg [dreg:$0x5]  }
0x5b5: {  	s0 =	sadd.s32 @!p0 $0x100000, s0  }
0x5b6: {  	[sflag:s0] =	ssyncadd.tile.s32 @!p0 $0x1;
	_ =	shalt  }
.Lfunc_end2:
_tile_overlayer_lowered:
.L_overlay_start_2:
0x5b7: {  	(tag) =	ssettag $0x2  }
0x5b8: {  	s0 =	rddreg [dreg:$0x0];
	s2 =	stileid.u32  }
0x5b9: {  	s1 =	rddreg [dreg:$0x1];
	p0 =	sne.s32 s2, $0x0  }
0x5ba: {  	s3 =	rddreg [dreg:$0x2];
	[bflag:$0x3] =	sbarrier.arrive $0xFFFF;
	s2 =	simm.s32 @!p0 $0x1C04  }
0x5bb: {  	[timem:s3], [sflag:s2] =	dma.local @!p0 [hbm:s0], s1  }
0x5bc: {  	s0 =	simm.s32 @!p0 $0x4  }
0x5bd: {  	_ =	swait.ge @!p0 [sflag:s0], s1  }
0x5be: {  	s1 =	ssub.s32 @!p0 $0x0, s1;
	[sflag:s0] =	ssyncset.done @!p0 $0x0  }
0x5bf: {  	[sflag:s0] =	ssyncadd.s32 @!p0 s1  }
0x5c0: {  	[bflag:$0x3] =	sbarrier.arrive $0xFFFF  }
0x5c1: {  	_ =	shalt  }

</sc_bundles>
